<compile_context>
chip_gen: v7x
topology: tpu7x:2x2x1
jax: 0.10.2.dev20260603
libtpu: 0.0.44.dev20260713+nightly
codegen_flags: <defaults>
</compile_context>

<pallas_src>
import functools

import jax
import jax.numpy as jnp
from jax import lax
from jax.experimental import pallas as pl
from jax.experimental.pallas import tpu as pltpu
from jax.experimental.pallas import tpu_sc as plsc

_N = 10000
_E = 320000
_F = 128
_H = 128
_C = 64

_NP = 10112

_NC = 2
_NS = 16
_NW = _NC * _NS
_EPW = _E // _NW
_K = 125
_NCHUNK = _EPW // _K
_RPT = _NP // _NS


def _make_agg(D, with_count, _NBUF, dtype=jnp.float32):
  mesh = plsc.VectorSubcoreMesh(
      core_axis_name="c", subcore_axis_name="s",
      num_cores=_NC, num_subcores=_NS)

  out_type = [jax.ShapeDtypeStruct((_NC, _NP, D), dtype)]
  scratch = [
      pltpu.VMEM((_NCHUNK, _K), jnp.int32),
      pltpu.VMEM((_NCHUNK, _K), jnp.int32),
  ] + [pltpu.VMEM((_K, D), dtype) for _ in range(_NBUF)] + [
      pltpu.VMEM_SHARED((_NP, D), dtype),
  ] + [pltpu.SemaphoreType.DMA for _ in range(_NBUF)]
  if with_count:
    out_type.append(jax.ShapeDtypeStruct((_NC, _NP, 16), jnp.float32))
    scratch += [
        pltpu.VMEM((_K, 16), jnp.float32),
        pltpu.VMEM((_RPT, 16), jnp.float32),
        pltpu.VMEM_SHARED((_NP, 16), jnp.float32),
    ]

  def body(table, e3, *rest):
    if with_count:
      (out_p, out_c, srcs_v, dsts_v, *rb) = rest
    else:
      (out_p, srcs_v, dsts_v, *rb) = rest
    rows = rb[:_NBUF]
    acc_sh = rb[_NBUF]
    gsems = rb[_NBUF + 1:2 * _NBUF + 1]
    if with_count:
      ones_v, zc_v, cnt_sh = rb[2 * _NBUF + 1:]
    cid = lax.axis_index("c")
    sid = lax.axis_index("s")
    wid = sid * _NC + cid
    row0 = sid * _RPT

    pltpu.sync_copy(e3.at[0, pl.ds(wid * _NCHUNK, _NCHUNK)], srcs_v)
    pltpu.sync_copy(e3.at[1, pl.ds(wid * _NCHUNK, _NCHUNK)], dsts_v)

    zlanes = 16 * 4 // jnp.dtype(dtype).itemsize
    def zfill(i, _):
      for c in range(D // zlanes):
        rows[0][i, pl.ds(c * zlanes, zlanes)] = jnp.zeros((zlanes,), dtype)
      return 0
    lax.fori_loop(0, _K, zfill, 0)
    for t in range(_RPT // _K):
      pltpu.sync_copy(rows[0], acc_sh.at[pl.ds(row0 + t * _K, _K)])
    rem = _RPT % _K
    if rem:
      pltpu.sync_copy(rows[0].at[pl.ds(0, rem)],
                      acc_sh.at[pl.ds(row0 + (_RPT // _K) * _K, rem)])

    if with_count:
      def ofill(i, _):
        ones_v[i, pl.ds(0, 16)] = jnp.ones((16,), jnp.float32)
        return 0
      lax.fori_loop(0, _K, ofill, 0)
      def zcfill(i, _):
        zc_v[i, pl.ds(0, 16)] = jnp.zeros((16,), jnp.float32)
        return 0
      lax.fori_loop(0, _RPT, zcfill, 0)
      pltpu.sync_copy(zc_v, cnt_sh.at[pl.ds(row0, _RPT)])

    plsc.subcore_barrier()

    for b in range(_NBUF):
      pltpu.async_copy(table.at[srcs_v.at[b]], rows[b], gsems[b])

    @pl.loop(0, _NCHUNK - _NBUF, step=_NBUF)
    def _steady(g):
      for b in range(_NBUF):
        j = g + b
        pltpu.make_async_copy(table.at[srcs_v.at[b]], rows[b], gsems[b]).wait()
        pltpu.sync_copy(rows[b], acc_sh.at[dsts_v.at[j]], add=True)
        if with_count:
          pltpu.sync_copy(ones_v, cnt_sh.at[dsts_v.at[j]], add=True)
        pltpu.async_copy(table.at[srcs_v.at[j + _NBUF]], rows[b], gsems[b])

    for b in range(_NBUF):
      j = _NCHUNK - _NBUF + b
      pltpu.make_async_copy(table.at[srcs_v.at[b]], rows[b], gsems[b]).wait()
      pltpu.sync_copy(rows[b], acc_sh.at[dsts_v.at[j]], add=True)
      if with_count:
        pltpu.sync_copy(ones_v, cnt_sh.at[dsts_v.at[j]], add=True)

    plsc.subcore_barrier()

    pltpu.sync_copy(acc_sh.at[pl.ds(row0, _RPT)],
                    out_p.at[cid, pl.ds(row0, _RPT)])
    if with_count:
      pltpu.sync_copy(cnt_sh.at[pl.ds(row0, _RPT)],
                      out_c.at[cid, pl.ds(row0, _RPT)])

  return pl.kernel(
      body, out_type=out_type, mesh=mesh, scratch_types=scratch,
      compiler_params=pltpu.CompilerParams(use_tc_tiling_on_sc=False))


_agg_c = _make_agg(128, with_count=True, _NBUF=4, dtype=jnp.bfloat16)
_agg_b = _make_agg(64, with_count=False, _NBUF=8, dtype=jnp.bfloat16)



_RB = 5056
_GRID = _NP // _RB


def _tc1_body(x_ref, wl_ref, wr_ref, a1_ref, r1_ref):
  x = x_ref[...]
  a1 = jnp.dot(x, wl_ref[...], preferred_element_type=jnp.float32)
  a1_ref[...] = a1.astype(jnp.bfloat16)
  r1 = jnp.dot(x, wr_ref[...], preferred_element_type=jnp.float32)
  r1_ref[...] = r1.astype(jnp.bfloat16)


_tc1 = pl.pallas_call(
    _tc1_body,
    grid=(_GRID,),
    in_specs=[
        pl.BlockSpec((_RB, _F), lambda i: (i, 0)),
        pl.BlockSpec((_F, _H), lambda i: (0, 0)),
        pl.BlockSpec((_F, _H), lambda i: (0, 0)),
    ],
    out_specs=[
        pl.BlockSpec((_RB, _H), lambda i: (i, 0)),
        pl.BlockSpec((_RB, _H), lambda i: (i, 0)),
    ],
    out_shape=[
        jax.ShapeDtypeStruct((_NP, _H), jnp.bfloat16),
        jax.ShapeDtypeStruct((_NP, _H), jnp.bfloat16),
    ],
)


def _tc2_body(p_ref, c_ref, r1_ref, b1_ref, wl_ref, wr_ref,
              a2_ref, r2_ref):
  s1 = p_ref[0].astype(jnp.float32) + p_ref[1].astype(jnp.float32)
  cnt = jnp.max(c_ref[0] + c_ref[1], axis=1, keepdims=True)
  mean = s1 / jnp.maximum(cnt, 1.0)
  h = jnp.maximum(mean + r1_ref[...].astype(jnp.float32) + b1_ref[...], 0.0)
  a2 = jnp.dot(h, wl_ref[...], preferred_element_type=jnp.float32)
  a2_ref[...] = a2.astype(jnp.bfloat16)
  r2 = jnp.dot(h, wr_ref[...], preferred_element_type=jnp.float32)
  r2_ref[...] = r2.astype(jnp.bfloat16)


_tc2 = pl.pallas_call(
    _tc2_body,
    grid=(_GRID,),
    in_specs=[
        pl.BlockSpec((_NC, _RB, _H), lambda i: (0, i, 0)),
        pl.BlockSpec((_NC, _RB, 16), lambda i: (0, i, 0)),
        pl.BlockSpec((_RB, _H), lambda i: (i, 0)),
        pl.BlockSpec((1, _H), lambda i: (0, 0)),
        pl.BlockSpec((_H, _C), lambda i: (0, 0)),
        pl.BlockSpec((_H, _C), lambda i: (0, 0)),
    ],
    out_specs=[
        pl.BlockSpec((_RB, _C), lambda i: (i, 0)),
        pl.BlockSpec((_RB, _C), lambda i: (i, 0)),
    ],
    out_shape=[
        jax.ShapeDtypeStruct((_NP, _C), jnp.bfloat16),
        jax.ShapeDtypeStruct((_NP, _C), jnp.bfloat16),
    ],
)


def _tc3_body(q_ref, c_ref, r2_ref, b2_ref, out_ref):
  s2 = q_ref[0].astype(jnp.float32) + q_ref[1].astype(jnp.float32)
  cnt = jnp.max(c_ref[0] + c_ref[1], axis=1, keepdims=True)
  o = (s2 / jnp.maximum(cnt, 1.0) + r2_ref[...].astype(jnp.float32)
       + b2_ref[...])
  m = jnp.max(o, axis=1, keepdims=True)
  lse = jnp.log(jnp.sum(jnp.exp(o - m), axis=1, keepdims=True)) + m
  out_ref[...] = o - lse


_tc3 = pl.pallas_call(
    _tc3_body,
    grid=(_GRID,),
    in_specs=[
        pl.BlockSpec((_NC, _RB, _C), lambda i: (0, i, 0)),
        pl.BlockSpec((_NC, _RB, 16), lambda i: (0, i, 0)),
        pl.BlockSpec((_RB, _C), lambda i: (i, 0)),
        pl.BlockSpec((1, _C), lambda i: (0, 0)),
    ],
    out_specs=pl.BlockSpec((_RB, _C), lambda i: (i, 0)),
    out_shape=jax.ShapeDtypeStruct((_NP, _C), jnp.float32),
)


@jax.jit
def kernel(x, edge_index, W1_l, W1_r, b1, W2_l, W2_r, b2):
  e3 = edge_index.reshape(2, _E // _K, _K)
  x_p = jnp.pad(x, ((0, _NP - _N), (0, 0)))
  a1, r1 = _tc1(x_p, W1_l, W1_r)
  p, c = _agg_c(a1, e3)
  a2, r2 = _tc2(p, c, r1, b1.reshape(1, _H), W2_l, W2_r)
  (q,) = _agg_b(a2, e3)
  out = _tc3(q, c, r2, b2.reshape(1, _C))
  return out[:_N]

# --- scband reference (transcript-rebuilt; emitter-appended) ---
"""Pipeline reference for scband-net-16673063043119 (READ-ONLY COPY).

The authoritative reference and input builder live on the scoring server;
editing this copy changes nothing except your own understanding.
"""

import jax, jax.numpy as jnp
import numpy as np

N = 10000
E = 320000
F_IN = 128
H = 128
C = 64


def _glorot(key, shape):
    fan_in, fan_out = shape[0], shape[1]
    scale = jnp.sqrt(6.0 / (fan_in + fan_out))
    return jax.random.uniform(key, shape, dtype=jnp.float32, minval=-scale, maxval=scale)


def setup_inputs(seed: int = 0) -> dict:
    key = jax.random.key(seed)
    ks = jax.random.split(key, 8)
    x = jax.random.normal(ks[0], (N, F_IN), dtype=jnp.float32)
    edge_index = jax.random.randint(ks[1], (2, E), 0, N, dtype=jnp.int32)
    W1_l = _glorot(ks[2], (F_IN, H))
    W1_r = _glorot(ks[3], (F_IN, H))
    b1 = jnp.zeros((H,), dtype=jnp.float32)
    W2_l = _glorot(ks[4], (H, C))
    W2_r = _glorot(ks[5], (H, C))
    b2 = jnp.zeros((C,), dtype=jnp.float32)
    return {"x": x, "edge_index": edge_index, "W1_l": W1_l, "W1_r": W1_r,
            "b1": b1, "W2_l": W2_l, "W2_r": W2_r, "b2": b2}


def _sage_conv(x, edge_index, W_l, W_r, b):
    # PyG SAGEConv (aggr='mean', normalize=False):
    #   out = lin_l(mean_{j in N(i)} x_j) + lin_r(x_i)
    src = edge_index[0]
    dst = edge_index[1]
    msgs = jnp.take(x, src, axis=0)                       # gather [E, d]
    summed = jax.ops.segment_sum(msgs, dst, num_segments=x.shape[0])
    cnt = jax.ops.segment_sum(jnp.ones((edge_index.shape[1],), jnp.float32),
                              dst, num_segments=x.shape[0])
    mean = summed / jnp.maximum(cnt, 1.0)[:, None]
    return mean @ W_l + b + x @ W_r


def reference(x, edge_index, W1_l, W1_r, b1, W2_l, W2_r, b2):
    h = jax.nn.relu(_sage_conv(x, edge_index, W1_l, W1_r, b1))
    # dropout is identity in eval mode
    out = _sage_conv(h, edge_index, W2_l, W2_r, b2)
    return jax.nn.log_softmax(out, axis=1)

if __name__ == "__main__":
    import jax
    _d = setup_inputs()
    print(jax.jit(kernel)(*tuple(_d.values())))

</pallas_src>

<mosaic_0001>
#map = affine_map<(d0, d1) -> (0, 0)>
#map1 = affine_map<(d0, d1) -> (0, 0, 0)>
module attributes {stable_mosaic.version = 14 : i64} {
  func.func @body(%arg0: i32, %arg1: i32, %arg2: memref<10112x64xbf16, #tpu.memory_space<hbm>>, %arg3: memref<2x2560x125xi32, #tpu.memory_space<hbm>>, %arg4: memref<2x10112x64xbf16, #tpu.memory_space<hbm>>, %arg5: memref<80x125xi32, #tpu.memory_space<vmem>>, %arg6: memref<80x125xi32, #tpu.memory_space<vmem>>, %arg7: memref<125x64xbf16, #tpu.memory_space<vmem>>, %arg8: memref<125x64xbf16, #tpu.memory_space<vmem>>, %arg9: memref<125x64xbf16, #tpu.memory_space<vmem>>, %arg10: memref<125x64xbf16, #tpu.memory_space<vmem>>, %arg11: memref<125x64xbf16, #tpu.memory_space<vmem>>, %arg12: memref<125x64xbf16, #tpu.memory_space<vmem>>, %arg13: memref<125x64xbf16, #tpu.memory_space<vmem>>, %arg14: memref<125x64xbf16, #tpu.memory_space<vmem>>, %arg15: memref<10112x64xbf16, #tpu.memory_space<vmem_shared>>, %arg16: memref<!tpu.dma_semaphore, #tpu.memory_space<semaphore_mem>>, %arg17: memref<!tpu.dma_semaphore, #tpu.memory_space<semaphore_mem>>, %arg18: memref<!tpu.dma_semaphore, #tpu.memory_space<semaphore_mem>>, %arg19: memref<!tpu.dma_semaphore, #tpu.memory_space<semaphore_mem>>, %arg20: memref<!tpu.dma_semaphore, #tpu.memory_space<semaphore_mem>>, %arg21: memref<!tpu.dma_semaphore, #tpu.memory_space<semaphore_mem>>, %arg22: memref<!tpu.dma_semaphore, #tpu.memory_space<semaphore_mem>>, %arg23: memref<!tpu.dma_semaphore, #tpu.memory_space<semaphore_mem>>) attributes {dimension_semantics = [#tpu.dimension_semantics<core_parallel>, #tpu.dimension_semantics<subcore_parallel>], iteration_bounds = array<i64: 2, 16>, scalar_prefetch = 0 : i64, scratch_operands = 19 : i64, tpu.core_type = #tpu.core_type<sc_vector_subcore>, window_params = [{transform_indices = #map}, {transform_indices = #map1}, {transform_indices = #map1}]} {
    %mul3A = arith.constant 2 : i32
    %mul3A_0 = arith.muli %arg1, %mul3A : i32
    %add3A = arith.addi %mul3A_0, %arg0 : i32
    %mul3A_1 = arith.constant 632 : i32
    %mul3A_2 = arith.muli %arg1, %mul3A_1 : i32
    %mul3A_3 = arith.constant 80 : i32
    %mul3A_4 = arith.muli %add3A, %mul3A_3 : i32
    %run_scoped3A = arith.constant 0 : i32
    "tpu.region"() ({
      %run_scoped3A_150 = tpu.sem_alloc : memref<!tpu.dma_semaphore, #tpu.memory_space<semaphore_mem>>
      %dma_start3A_151 = arith.constant 0 : i32
      %dma_start3A_152 = tpu.memref_slice %arg3[%run_scoped3A, %mul3A_4, %dma_start3A_151] : memref<2x2560x125xi32, #tpu.memory_space<hbm>> -> memref<1x80x125xi32, #tpu.memory_space<hbm>>
      %dma_start3A_153 = tpu.memref_squeeze %dma_start3A_152 : memref<1x80x125xi32, #tpu.memory_space<hbm>> -> memref<80x125xi32, #tpu.memory_space<hbm>>
      %dma_start3A_154 = arith.constant 0 : i32
      %dma_start3A_155 = tpu.memref_slice %arg3[%run_scoped3A, %mul3A_4, %dma_start3A_154] : memref<2x2560x125xi32, #tpu.memory_space<hbm>> -> memref<1x80x125xi32, #tpu.memory_space<hbm>>
      %dma_start3A_156 = tpu.memref_squeeze %dma_start3A_155 : memref<1x80x125xi32, #tpu.memory_space<hbm>> -> memref<80x125xi32, #tpu.memory_space<hbm>>
      tpu.enqueue_dma source(%dma_start3A_156 : memref<80x125xi32, #tpu.memory_space<hbm>>) target(%arg5 : memref<80x125xi32, #tpu.memory_space<vmem>>) target_semaphore(%run_scoped3A_150 : memref<!tpu.dma_semaphore, #tpu.memory_space<semaphore_mem>>)
      %dma_wait3A_157 = arith.constant 0 : i32
      %dma_wait3A_158 = tpu.memref_slice %arg3[%run_scoped3A, %mul3A_4, %dma_wait3A_157] : memref<2x2560x125xi32, #tpu.memory_space<hbm>> -> memref<1x80x125xi32, #tpu.memory_space<hbm>>
      %dma_wait3A_159 = tpu.memref_squeeze %dma_wait3A_158 : memref<1x80x125xi32, #tpu.memory_space<hbm>> -> memref<80x125xi32, #tpu.memory_space<hbm>>
      %dma_wait3A_160 = arith.constant 0 : i32
      %dma_wait3A_161 = tpu.memref_slice %arg3[%run_scoped3A, %mul3A_4, %dma_wait3A_160] : memref<2x2560x125xi32, #tpu.memory_space<hbm>> -> memref<1x80x125xi32, #tpu.memory_space<hbm>>
      %dma_wait3A_162 = tpu.memref_squeeze %dma_wait3A_161 : memref<1x80x125xi32, #tpu.memory_space<hbm>> -> memref<80x125xi32, #tpu.memory_space<hbm>>
      tpu.wait_dma2 semaphore(%run_scoped3A_150 : memref<!tpu.dma_semaphore, #tpu.memory_space<semaphore_mem>>) src(%dma_wait3A_162 : memref<80x125xi32, #tpu.memory_space<hbm>>) dst(%arg5 : memref<80x125xi32, #tpu.memory_space<vmem>>)
      tpu.yield
    }) : () -> ()
    %mul3A_5 = arith.constant 80 : i32
    %mul3A_6 = arith.muli %add3A, %mul3A_5 : i32
    %run_scoped3A_7 = arith.constant 1 : i32
    "tpu.region"() ({
      %run_scoped3A_150 = tpu.sem_alloc : memref<!tpu.dma_semaphore, #tpu.memory_space<semaphore_mem>>
      %dma_start3A_151 = arith.constant 0 : i32
      %dma_start3A_152 = tpu.memref_slice %arg3[%run_scoped3A_7, %mul3A_6, %dma_start3A_151] : memref<2x2560x125xi32, #tpu.memory_space<hbm>> -> memref<1x80x125xi32, #tpu.memory_space<hbm>>
      %dma_start3A_153 = tpu.memref_squeeze %dma_start3A_152 : memref<1x80x125xi32, #tpu.memory_space<hbm>> -> memref<80x125xi32, #tpu.memory_space<hbm>>
      %dma_start3A_154 = arith.constant 0 : i32
      %dma_start3A_155 = tpu.memref_slice %arg3[%run_scoped3A_7, %mul3A_6, %dma_start3A_154] : memref<2x2560x125xi32, #tpu.memory_space<hbm>> -> memref<1x80x125xi32, #tpu.memory_space<hbm>>
      %dma_start3A_156 = tpu.memref_squeeze %dma_start3A_155 : memref<1x80x125xi32, #tpu.memory_space<hbm>> -> memref<80x125xi32, #tpu.memory_space<hbm>>
      tpu.enqueue_dma source(%dma_start3A_156 : memref<80x125xi32, #tpu.memory_space<hbm>>) target(%arg6 : memref<80x125xi32, #tpu.memory_space<vmem>>) target_semaphore(%run_scoped3A_150 : memref<!tpu.dma_semaphore, #tpu.memory_space<semaphore_mem>>)
      %dma_wait3A_157 = arith.constant 0 : i32
      %dma_wait3A_158 = tpu.memref_slice %arg3[%run_scoped3A_7, %mul3A_6, %dma_wait3A_157] : memref<2x2560x125xi32, #tpu.memory_space<hbm>> -> memref<1x80x125xi32, #tpu.memory_space<hbm>>
      %dma_wait3A_159 = tpu.memref_squeeze %dma_wait3A_158 : memref<1x80x125xi32, #tpu.memory_space<hbm>> -> memref<80x125xi32, #tpu.memory_space<hbm>>
      %dma_wait3A_160 = arith.constant 0 : i32
      %dma_wait3A_161 = tpu.memref_slice %arg3[%run_scoped3A_7, %mul3A_6, %dma_wait3A_160] : memref<2x2560x125xi32, #tpu.memory_space<hbm>> -> memref<1x80x125xi32, #tpu.memory_space<hbm>>
      %dma_wait3A_162 = tpu.memref_squeeze %dma_wait3A_161 : memref<1x80x125xi32, #tpu.memory_space<hbm>> -> memref<80x125xi32, #tpu.memory_space<hbm>>
      tpu.wait_dma2 semaphore(%run_scoped3A_150 : memref<!tpu.dma_semaphore, #tpu.memory_space<semaphore_mem>>) src(%dma_wait3A_162 : memref<80x125xi32, #tpu.memory_space<hbm>>) dst(%arg6 : memref<80x125xi32, #tpu.memory_space<vmem>>)
      tpu.yield
    }) : () -> ()
    %scan3A = arith.constant 0 : i32
    %scan3A_8 = arith.constant 0 : i32
    %scan3A_9 = arith.constant 125 : i32
    %scan3A_10 = arith.addi %scan3A_8, %scan3A_9 : i32
    %scan3A_11 = arith.constant 1 : i32
    %scan3A_12 = scf.for %scan3A_150 = %scan3A_8 to %scan3A_10 step %scan3A_11 iter_args(%scan3A_151 = %scan3A) -> (i32)  : i32 {
      %broadcast_in_dim3A = arith.constant 0.000000e+00 : bf16
      %broadcast_in_dim3A_152 = vector.broadcast %broadcast_in_dim3A : bf16 to vector<32xbf16>
      %swap3A = arith.index_cast %scan3A_150 : i32 to index
      %swap3A_153 = arith.constant 0 : index
      %swap3A_154 = tpu.vector_load %arg7[%swap3A, %swap3A_153] {strides = array<i32>} : memref<125x64xbf16, #tpu.memory_space<vmem>>, vector<1x32xbf16>,
      %swap3A_155 = vector.shape_cast %swap3A_154 : vector<1x32xbf16> to vector<32xbf16>
      %swap3A_156 = vector.shape_cast %broadcast_in_dim3A_152 : vector<32xbf16> to vector<1x32xbf16>
      tpu.vector_store %arg7[%swap3A, %swap3A_153], %swap3A_156 {strides = array<i32>} : memref<125x64xbf16, #tpu.memory_space<vmem>>, vector<1x32xbf16>,
      %broadcast_in_dim3A_157 = arith.constant 0.000000e+00 : bf16
      %broadcast_in_dim3A_158 = vector.broadcast %broadcast_in_dim3A_157 : bf16 to vector<32xbf16>
      %swap3A_159 = arith.index_cast %scan3A_150 : i32 to index
      %swap3A_160 = arith.constant 32 : index
      %swap3A_161 = tpu.vector_load %arg7[%swap3A_159, %swap3A_160] {strides = array<i32>} : memref<125x64xbf16, #tpu.memory_space<vmem>>, vector<1x32xbf16>,
      %swap3A_162 = vector.shape_cast %swap3A_161 : vector<1x32xbf16> to vector<32xbf16>
      %swap3A_163 = vector.shape_cast %broadcast_in_dim3A_158 : vector<32xbf16> to vector<1x32xbf16>
      tpu.vector_store %arg7[%swap3A_159, %swap3A_160], %swap3A_163 {strides = array<i32>} : memref<125x64xbf16, #tpu.memory_space<vmem>>, vector<1x32xbf16>,
      %scan3A_164 = arith.constant 0 : i32
      scf.yield %scan3A_164 : i32
    }
    %scan3A_13 = arith.constant 125 : i32
    %add3A_14 = arith.constant 0 : i32
    %add3A_15 = arith.addi %mul3A_2, %add3A_14 : i32
    "tpu.region"() ({
      %run_scoped3A_150 = tpu.sem_alloc : memref<!tpu.dma_semaphore, #tpu.memory_space<semaphore_mem>>
      %dma_start3A_151 = arith.constant 0 : i32
      %dma_start3A_152 = tpu.memref_slice %arg15[%add3A_15, %dma_start3A_151] : memref<10112x64xbf16, #tpu.memory_space<vmem_shared>> -> memref<125x64xbf16, #tpu.memory_space<vmem_shared>>
      %dma_start3A_153 = arith.constant 0 : i32
      %dma_start3A_154 = tpu.memref_slice %arg15[%add3A_15, %dma_start3A_153] : memref<10112x64xbf16, #tpu.memory_space<vmem_shared>> -> memref<125x64xbf16, #tpu.memory_space<vmem_shared>>
      tpu.enqueue_dma source(%arg7 : memref<125x64xbf16, #tpu.memory_space<vmem>>) target(%dma_start3A_154 : memref<125x64xbf16, #tpu.memory_space<vmem_shared>>) target_semaphore(%run_scoped3A_150 : memref<!tpu.dma_semaphore, #tpu.memory_space<semaphore_mem>>)
      %dma_wait3A_155 = arith.constant 0 : i32
      %dma_wait3A_156 = tpu.memref_slice %arg15[%add3A_15, %dma_wait3A_155] : memref<10112x64xbf16, #tpu.memory_space<vmem_shared>> -> memref<125x64xbf16, #tpu.memory_space<vmem_shared>>
      %dma_wait3A_157 = arith.constant 0 : i32
      %dma_wait3A_158 = tpu.memref_slice %arg15[%add3A_15, %dma_wait3A_157] : memref<10112x64xbf16, #tpu.memory_space<vmem_shared>> -> memref<125x64xbf16, #tpu.memory_space<vmem_shared>>
      tpu.wait_dma2 semaphore(%run_scoped3A_150 : memref<!tpu.dma_semaphore, #tpu.memory_space<semaphore_mem>>) src(%arg7 : memref<125x64xbf16, #tpu.memory_space<vmem>>) dst(%dma_wait3A_158 : memref<125x64xbf16, #tpu.memory_space<vmem_shared>>)
      tpu.yield
    }) : () -> ()
    %add3A_16 = arith.constant 125 : i32
    %add3A_17 = arith.addi %mul3A_2, %add3A_16 : i32
    "tpu.region"() ({
      %run_scoped3A_150 = tpu.sem_alloc : memref<!tpu.dma_semaphore, #tpu.memory_space<semaphore_mem>>
      %dma_start3A_151 = arith.constant 0 : i32
      %dma_start3A_152 = tpu.memref_slice %arg15[%add3A_17, %dma_start3A_151] : memref<10112x64xbf16, #tpu.memory_space<vmem_shared>> -> memref<125x64xbf16, #tpu.memory_space<vmem_shared>>
      %dma_start3A_153 = arith.constant 0 : i32
      %dma_start3A_154 = tpu.memref_slice %arg15[%add3A_17, %dma_start3A_153] : memref<10112x64xbf16, #tpu.memory_space<vmem_shared>> -> memref<125x64xbf16, #tpu.memory_space<vmem_shared>>
      tpu.enqueue_dma source(%arg7 : memref<125x64xbf16, #tpu.memory_space<vmem>>) target(%dma_start3A_154 : memref<125x64xbf16, #tpu.memory_space<vmem_shared>>) target_semaphore(%run_scoped3A_150 : memref<!tpu.dma_semaphore, #tpu.memory_space<semaphore_mem>>)
      %dma_wait3A_155 = arith.constant 0 : i32
      %dma_wait3A_156 = tpu.memref_slice %arg15[%add3A_17, %dma_wait3A_155] : memref<10112x64xbf16, #tpu.memory_space<vmem_shared>> -> memref<125x64xbf16, #tpu.memory_space<vmem_shared>>
      %dma_wait3A_157 = arith.constant 0 : i32
      %dma_wait3A_158 = tpu.memref_slice %arg15[%add3A_17, %dma_wait3A_157] : memref<10112x64xbf16, #tpu.memory_space<vmem_shared>> -> memref<125x64xbf16, #tpu.memory_space<vmem_shared>>
      tpu.wait_dma2 semaphore(%run_scoped3A_150 : memref<!tpu.dma_semaphore, #tpu.memory_space<semaphore_mem>>) src(%arg7 : memref<125x64xbf16, #tpu.memory_space<vmem>>) dst(%dma_wait3A_158 : memref<125x64xbf16, #tpu.memory_space<vmem_shared>>)
      tpu.yield
    }) : () -> ()
    %add3A_18 = arith.constant 250 : i32
    %add3A_19 = arith.addi %mul3A_2, %add3A_18 : i32
    "tpu.region"() ({
      %run_scoped3A_150 = tpu.sem_alloc : memref<!tpu.dma_semaphore, #tpu.memory_space<semaphore_mem>>
      %dma_start3A_151 = arith.constant 0 : i32
      %dma_start3A_152 = tpu.memref_slice %arg15[%add3A_19, %dma_start3A_151] : memref<10112x64xbf16, #tpu.memory_space<vmem_shared>> -> memref<125x64xbf16, #tpu.memory_space<vmem_shared>>
      %dma_start3A_153 = arith.constant 0 : i32
      %dma_start3A_154 = tpu.memref_slice %arg15[%add3A_19, %dma_start3A_153] : memref<10112x64xbf16, #tpu.memory_space<vmem_shared>> -> memref<125x64xbf16, #tpu.memory_space<vmem_shared>>
      tpu.enqueue_dma source(%arg7 : memref<125x64xbf16, #tpu.memory_space<vmem>>) target(%dma_start3A_154 : memref<125x64xbf16, #tpu.memory_space<vmem_shared>>) target_semaphore(%run_scoped3A_150 : memref<!tpu.dma_semaphore, #tpu.memory_space<semaphore_mem>>)
      %dma_wait3A_155 = arith.constant 0 : i32
      %dma_wait3A_156 = tpu.memref_slice %arg15[%add3A_19, %dma_wait3A_155] : memref<10112x64xbf16, #tpu.memory_space<vmem_shared>> -> memref<125x64xbf16, #tpu.memory_space<vmem_shared>>
      %dma_wait3A_157 = arith.constant 0 : i32
      %dma_wait3A_158 = tpu.memref_slice %arg15[%add3A_19, %dma_wait3A_157] : memref<10112x64xbf16, #tpu.memory_space<vmem_shared>> -> memref<125x64xbf16, #tpu.memory_space<vmem_shared>>
      tpu.wait_dma2 semaphore(%run_scoped3A_150 : memref<!tpu.dma_semaphore, #tpu.memory_space<semaphore_mem>>) src(%arg7 : memref<125x64xbf16, #tpu.memory_space<vmem>>) dst(%dma_wait3A_158 : memref<125x64xbf16, #tpu.memory_space<vmem_shared>>)
      tpu.yield
    }) : () -> ()
    %add3A_20 = arith.constant 375 : i32
    %add3A_21 = arith.addi %mul3A_2, %add3A_20 : i32
    "tpu.region"() ({
      %run_scoped3A_150 = tpu.sem_alloc : memref<!tpu.dma_semaphore, #tpu.memory_space<semaphore_mem>>
      %dma_start3A_151 = arith.constant 0 : i32
      %dma_start3A_152 = tpu.memref_slice %arg15[%add3A_21, %dma_start3A_151] : memref<10112x64xbf16, #tpu.memory_space<vmem_shared>> -> memref<125x64xbf16, #tpu.memory_space<vmem_shared>>
      %dma_start3A_153 = arith.constant 0 : i32
      %dma_start3A_154 = tpu.memref_slice %arg15[%add3A_21, %dma_start3A_153] : memref<10112x64xbf16, #tpu.memory_space<vmem_shared>> -> memref<125x64xbf16, #tpu.memory_space<vmem_shared>>
      tpu.enqueue_dma source(%arg7 : memref<125x64xbf16, #tpu.memory_space<vmem>>) target(%dma_start3A_154 : memref<125x64xbf16, #tpu.memory_space<vmem_shared>>) target_semaphore(%run_scoped3A_150 : memref<!tpu.dma_semaphore, #tpu.memory_space<semaphore_mem>>)
      %dma_wait3A_155 = arith.constant 0 : i32
      %dma_wait3A_156 = tpu.memref_slice %arg15[%add3A_21, %dma_wait3A_155] : memref<10112x64xbf16, #tpu.memory_space<vmem_shared>> -> memref<125x64xbf16, #tpu.memory_space<vmem_shared>>
      %dma_wait3A_157 = arith.constant 0 : i32
      %dma_wait3A_158 = tpu.memref_slice %arg15[%add3A_21, %dma_wait3A_157] : memref<10112x64xbf16, #tpu.memory_space<vmem_shared>> -> memref<125x64xbf16, #tpu.memory_space<vmem_shared>>
      tpu.wait_dma2 semaphore(%run_scoped3A_150 : memref<!tpu.dma_semaphore, #tpu.memory_space<semaphore_mem>>) src(%arg7 : memref<125x64xbf16, #tpu.memory_space<vmem>>) dst(%dma_wait3A_158 : memref<125x64xbf16, #tpu.memory_space<vmem_shared>>)
      tpu.yield
    }) : () -> ()
    %add3A_22 = arith.constant 500 : i32
    %add3A_23 = arith.addi %mul3A_2, %add3A_22 : i32
    "tpu.region"() ({
      %run_scoped3A_150 = tpu.sem_alloc : memref<!tpu.dma_semaphore, #tpu.memory_space<semaphore_mem>>
      %dma_start3A_151 = arith.constant 0 : i32
      %dma_start3A_152 = tpu.memref_slice %arg15[%add3A_23, %dma_start3A_151] : memref<10112x64xbf16, #tpu.memory_space<vmem_shared>> -> memref<125x64xbf16, #tpu.memory_space<vmem_shared>>
      %dma_start3A_153 = arith.constant 0 : i32
      %dma_start3A_154 = tpu.memref_slice %arg15[%add3A_23, %dma_start3A_153] : memref<10112x64xbf16, #tpu.memory_space<vmem_shared>> -> memref<125x64xbf16, #tpu.memory_space<vmem_shared>>
      tpu.enqueue_dma source(%arg7 : memref<125x64xbf16, #tpu.memory_space<vmem>>) target(%dma_start3A_154 : memref<125x64xbf16, #tpu.memory_space<vmem_shared>>) target_semaphore(%run_scoped3A_150 : memref<!tpu.dma_semaphore, #tpu.memory_space<semaphore_mem>>)
      %dma_wait3A_155 = arith.constant 0 : i32
      %dma_wait3A_156 = tpu.memref_slice %arg15[%add3A_23, %dma_wait3A_155] : memref<10112x64xbf16, #tpu.memory_space<vmem_shared>> -> memref<125x64xbf16, #tpu.memory_space<vmem_shared>>
      %dma_wait3A_157 = arith.constant 0 : i32
      %dma_wait3A_158 = tpu.memref_slice %arg15[%add3A_23, %dma_wait3A_157] : memref<10112x64xbf16, #tpu.memory_space<vmem_shared>> -> memref<125x64xbf16, #tpu.memory_space<vmem_shared>>
      tpu.wait_dma2 semaphore(%run_scoped3A_150 : memref<!tpu.dma_semaphore, #tpu.memory_space<semaphore_mem>>) src(%arg7 : memref<125x64xbf16, #tpu.memory_space<vmem>>) dst(%dma_wait3A_158 : memref<125x64xbf16, #tpu.memory_space<vmem_shared>>)
      tpu.yield
    }) : () -> ()
    %add3A_24 = arith.constant 625 : i32
    %add3A_25 = arith.addi %mul3A_2, %add3A_24 : i32
    "tpu.region"() ({
      %run_scoped3A_150 = tpu.sem_alloc : memref<!tpu.dma_semaphore, #tpu.memory_space<semaphore_mem>>
      %dma_start3A_151 = arith.constant 0 : i32
      %dma_start3A_152 = arith.constant 0 : i32
      %dma_start3A_153 = tpu.memref_slice %arg7[%dma_start3A_151, %dma_start3A_152] : memref<125x64xbf16, #tpu.memory_space<vmem>> -> memref<7x64xbf16, #tpu.memory_space<vmem>>
      %dma_start3A_154 = arith.constant 0 : i32
      %dma_start3A_155 = tpu.memref_slice %arg15[%add3A_25, %dma_start3A_154] : memref<10112x64xbf16, #tpu.memory_space<vmem_shared>> -> memref<7x64xbf16, #tpu.memory_space<vmem_shared>>
      %dma_start3A_156 = arith.constant 0 : i32
      %dma_start3A_157 = tpu.memref_slice %arg15[%add3A_25, %dma_start3A_156] : memref<10112x64xbf16, #tpu.memory_space<vmem_shared>> -> memref<7x64xbf16, #tpu.memory_space<vmem_shared>>
      %dma_start3A_158 = arith.constant 0 : i32
      %dma_start3A_159 = arith.constant 0 : i32
      %dma_start3A_160 = tpu.memref_slice %arg7[%dma_start3A_158, %dma_start3A_159] : memref<125x64xbf16, #tpu.memory_space<vmem>> -> memref<7x64xbf16, #tpu.memory_space<vmem>>
      tpu.enqueue_dma source(%dma_start3A_160 : memref<7x64xbf16, #tpu.memory_space<vmem>>) target(%dma_start3A_157 : memref<7x64xbf16, #tpu.memory_space<vmem_shared>>) target_semaphore(%run_scoped3A_150 : memref<!tpu.dma_semaphore, #tpu.memory_space<semaphore_mem>>)
      %dma_wait3A_161 = arith.constant 0 : i32
      %dma_wait3A_162 = arith.constant 0 : i32
      %dma_wait3A_163 = tpu.memref_slice %arg7[%dma_wait3A_161, %dma_wait3A_162] : memref<125x64xbf16, #tpu.memory_space<vmem>> -> memref<7x64xbf16, #tpu.memory_space<vmem>>
      %dma_wait3A_164 = arith.constant 0 : i32
      %dma_wait3A_165 = tpu.memref_slice %arg15[%add3A_25, %dma_wait3A_164] : memref<10112x64xbf16, #tpu.memory_space<vmem_shared>> -> memref<7x64xbf16, #tpu.memory_space<vmem_shared>>
      %dma_wait3A_166 = arith.constant 0 : i32
      %dma_wait3A_167 = tpu.memref_slice %arg15[%add3A_25, %dma_wait3A_166] : memref<10112x64xbf16, #tpu.memory_space<vmem_shared>> -> memref<7x64xbf16, #tpu.memory_space<vmem_shared>>
      %dma_wait3A_168 = arith.constant 0 : i32
      %dma_wait3A_169 = arith.constant 0 : i32
      %dma_wait3A_170 = tpu.memref_slice %arg7[%dma_wait3A_168, %dma_wait3A_169] : memref<125x64xbf16, #tpu.memory_space<vmem>> -> memref<7x64xbf16, #tpu.memory_space<vmem>>
      tpu.wait_dma2 semaphore(%run_scoped3A_150 : memref<!tpu.dma_semaphore, #tpu.memory_space<semaphore_mem>>) src(%dma_wait3A_170 : memref<7x64xbf16, #tpu.memory_space<vmem>>) dst(%dma_wait3A_167 : memref<7x64xbf16, #tpu.memory_space<vmem_shared>>)
      tpu.yield
    }) : () -> ()
    %barrier3A = arith.constant 0 : index
    tpu.barrier barrier_id(%barrier3A)
    %dma_start3A = arith.constant 0 : i32
    %dma_start3A_26 = arith.constant 0 : i32
    %dma_start3A_27 = tpu.memref_slice %arg5[%dma_start3A, %dma_start3A_26] : memref<80x125xi32, #tpu.memory_space<vmem>> -> memref<1x125xi32, #tpu.memory_space<vmem>>
    %dma_start3A_28 = tpu.memref_squeeze %dma_start3A_27 : memref<1x125xi32, #tpu.memory_space<vmem>> -> memref<125xi32, #tpu.memory_space<vmem>>
    %dma_start3A_29 = arith.constant 0 : i32
    %dma_start3A_30 = arith.constant 0 : i32
    %dma_start3A_31 = tpu.memref_slice %arg2[%dma_start3A_29, %dma_start3A_30] : memref<10112x64xbf16, #tpu.memory_space<hbm>> -> memref<10112x64xbf16, #tpu.memory_space<hbm>>
    tpu.enqueue_indirect_dma source(%dma_start3A_31 : memref<10112x64xbf16, #tpu.memory_space<hbm>>) target(%arg7 : memref<125x64xbf16, #tpu.memory_space<vmem>>) offsets(%dma_start3A_28 : memref<125xi32, #tpu.memory_space<vmem>>) semaphore(%arg16 : memref<!tpu.dma_semaphore, #tpu.memory_space<semaphore_mem>>)
    %dma_start3A_32 = arith.constant 1 : i32
    %dma_start3A_33 = arith.constant 0 : i32
    %dma_start3A_34 = tpu.memref_slice %arg5[%dma_start3A_32, %dma_start3A_33] : memref<80x125xi32, #tpu.memory_space<vmem>> -> memref<1x125xi32, #tpu.memory_space<vmem>>
    %dma_start3A_35 = tpu.memref_squeeze %dma_start3A_34 : memref<1x125xi32, #tpu.memory_space<vmem>> -> memref<125xi32, #tpu.memory_space<vmem>>
    %dma_start3A_36 = arith.constant 0 : i32
    %dma_start3A_37 = arith.constant 0 : i32
    %dma_start3A_38 = tpu.memref_slice %arg2[%dma_start3A_36, %dma_start3A_37] : memref<10112x64xbf16, #tpu.memory_space<hbm>> -> memref<10112x64xbf16, #tpu.memory_space<hbm>>
    tpu.enqueue_indirect_dma source(%dma_start3A_38 : memref<10112x64xbf16, #tpu.memory_space<hbm>>) target(%arg8 : memref<125x64xbf16, #tpu.memory_space<vmem>>) offsets(%dma_start3A_35 : memref<125xi32, #tpu.memory_space<vmem>>) semaphore(%arg17 : memref<!tpu.dma_semaphore, #tpu.memory_space<semaphore_mem>>)
    %dma_start3A_39 = arith.constant 2 : i32
    %dma_start3A_40 = arith.constant 0 : i32
    %dma_start3A_41 = tpu.memref_slice %arg5[%dma_start3A_39, %dma_start3A_40] : memref<80x125xi32, #tpu.memory_space<vmem>> -> memref<1x125xi32, #tpu.memory_space<vmem>>
    %dma_start3A_42 = tpu.memref_squeeze %dma_start3A_41 : memref<1x125xi32, #tpu.memory_space<vmem>> -> memref<125xi32, #tpu.memory_space<vmem>>
    %dma_start3A_43 = arith.constant 0 : i32
    %dma_start3A_44 = arith.constant 0 : i32
    %dma_start3A_45 = tpu.memref_slice %arg2[%dma_start3A_43, %dma_start3A_44] : memref<10112x64xbf16, #tpu.memory_space<hbm>> -> memref<10112x64xbf16, #tpu.memory_space<hbm>>
    tpu.enqueue_indirect_dma source(%dma_start3A_45 : memref<10112x64xbf16, #tpu.memory_space<hbm>>) target(%arg9 : memref<125x64xbf16, #tpu.memory_space<vmem>>) offsets(%dma_start3A_42 : memref<125xi32, #tpu.memory_space<vmem>>) semaphore(%arg18 : memref<!tpu.dma_semaphore, #tpu.memory_space<semaphore_mem>>)
    %dma_start3A_46 = arith.constant 3 : i32
    %dma_start3A_47 = arith.constant 0 : i32
    %dma_start3A_48 = tpu.memref_slice %arg5[%dma_start3A_46, %dma_start3A_47] : memref<80x125xi32, #tpu.memory_space<vmem>> -> memref<1x125xi32, #tpu.memory_space<vmem>>
    %dma_start3A_49 = tpu.memref_squeeze %dma_start3A_48 : memref<1x125xi32, #tpu.memory_space<vmem>> -> memref<125xi32, #tpu.memory_space<vmem>>
    %dma_start3A_50 = arith.constant 0 : i32
    %dma_start3A_51 = arith.constant 0 : i32
    %dma_start3A_52 = tpu.memref_slice %arg2[%dma_start3A_50, %dma_start3A_51] : memref<10112x64xbf16, #tpu.memory_space<hbm>> -> memref<10112x64xbf16, #tpu.memory_space<hbm>>
    tpu.enqueue_indirect_dma source(%dma_start3A_52 : memref<10112x64xbf16, #tpu.memory_space<hbm>>) target(%arg10 : memref<125x64xbf16, #tpu.memory_space<vmem>>) offsets(%dma_start3A_49 : memref<125xi32, #tpu.memory_space<vmem>>) semaphore(%arg19 : memref<!tpu.dma_semaphore, #tpu.memory_space<semaphore_mem>>)
    %dma_start3A_53 = arith.constant 4 : i32
    %dma_start3A_54 = arith.constant 0 : i32
    %dma_start3A_55 = tpu.memref_slice %arg5[%dma_start3A_53, %dma_start3A_54] : memref<80x125xi32, #tpu.memory_space<vmem>> -> memref<1x125xi32, #tpu.memory_space<vmem>>
    %dma_start3A_56 = tpu.memref_squeeze %dma_start3A_55 : memref<1x125xi32, #tpu.memory_space<vmem>> -> memref<125xi32, #tpu.memory_space<vmem>>
    %dma_start3A_57 = arith.constant 0 : i32
    %dma_start3A_58 = arith.constant 0 : i32
    %dma_start3A_59 = tpu.memref_slice %arg2[%dma_start3A_57, %dma_start3A_58] : memref<10112x64xbf16, #tpu.memory_space<hbm>> -> memref<10112x64xbf16, #tpu.memory_space<hbm>>
    tpu.enqueue_indirect_dma source(%dma_start3A_59 : memref<10112x64xbf16, #tpu.memory_space<hbm>>) target(%arg11 : memref<125x64xbf16, #tpu.memory_space<vmem>>) offsets(%dma_start3A_56 : memref<125xi32, #tpu.memory_space<vmem>>) semaphore(%arg20 : memref<!tpu.dma_semaphore, #tpu.memory_space<semaphore_mem>>)
    %dma_start3A_60 = arith.constant 5 : i32
    %dma_start3A_61 = arith.constant 0 : i32
    %dma_start3A_62 = tpu.memref_slice %arg5[%dma_start3A_60, %dma_start3A_61] : memref<80x125xi32, #tpu.memory_space<vmem>> -> memref<1x125xi32, #tpu.memory_space<vmem>>
    %dma_start3A_63 = tpu.memref_squeeze %dma_start3A_62 : memref<1x125xi32, #tpu.memory_space<vmem>> -> memref<125xi32, #tpu.memory_space<vmem>>
    %dma_start3A_64 = arith.constant 0 : i32
    %dma_start3A_65 = arith.constant 0 : i32
    %dma_start3A_66 = tpu.memref_slice %arg2[%dma_start3A_64, %dma_start3A_65] : memref<10112x64xbf16, #tpu.memory_space<hbm>> -> memref<10112x64xbf16, #tpu.memory_space<hbm>>
    tpu.enqueue_indirect_dma source(%dma_start3A_66 : memref<10112x64xbf16, #tpu.memory_space<hbm>>) target(%arg12 : memref<125x64xbf16, #tpu.memory_space<vmem>>) offsets(%dma_start3A_63 : memref<125xi32, #tpu.memory_space<vmem>>) semaphore(%arg21 : memref<!tpu.dma_semaphore, #tpu.memory_space<semaphore_mem>>)
    %dma_start3A_67 = arith.constant 6 : i32
    %dma_start3A_68 = arith.constant 0 : i32
    %dma_start3A_69 = tpu.memref_slice %arg5[%dma_start3A_67, %dma_start3A_68] : memref<80x125xi32, #tpu.memory_space<vmem>> -> memref<1x125xi32, #tpu.memory_space<vmem>>
    %dma_start3A_70 = tpu.memref_squeeze %dma_start3A_69 : memref<1x125xi32, #tpu.memory_space<vmem>> -> memref<125xi32, #tpu.memory_space<vmem>>
    %dma_start3A_71 = arith.constant 0 : i32
    %dma_start3A_72 = arith.constant 0 : i32
    %dma_start3A_73 = tpu.memref_slice %arg2[%dma_start3A_71, %dma_start3A_72] : memref<10112x64xbf16, #tpu.memory_space<hbm>> -> memref<10112x64xbf16, #tpu.memory_space<hbm>>
    tpu.enqueue_indirect_dma source(%dma_start3A_73 : memref<10112x64xbf16, #tpu.memory_space<hbm>>) target(%arg13 : memref<125x64xbf16, #tpu.memory_space<vmem>>) offsets(%dma_start3A_70 : memref<125xi32, #tpu.memory_space<vmem>>) semaphore(%arg22 : memref<!tpu.dma_semaphore, #tpu.memory_space<semaphore_mem>>)
    %dma_start3A_74 = arith.constant 7 : i32
    %dma_start3A_75 = arith.constant 0 : i32
    %dma_start3A_76 = tpu.memref_slice %arg5[%dma_start3A_74, %dma_start3A_75] : memref<80x125xi32, #tpu.memory_space<vmem>> -> memref<1x125xi32, #tpu.memory_space<vmem>>
    %dma_start3A_77 = tpu.memref_squeeze %dma_start3A_76 : memref<1x125xi32, #tpu.memory_space<vmem>> -> memref<125xi32, #tpu.memory_space<vmem>>
    %dma_start3A_78 = arith.constant 0 : i32
    %dma_start3A_79 = arith.constant 0 : i32
    %dma_start3A_80 = tpu.memref_slice %arg2[%dma_start3A_78, %dma_start3A_79] : memref<10112x64xbf16, #tpu.memory_space<hbm>> -> memref<10112x64xbf16, #tpu.memory_space<hbm>>
    tpu.enqueue_indirect_dma source(%dma_start3A_80 : memref<10112x64xbf16, #tpu.memory_space<hbm>>) target(%arg14 : memref<125x64xbf16, #tpu.memory_space<vmem>>) offsets(%dma_start3A_77 : memref<125xi32, #tpu.memory_space<vmem>>) semaphore(%arg23 : memref<!tpu.dma_semaphore, #tpu.memory_space<semaphore_mem>>)
    %scan3A_81 = arith.constant 0 : i32
    %scan3A_82 = arith.constant 9 : i32
    %scan3A_83 = arith.addi %scan3A_81, %scan3A_82 : i32
    %scan3A_84 = arith.constant 1 : i32
    scf.for %scan3A_150 = %scan3A_81 to %scan3A_83 step %scan3A_84  : i32 {
      %mul3A_151 = arith.constant 8 : i32
      %mul3A_152 = arith.muli %scan3A_150, %mul3A_151 : i32
      %add3A_153 = arith.constant 0 : i32
      %add3A_154 = arith.addi %add3A_153, %mul3A_152 : i32
      %add3A_155 = arith.constant 0 : i32
      %add3A_156 = arith.addi %add3A_154, %add3A_155 : i32
      %dma_wait3A_157 = arith.constant 0 : i32
      %dma_wait3A_158 = arith.constant 0 : i32
      %dma_wait3A_159 = tpu.memref_slice %arg5[%dma_wait3A_157, %dma_wait3A_158] : memref<80x125xi32, #tpu.memory_space<vmem>> -> memref<1x125xi32, #tpu.memory_space<vmem>>
      %dma_wait3A_160 = tpu.memref_squeeze %dma_wait3A_159 : memref<1x125xi32, #tpu.memory_space<vmem>> -> memref<125xi32, #tpu.memory_space<vmem>>
      %dma_wait3A_161 = arith.constant 0 : i32
      %dma_wait3A_162 = arith.constant 0 : i32
      %dma_wait3A_163 = tpu.memref_slice %arg2[%dma_wait3A_161, %dma_wait3A_162] : memref<10112x64xbf16, #tpu.memory_space<hbm>> -> memref<10112x64xbf16, #tpu.memory_space<hbm>>
      tpu.wait_indirect_dma semaphore(%arg16 : memref<!tpu.dma_semaphore, #tpu.memory_space<semaphore_mem>>) src(%dma_wait3A_163 : memref<10112x64xbf16, #tpu.memory_space<hbm>>) dst(%arg7 : memref<125x64xbf16, #tpu.memory_space<vmem>>)
      "tpu.region"() ({
        %run_scoped3A_291 = tpu.sem_alloc : memref<!tpu.dma_semaphore, #tpu.memory_space<semaphore_mem>>
        %dma_start3A_292 = arith.constant 0 : i32
        %dma_start3A_293 = tpu.memref_slice %arg6[%add3A_156, %dma_start3A_292] : memref<80x125xi32, #tpu.memory_space<vmem>> -> memref<1x125xi32, #tpu.memory_space<vmem>>
        %dma_start3A_294 = tpu.memref_squeeze %dma_start3A_293 : memref<1x125xi32, #tpu.memory_space<vmem>> -> memref<125xi32, #tpu.memory_space<vmem>>
        %dma_start3A_295 = arith.constant 0 : i32
        %dma_start3A_296 = arith.constant 0 : i32
        %dma_start3A_297 = tpu.memref_slice %arg15[%dma_start3A_295, %dma_start3A_296] : memref<10112x64xbf16, #tpu.memory_space<vmem_shared>> -> memref<10112x64xbf16, #tpu.memory_space<vmem_shared>>
        tpu.enqueue_indirect_dma source(%arg7 : memref<125x64xbf16, #tpu.memory_space<vmem>>) target(%dma_start3A_297 : memref<10112x64xbf16, #tpu.memory_space<vmem_shared>>) offsets(%dma_start3A_294 : memref<125xi32, #tpu.memory_space<vmem>>) semaphore(%run_scoped3A_291 : memref<!tpu.dma_semaphore, #tpu.memory_space<semaphore_mem>>) {add = true}
        %dma_wait3A_298 = arith.constant 0 : i32
        %dma_wait3A_299 = tpu.memref_slice %arg6[%add3A_156, %dma_wait3A_298] : memref<80x125xi32, #tpu.memory_space<vmem>> -> memref<1x125xi32, #tpu.memory_space<vmem>>
        %dma_wait3A_300 = tpu.memref_squeeze %dma_wait3A_299 : memref<1x125xi32, #tpu.memory_space<vmem>> -> memref<125xi32, #tpu.memory_space<vmem>>
        %dma_wait3A_301 = arith.constant 0 : i32
        %dma_wait3A_302 = arith.constant 0 : i32
        %dma_wait3A_303 = tpu.memref_slice %arg15[%dma_wait3A_301, %dma_wait3A_302] : memref<10112x64xbf16, #tpu.memory_space<vmem_shared>> -> memref<10112x64xbf16, #tpu.memory_space<vmem_shared>>
        tpu.wait_indirect_dma semaphore(%run_scoped3A_291 : memref<!tpu.dma_semaphore, #tpu.memory_space<semaphore_mem>>) src(%arg7 : memref<125x64xbf16, #tpu.memory_space<vmem>>) dst(%dma_wait3A_303 : memref<10112x64xbf16, #tpu.memory_space<vmem_shared>>)
        tpu.yield
      }) : () -> ()
      %add3A_164 = arith.constant 8 : i32
      %add3A_165 = arith.addi %add3A_156, %add3A_164 : i32
      %dma_start3A_166 = arith.constant 0 : i32
      %dma_start3A_167 = tpu.memref_slice %arg5[%add3A_165, %dma_start3A_166] : memref<80x125xi32, #tpu.memory_space<vmem>> -> memref<1x125xi32, #tpu.memory_space<vmem>>
      %dma_start3A_168 = tpu.memref_squeeze %dma_start3A_167 : memref<1x125xi32, #tpu.memory_space<vmem>> -> memref<125xi32, #tpu.memory_space<vmem>>
      %dma_start3A_169 = arith.constant 0 : i32
      %dma_start3A_170 = arith.constant 0 : i32
      %dma_start3A_171 = tpu.memref_slice %arg2[%dma_start3A_169, %dma_start3A_170] : memref<10112x64xbf16, #tpu.memory_space<hbm>> -> memref<10112x64xbf16, #tpu.memory_space<hbm>>
      tpu.enqueue_indirect_dma source(%dma_start3A_171 : memref<10112x64xbf16, #tpu.memory_space<hbm>>) target(%arg7 : memref<125x64xbf16, #tpu.memory_space<vmem>>) offsets(%dma_start3A_168 : memref<125xi32, #tpu.memory_space<vmem>>) semaphore(%arg16 : memref<!tpu.dma_semaphore, #tpu.memory_space<semaphore_mem>>)
      %add3A_172 = arith.constant 1 : i32
      %add3A_173 = arith.addi %add3A_154, %add3A_172 : i32
      %dma_wait3A_174 = arith.constant 1 : i32
      %dma_wait3A_175 = arith.constant 0 : i32
      %dma_wait3A_176 = tpu.memref_slice %arg5[%dma_wait3A_174, %dma_wait3A_175] : memref<80x125xi32, #tpu.memory_space<vmem>> -> memref<1x125xi32, #tpu.memory_space<vmem>>
      %dma_wait3A_177 = tpu.memref_squeeze %dma_wait3A_176 : memref<1x125xi32, #tpu.memory_space<vmem>> -> memref<125xi32, #tpu.memory_space<vmem>>
      %dma_wait3A_178 = arith.constant 0 : i32
      %dma_wait3A_179 = arith.constant 0 : i32
      %dma_wait3A_180 = tpu.memref_slice %arg2[%dma_wait3A_178, %dma_wait3A_179] : memref<10112x64xbf16, #tpu.memory_space<hbm>> -> memref<10112x64xbf16, #tpu.memory_space<hbm>>
      tpu.wait_indirect_dma semaphore(%arg17 : memref<!tpu.dma_semaphore, #tpu.memory_space<semaphore_mem>>) src(%dma_wait3A_180 : memref<10112x64xbf16, #tpu.memory_space<hbm>>) dst(%arg8 : memref<125x64xbf16, #tpu.memory_space<vmem>>)
      "tpu.region"() ({
        %run_scoped3A_291 = tpu.sem_alloc : memref<!tpu.dma_semaphore, #tpu.memory_space<semaphore_mem>>
        %dma_start3A_292 = arith.constant 0 : i32
        %dma_start3A_293 = tpu.memref_slice %arg6[%add3A_173, %dma_start3A_292] : memref<80x125xi32, #tpu.memory_space<vmem>> -> memref<1x125xi32, #tpu.memory_space<vmem>>
        %dma_start3A_294 = tpu.memref_squeeze %dma_start3A_293 : memref<1x125xi32, #tpu.memory_space<vmem>> -> memref<125xi32, #tpu.memory_space<vmem>>
        %dma_start3A_295 = arith.constant 0 : i32
        %dma_start3A_296 = arith.constant 0 : i32
        %dma_start3A_297 = tpu.memref_slice %arg15[%dma_start3A_295, %dma_start3A_296] : memref<10112x64xbf16, #tpu.memory_space<vmem_shared>> -> memref<10112x64xbf16, #tpu.memory_space<vmem_shared>>
        tpu.enqueue_indirect_dma source(%arg8 : memref<125x64xbf16, #tpu.memory_space<vmem>>) target(%dma_start3A_297 : memref<10112x64xbf16, #tpu.memory_space<vmem_shared>>) offsets(%dma_start3A_294 : memref<125xi32, #tpu.memory_space<vmem>>) semaphore(%run_scoped3A_291 : memref<!tpu.dma_semaphore, #tpu.memory_space<semaphore_mem>>) {add = true}
        %dma_wait3A_298 = arith.constant 0 : i32
        %dma_wait3A_299 = tpu.memref_slice %arg6[%add3A_173, %dma_wait3A_298] : memref<80x125xi32, #tpu.memory_space<vmem>> -> memref<1x125xi32, #tpu.memory_space<vmem>>
        %dma_wait3A_300 = tpu.memref_squeeze %dma_wait3A_299 : memref<1x125xi32, #tpu.memory_space<vmem>> -> memref<125xi32, #tpu.memory_space<vmem>>
        %dma_wait3A_301 = arith.constant 0 : i32
        %dma_wait3A_302 = arith.constant 0 : i32
        %dma_wait3A_303 = tpu.memref_slice %arg15[%dma_wait3A_301, %dma_wait3A_302] : memref<10112x64xbf16, #tpu.memory_space<vmem_shared>> -> memref<10112x64xbf16, #tpu.memory_space<vmem_shared>>
        tpu.wait_indirect_dma semaphore(%run_scoped3A_291 : memref<!tpu.dma_semaphore, #tpu.memory_space<semaphore_mem>>) src(%arg8 : memref<125x64xbf16, #tpu.memory_space<vmem>>) dst(%dma_wait3A_303 : memref<10112x64xbf16, #tpu.memory_space<vmem_shared>>)
        tpu.yield
      }) : () -> ()
      %add3A_181 = arith.constant 8 : i32
      %add3A_182 = arith.addi %add3A_173, %add3A_181 : i32
      %dma_start3A_183 = arith.constant 0 : i32
      %dma_start3A_184 = tpu.memref_slice %arg5[%add3A_182, %dma_start3A_183] : memref<80x125xi32, #tpu.memory_space<vmem>> -> memref<1x125xi32, #tpu.memory_space<vmem>>
      %dma_start3A_185 = tpu.memref_squeeze %dma_start3A_184 : memref<1x125xi32, #tpu.memory_space<vmem>> -> memref<125xi32, #tpu.memory_space<vmem>>
      %dma_start3A_186 = arith.constant 0 : i32
      %dma_start3A_187 = arith.constant 0 : i32
      %dma_start3A_188 = tpu.memref_slice %arg2[%dma_start3A_186, %dma_start3A_187] : memref<10112x64xbf16, #tpu.memory_space<hbm>> -> memref<10112x64xbf16, #tpu.memory_space<hbm>>
      tpu.enqueue_indirect_dma source(%dma_start3A_188 : memref<10112x64xbf16, #tpu.memory_space<hbm>>) target(%arg8 : memref<125x64xbf16, #tpu.memory_space<vmem>>) offsets(%dma_start3A_185 : memref<125xi32, #tpu.memory_space<vmem>>) semaphore(%arg17 : memref<!tpu.dma_semaphore, #tpu.memory_space<semaphore_mem>>)
      %add3A_189 = arith.constant 2 : i32
      %add3A_190 = arith.addi %add3A_154, %add3A_189 : i32
      %dma_wait3A_191 = arith.constant 2 : i32
      %dma_wait3A_192 = arith.constant 0 : i32
      %dma_wait3A_193 = tpu.memref_slice %arg5[%dma_wait3A_191, %dma_wait3A_192] : memref<80x125xi32, #tpu.memory_space<vmem>> -> memref<1x125xi32, #tpu.memory_space<vmem>>
      %dma_wait3A_194 = tpu.memref_squeeze %dma_wait3A_193 : memref<1x125xi32, #tpu.memory_space<vmem>> -> memref<125xi32, #tpu.memory_space<vmem>>
      %dma_wait3A_195 = arith.constant 0 : i32
      %dma_wait3A_196 = arith.constant 0 : i32
      %dma_wait3A_197 = tpu.memref_slice %arg2[%dma_wait3A_195, %dma_wait3A_196] : memref<10112x64xbf16, #tpu.memory_space<hbm>> -> memref<10112x64xbf16, #tpu.memory_space<hbm>>
      tpu.wait_indirect_dma semaphore(%arg18 : memref<!tpu.dma_semaphore, #tpu.memory_space<semaphore_mem>>) src(%dma_wait3A_197 : memref<10112x64xbf16, #tpu.memory_space<hbm>>) dst(%arg9 : memref<125x64xbf16, #tpu.memory_space<vmem>>)
      "tpu.region"() ({
        %run_scoped3A_291 = tpu.sem_alloc : memref<!tpu.dma_semaphore, #tpu.memory_space<semaphore_mem>>
        %dma_start3A_292 = arith.constant 0 : i32
        %dma_start3A_293 = tpu.memref_slice %arg6[%add3A_190, %dma_start3A_292] : memref<80x125xi32, #tpu.memory_space<vmem>> -> memref<1x125xi32, #tpu.memory_space<vmem>>
        %dma_start3A_294 = tpu.memref_squeeze %dma_start3A_293 : memref<1x125xi32, #tpu.memory_space<vmem>> -> memref<125xi32, #tpu.memory_space<vmem>>
        %dma_start3A_295 = arith.constant 0 : i32
        %dma_start3A_296 = arith.constant 0 : i32
        %dma_start3A_297 = tpu.memref_slice %arg15[%dma_start3A_295, %dma_start3A_296] : memref<10112x64xbf16, #tpu.memory_space<vmem_shared>> -> memref<10112x64xbf16, #tpu.memory_space<vmem_shared>>
        tpu.enqueue_indirect_dma source(%arg9 : memref<125x64xbf16, #tpu.memory_space<vmem>>) target(%dma_start3A_297 : memref<10112x64xbf16, #tpu.memory_space<vmem_shared>>) offsets(%dma_start3A_294 : memref<125xi32, #tpu.memory_space<vmem>>) semaphore(%run_scoped3A_291 : memref<!tpu.dma_semaphore, #tpu.memory_space<semaphore_mem>>) {add = true}
        %dma_wait3A_298 = arith.constant 0 : i32
        %dma_wait3A_299 = tpu.memref_slice %arg6[%add3A_190, %dma_wait3A_298] : memref<80x125xi32, #tpu.memory_space<vmem>> -> memref<1x125xi32, #tpu.memory_space<vmem>>
        %dma_wait3A_300 = tpu.memref_squeeze %dma_wait3A_299 : memref<1x125xi32, #tpu.memory_space<vmem>> -> memref<125xi32, #tpu.memory_space<vmem>>
        %dma_wait3A_301 = arith.constant 0 : i32
        %dma_wait3A_302 = arith.constant 0 : i32
        %dma_wait3A_303 = tpu.memref_slice %arg15[%dma_wait3A_301, %dma_wait3A_302] : memref<10112x64xbf16, #tpu.memory_space<vmem_shared>> -> memref<10112x64xbf16, #tpu.memory_space<vmem_shared>>
        tpu.wait_indirect_dma semaphore(%run_scoped3A_291 : memref<!tpu.dma_semaphore, #tpu.memory_space<semaphore_mem>>) src(%arg9 : memref<125x64xbf16, #tpu.memory_space<vmem>>) dst(%dma_wait3A_303 : memref<10112x64xbf16, #tpu.memory_space<vmem_shared>>)
        tpu.yield
      }) : () -> ()
      %add3A_198 = arith.constant 8 : i32
      %add3A_199 = arith.addi %add3A_190, %add3A_198 : i32
      %dma_start3A_200 = arith.constant 0 : i32
      %dma_start3A_201 = tpu.memref_slice %arg5[%add3A_199, %dma_start3A_200] : memref<80x125xi32, #tpu.memory_space<vmem>> -> memref<1x125xi32, #tpu.memory_space<vmem>>
      %dma_start3A_202 = tpu.memref_squeeze %dma_start3A_201 : memref<1x125xi32, #tpu.memory_space<vmem>> -> memref<125xi32, #tpu.memory_space<vmem>>
      %dma_start3A_203 = arith.constant 0 : i32
      %dma_start3A_204 = arith.constant 0 : i32
      %dma_start3A_205 = tpu.memref_slice %arg2[%dma_start3A_203, %dma_start3A_204] : memref<10112x64xbf16, #tpu.memory_space<hbm>> -> memref<10112x64xbf16, #tpu.memory_space<hbm>>
      tpu.enqueue_indirect_dma source(%dma_start3A_205 : memref<10112x64xbf16, #tpu.memory_space<hbm>>) target(%arg9 : memref<125x64xbf16, #tpu.memory_space<vmem>>) offsets(%dma_start3A_202 : memref<125xi32, #tpu.memory_space<vmem>>) semaphore(%arg18 : memref<!tpu.dma_semaphore, #tpu.memory_space<semaphore_mem>>)
      %add3A_206 = arith.constant 3 : i32
      %add3A_207 = arith.addi %add3A_154, %add3A_206 : i32
      %dma_wait3A_208 = arith.constant 3 : i32
      %dma_wait3A_209 = arith.constant 0 : i32
      %dma_wait3A_210 = tpu.memref_slice %arg5[%dma_wait3A_208, %dma_wait3A_209] : memref<80x125xi32, #tpu.memory_space<vmem>> -> memref<1x125xi32, #tpu.memory_space<vmem>>
      %dma_wait3A_211 = tpu.memref_squeeze %dma_wait3A_210 : memref<1x125xi32, #tpu.memory_space<vmem>> -> memref<125xi32, #tpu.memory_space<vmem>>
      %dma_wait3A_212 = arith.constant 0 : i32
      %dma_wait3A_213 = arith.constant 0 : i32
      %dma_wait3A_214 = tpu.memref_slice %arg2[%dma_wait3A_212, %dma_wait3A_213] : memref<10112x64xbf16, #tpu.memory_space<hbm>> -> memref<10112x64xbf16, #tpu.memory_space<hbm>>
      tpu.wait_indirect_dma semaphore(%arg19 : memref<!tpu.dma_semaphore, #tpu.memory_space<semaphore_mem>>) src(%dma_wait3A_214 : memref<10112x64xbf16, #tpu.memory_space<hbm>>) dst(%arg10 : memref<125x64xbf16, #tpu.memory_space<vmem>>)
      "tpu.region"() ({
        %run_scoped3A_291 = tpu.sem_alloc : memref<!tpu.dma_semaphore, #tpu.memory_space<semaphore_mem>>
        %dma_start3A_292 = arith.constant 0 : i32
        %dma_start3A_293 = tpu.memref_slice %arg6[%add3A_207, %dma_start3A_292] : memref<80x125xi32, #tpu.memory_space<vmem>> -> memref<1x125xi32, #tpu.memory_space<vmem>>
        %dma_start3A_294 = tpu.memref_squeeze %dma_start3A_293 : memref<1x125xi32, #tpu.memory_space<vmem>> -> memref<125xi32, #tpu.memory_space<vmem>>
        %dma_start3A_295 = arith.constant 0 : i32
        %dma_start3A_296 = arith.constant 0 : i32
        %dma_start3A_297 = tpu.memref_slice %arg15[%dma_start3A_295, %dma_start3A_296] : memref<10112x64xbf16, #tpu.memory_space<vmem_shared>> -> memref<10112x64xbf16, #tpu.memory_space<vmem_shared>>
        tpu.enqueue_indirect_dma source(%arg10 : memref<125x64xbf16, #tpu.memory_space<vmem>>) target(%dma_start3A_297 : memref<10112x64xbf16, #tpu.memory_space<vmem_shared>>) offsets(%dma_start3A_294 : memref<125xi32, #tpu.memory_space<vmem>>) semaphore(%run_scoped3A_291 : memref<!tpu.dma_semaphore, #tpu.memory_space<semaphore_mem>>) {add = true}
        %dma_wait3A_298 = arith.constant 0 : i32
        %dma_wait3A_299 = tpu.memref_slice %arg6[%add3A_207, %dma_wait3A_298] : memref<80x125xi32, #tpu.memory_space<vmem>> -> memref<1x125xi32, #tpu.memory_space<vmem>>
        %dma_wait3A_300 = tpu.memref_squeeze %dma_wait3A_299 : memref<1x125xi32, #tpu.memory_space<vmem>> -> memref<125xi32, #tpu.memory_space<vmem>>
        %dma_wait3A_301 = arith.constant 0 : i32
        %dma_wait3A_302 = arith.constant 0 : i32
        %dma_wait3A_303 = tpu.memref_slice %arg15[%dma_wait3A_301, %dma_wait3A_302] : memref<10112x64xbf16, #tpu.memory_space<vmem_shared>> -> memref<10112x64xbf16, #tpu.memory_space<vmem_shared>>
        tpu.wait_indirect_dma semaphore(%run_scoped3A_291 : memref<!tpu.dma_semaphore, #tpu.memory_space<semaphore_mem>>) src(%arg10 : memref<125x64xbf16, #tpu.memory_space<vmem>>) dst(%dma_wait3A_303 : memref<10112x64xbf16, #tpu.memory_space<vmem_shared>>)
        tpu.yield
      }) : () -> ()
      %add3A_215 = arith.constant 8 : i32
      %add3A_216 = arith.addi %add3A_207, %add3A_215 : i32
      %dma_start3A_217 = arith.constant 0 : i32
      %dma_start3A_218 = tpu.memref_slice %arg5[%add3A_216, %dma_start3A_217] : memref<80x125xi32, #tpu.memory_space<vmem>> -> memref<1x125xi32, #tpu.memory_space<vmem>>
      %dma_start3A_219 = tpu.memref_squeeze %dma_start3A_218 : memref<1x125xi32, #tpu.memory_space<vmem>> -> memref<125xi32, #tpu.memory_space<vmem>>
      %dma_start3A_220 = arith.constant 0 : i32
      %dma_start3A_221 = arith.constant 0 : i32
      %dma_start3A_222 = tpu.memref_slice %arg2[%dma_start3A_220, %dma_start3A_221] : memref<10112x64xbf16, #tpu.memory_space<hbm>> -> memref<10112x64xbf16, #tpu.memory_space<hbm>>
      tpu.enqueue_indirect_dma source(%dma_start3A_222 : memref<10112x64xbf16, #tpu.memory_space<hbm>>) target(%arg10 : memref<125x64xbf16, #tpu.memory_space<vmem>>) offsets(%dma_start3A_219 : memref<125xi32, #tpu.memory_space<vmem>>) semaphore(%arg19 : memref<!tpu.dma_semaphore, #tpu.memory_space<semaphore_mem>>)
      %add3A_223 = arith.constant 4 : i32
      %add3A_224 = arith.addi %add3A_154, %add3A_223 : i32
      %dma_wait3A_225 = arith.constant 4 : i32
      %dma_wait3A_226 = arith.constant 0 : i32
      %dma_wait3A_227 = tpu.memref_slice %arg5[%dma_wait3A_225, %dma_wait3A_226] : memref<80x125xi32, #tpu.memory_space<vmem>> -> memref<1x125xi32, #tpu.memory_space<vmem>>
      %dma_wait3A_228 = tpu.memref_squeeze %dma_wait3A_227 : memref<1x125xi32, #tpu.memory_space<vmem>> -> memref<125xi32, #tpu.memory_space<vmem>>
      %dma_wait3A_229 = arith.constant 0 : i32
      %dma_wait3A_230 = arith.constant 0 : i32
      %dma_wait3A_231 = tpu.memref_slice %arg2[%dma_wait3A_229, %dma_wait3A_230] : memref<10112x64xbf16, #tpu.memory_space<hbm>> -> memref<10112x64xbf16, #tpu.memory_space<hbm>>
      tpu.wait_indirect_dma semaphore(%arg20 : memref<!tpu.dma_semaphore, #tpu.memory_space<semaphore_mem>>) src(%dma_wait3A_231 : memref<10112x64xbf16, #tpu.memory_space<hbm>>) dst(%arg11 : memref<125x64xbf16, #tpu.memory_space<vmem>>)
      "tpu.region"() ({
        %run_scoped3A_291 = tpu.sem_alloc : memref<!tpu.dma_semaphore, #tpu.memory_space<semaphore_mem>>
        %dma_start3A_292 = arith.constant 0 : i32
        %dma_start3A_293 = tpu.memref_slice %arg6[%add3A_224, %dma_start3A_292] : memref<80x125xi32, #tpu.memory_space<vmem>> -> memref<1x125xi32, #tpu.memory_space<vmem>>
        %dma_start3A_294 = tpu.memref_squeeze %dma_start3A_293 : memref<1x125xi32, #tpu.memory_space<vmem>> -> memref<125xi32, #tpu.memory_space<vmem>>
        %dma_start3A_295 = arith.constant 0 : i32
        %dma_start3A_296 = arith.constant 0 : i32
        %dma_start3A_297 = tpu.memref_slice %arg15[%dma_start3A_295, %dma_start3A_296] : memref<10112x64xbf16, #tpu.memory_space<vmem_shared>> -> memref<10112x64xbf16, #tpu.memory_space<vmem_shared>>
        tpu.enqueue_indirect_dma source(%arg11 : memref<125x64xbf16, #tpu.memory_space<vmem>>) target(%dma_start3A_297 : memref<10112x64xbf16, #tpu.memory_space<vmem_shared>>) offsets(%dma_start3A_294 : memref<125xi32, #tpu.memory_space<vmem>>) semaphore(%run_scoped3A_291 : memref<!tpu.dma_semaphore, #tpu.memory_space<semaphore_mem>>) {add = true}
        %dma_wait3A_298 = arith.constant 0 : i32
        %dma_wait3A_299 = tpu.memref_slice %arg6[%add3A_224, %dma_wait3A_298] : memref<80x125xi32, #tpu.memory_space<vmem>> -> memref<1x125xi32, #tpu.memory_space<vmem>>
        %dma_wait3A_300 = tpu.memref_squeeze %dma_wait3A_299 : memref<1x125xi32, #tpu.memory_space<vmem>> -> memref<125xi32, #tpu.memory_space<vmem>>
        %dma_wait3A_301 = arith.constant 0 : i32
        %dma_wait3A_302 = arith.constant 0 : i32
        %dma_wait3A_303 = tpu.memref_slice %arg15[%dma_wait3A_301, %dma_wait3A_302] : memref<10112x64xbf16, #tpu.memory_space<vmem_shared>> -> memref<10112x64xbf16, #tpu.memory_space<vmem_shared>>
        tpu.wait_indirect_dma semaphore(%run_scoped3A_291 : memref<!tpu.dma_semaphore, #tpu.memory_space<semaphore_mem>>) src(%arg11 : memref<125x64xbf16, #tpu.memory_space<vmem>>) dst(%dma_wait3A_303 : memref<10112x64xbf16, #tpu.memory_space<vmem_shared>>)
        tpu.yield
      }) : () -> ()
      %add3A_232 = arith.constant 8 : i32
      %add3A_233 = arith.addi %add3A_224, %add3A_232 : i32
      %dma_start3A_234 = arith.constant 0 : i32
      %dma_start3A_235 = tpu.memref_slice %arg5[%add3A_233, %dma_start3A_234] : memref<80x125xi32, #tpu.memory_space<vmem>> -> memref<1x125xi32, #tpu.memory_space<vmem>>
      %dma_start3A_236 = tpu.memref_squeeze %dma_start3A_235 : memref<1x125xi32, #tpu.memory_space<vmem>> -> memref<125xi32, #tpu.memory_space<vmem>>
      %dma_start3A_237 = arith.constant 0 : i32
      %dma_start3A_238 = arith.constant 0 : i32
      %dma_start3A_239 = tpu.memref_slice %arg2[%dma_start3A_237, %dma_start3A_238] : memref<10112x64xbf16, #tpu.memory_space<hbm>> -> memref<10112x64xbf16, #tpu.memory_space<hbm>>
      tpu.enqueue_indirect_dma source(%dma_start3A_239 : memref<10112x64xbf16, #tpu.memory_space<hbm>>) target(%arg11 : memref<125x64xbf16, #tpu.memory_space<vmem>>) offsets(%dma_start3A_236 : memref<125xi32, #tpu.memory_space<vmem>>) semaphore(%arg20 : memref<!tpu.dma_semaphore, #tpu.memory_space<semaphore_mem>>)
      %add3A_240 = arith.constant 5 : i32
      %add3A_241 = arith.addi %add3A_154, %add3A_240 : i32
      %dma_wait3A_242 = arith.constant 5 : i32
      %dma_wait3A_243 = arith.constant 0 : i32
      %dma_wait3A_244 = tpu.memref_slice %arg5[%dma_wait3A_242, %dma_wait3A_243] : memref<80x125xi32, #tpu.memory_space<vmem>> -> memref<1x125xi32, #tpu.memory_space<vmem>>
      %dma_wait3A_245 = tpu.memref_squeeze %dma_wait3A_244 : memref<1x125xi32, #tpu.memory_space<vmem>> -> memref<125xi32, #tpu.memory_space<vmem>>
      %dma_wait3A_246 = arith.constant 0 : i32
      %dma_wait3A_247 = arith.constant 0 : i32
      %dma_wait3A_248 = tpu.memref_slice %arg2[%dma_wait3A_246, %dma_wait3A_247] : memref<10112x64xbf16, #tpu.memory_space<hbm>> -> memref<10112x64xbf16, #tpu.memory_space<hbm>>
      tpu.wait_indirect_dma semaphore(%arg21 : memref<!tpu.dma_semaphore, #tpu.memory_space<semaphore_mem>>) src(%dma_wait3A_248 : memref<10112x64xbf16, #tpu.memory_space<hbm>>) dst(%arg12 : memref<125x64xbf16, #tpu.memory_space<vmem>>)
      "tpu.region"() ({
        %run_scoped3A_291 = tpu.sem_alloc : memref<!tpu.dma_semaphore, #tpu.memory_space<semaphore_mem>>
        %dma_start3A_292 = arith.constant 0 : i32
        %dma_start3A_293 = tpu.memref_slice %arg6[%add3A_241, %dma_start3A_292] : memref<80x125xi32, #tpu.memory_space<vmem>> -> memref<1x125xi32, #tpu.memory_space<vmem>>
        %dma_start3A_294 = tpu.memref_squeeze %dma_start3A_293 : memref<1x125xi32, #tpu.memory_space<vmem>> -> memref<125xi32, #tpu.memory_space<vmem>>
        %dma_start3A_295 = arith.constant 0 : i32
        %dma_start3A_296 = arith.constant 0 : i32
        %dma_start3A_297 = tpu.memref_slice %arg15[%dma_start3A_295, %dma_start3A_296] : memref<10112x64xbf16, #tpu.memory_space<vmem_shared>> -> memref<10112x64xbf16, #tpu.memory_space<vmem_shared>>
        tpu.enqueue_indirect_dma source(%arg12 : memref<125x64xbf16, #tpu.memory_space<vmem>>) target(%dma_start3A_297 : memref<10112x64xbf16, #tpu.memory_space<vmem_shared>>) offsets(%dma_start3A_294 : memref<125xi32, #tpu.memory_space<vmem>>) semaphore(%run_scoped3A_291 : memref<!tpu.dma_semaphore, #tpu.memory_space<semaphore_mem>>) {add = true}
        %dma_wait3A_298 = arith.constant 0 : i32
        %dma_wait3A_299 = tpu.memref_slice %arg6[%add3A_241, %dma_wait3A_298] : memref<80x125xi32, #tpu.memory_space<vmem>> -> memref<1x125xi32, #tpu.memory_space<vmem>>
        %dma_wait3A_300 = tpu.memref_squeeze %dma_wait3A_299 : memref<1x125xi32, #tpu.memory_space<vmem>> -> memref<125xi32, #tpu.memory_space<vmem>>
        %dma_wait3A_301 = arith.constant 0 : i32
        %dma_wait3A_302 = arith.constant 0 : i32
        %dma_wait3A_303 = tpu.memref_slice %arg15[%dma_wait3A_301, %dma_wait3A_302] : memref<10112x64xbf16, #tpu.memory_space<vmem_shared>> -> memref<10112x64xbf16, #tpu.memory_space<vmem_shared>>
        tpu.wait_indirect_dma semaphore(%run_scoped3A_291 : memref<!tpu.dma_semaphore, #tpu.memory_space<semaphore_mem>>) src(%arg12 : memref<125x64xbf16, #tpu.memory_space<vmem>>) dst(%dma_wait3A_303 : memref<10112x64xbf16, #tpu.memory_space<vmem_shared>>)
        tpu.yield
      }) : () -> ()
      %add3A_249 = arith.constant 8 : i32
      %add3A_250 = arith.addi %add3A_241, %add3A_249 : i32
      %dma_start3A_251 = arith.constant 0 : i32
      %dma_start3A_252 = tpu.memref_slice %arg5[%add3A_250, %dma_start3A_251] : memref<80x125xi32, #tpu.memory_space<vmem>> -> memref<1x125xi32, #tpu.memory_space<vmem>>
      %dma_start3A_253 = tpu.memref_squeeze %dma_start3A_252 : memref<1x125xi32, #tpu.memory_space<vmem>> -> memref<125xi32, #tpu.memory_space<vmem>>
      %dma_start3A_254 = arith.constant 0 : i32
      %dma_start3A_255 = arith.constant 0 : i32
      %dma_start3A_256 = tpu.memref_slice %arg2[%dma_start3A_254, %dma_start3A_255] : memref<10112x64xbf16, #tpu.memory_space<hbm>> -> memref<10112x64xbf16, #tpu.memory_space<hbm>>
      tpu.enqueue_indirect_dma source(%dma_start3A_256 : memref<10112x64xbf16, #tpu.memory_space<hbm>>) target(%arg12 : memref<125x64xbf16, #tpu.memory_space<vmem>>) offsets(%dma_start3A_253 : memref<125xi32, #tpu.memory_space<vmem>>) semaphore(%arg21 : memref<!tpu.dma_semaphore, #tpu.memory_space<semaphore_mem>>)
      %add3A_257 = arith.constant 6 : i32
      %add3A_258 = arith.addi %add3A_154, %add3A_257 : i32
      %dma_wait3A_259 = arith.constant 6 : i32
      %dma_wait3A_260 = arith.constant 0 : i32
      %dma_wait3A_261 = tpu.memref_slice %arg5[%dma_wait3A_259, %dma_wait3A_260] : memref<80x125xi32, #tpu.memory_space<vmem>> -> memref<1x125xi32, #tpu.memory_space<vmem>>
      %dma_wait3A_262 = tpu.memref_squeeze %dma_wait3A_261 : memref<1x125xi32, #tpu.memory_space<vmem>> -> memref<125xi32, #tpu.memory_space<vmem>>
      %dma_wait3A_263 = arith.constant 0 : i32
      %dma_wait3A_264 = arith.constant 0 : i32
      %dma_wait3A_265 = tpu.memref_slice %arg2[%dma_wait3A_263, %dma_wait3A_264] : memref<10112x64xbf16, #tpu.memory_space<hbm>> -> memref<10112x64xbf16, #tpu.memory_space<hbm>>
      tpu.wait_indirect_dma semaphore(%arg22 : memref<!tpu.dma_semaphore, #tpu.memory_space<semaphore_mem>>) src(%dma_wait3A_265 : memref<10112x64xbf16, #tpu.memory_space<hbm>>) dst(%arg13 : memref<125x64xbf16, #tpu.memory_space<vmem>>)
      "tpu.region"() ({
        %run_scoped3A_291 = tpu.sem_alloc : memref<!tpu.dma_semaphore, #tpu.memory_space<semaphore_mem>>
        %dma_start3A_292 = arith.constant 0 : i32
        %dma_start3A_293 = tpu.memref_slice %arg6[%add3A_258, %dma_start3A_292] : memref<80x125xi32, #tpu.memory_space<vmem>> -> memref<1x125xi32, #tpu.memory_space<vmem>>
        %dma_start3A_294 = tpu.memref_squeeze %dma_start3A_293 : memref<1x125xi32, #tpu.memory_space<vmem>> -> memref<125xi32, #tpu.memory_space<vmem>>
        %dma_start3A_295 = arith.constant 0 : i32
        %dma_start3A_296 = arith.constant 0 : i32
        %dma_start3A_297 = tpu.memref_slice %arg15[%dma_start3A_295, %dma_start3A_296] : memref<10112x64xbf16, #tpu.memory_space<vmem_shared>> -> memref<10112x64xbf16, #tpu.memory_space<vmem_shared>>
        tpu.enqueue_indirect_dma source(%arg13 : memref<125x64xbf16, #tpu.memory_space<vmem>>) target(%dma_start3A_297 : memref<10112x64xbf16, #tpu.memory_space<vmem_shared>>) offsets(%dma_start3A_294 : memref<125xi32, #tpu.memory_space<vmem>>) semaphore(%run_scoped3A_291 : memref<!tpu.dma_semaphore, #tpu.memory_space<semaphore_mem>>) {add = true}
        %dma_wait3A_298 = arith.constant 0 : i32
        %dma_wait3A_299 = tpu.memref_slice %arg6[%add3A_258, %dma_wait3A_298] : memref<80x125xi32, #tpu.memory_space<vmem>> -> memref<1x125xi32, #tpu.memory_space<vmem>>
        %dma_wait3A_300 = tpu.memref_squeeze %dma_wait3A_299 : memref<1x125xi32, #tpu.memory_space<vmem>> -> memref<125xi32, #tpu.memory_space<vmem>>
        %dma_wait3A_301 = arith.constant 0 : i32
        %dma_wait3A_302 = arith.constant 0 : i32
        %dma_wait3A_303 = tpu.memref_slice %arg15[%dma_wait3A_301, %dma_wait3A_302] : memref<10112x64xbf16, #tpu.memory_space<vmem_shared>> -> memref<10112x64xbf16, #tpu.memory_space<vmem_shared>>
        tpu.wait_indirect_dma semaphore(%run_scoped3A_291 : memref<!tpu.dma_semaphore, #tpu.memory_space<semaphore_mem>>) src(%arg13 : memref<125x64xbf16, #tpu.memory_space<vmem>>) dst(%dma_wait3A_303 : memref<10112x64xbf16, #tpu.memory_space<vmem_shared>>)
        tpu.yield
      }) : () -> ()
      %add3A_266 = arith.constant 8 : i32
      %add3A_267 = arith.addi %add3A_258, %add3A_266 : i32
      %dma_start3A_268 = arith.constant 0 : i32
      %dma_start3A_269 = tpu.memref_slice %arg5[%add3A_267, %dma_start3A_268] : memref<80x125xi32, #tpu.memory_space<vmem>> -> memref<1x125xi32, #tpu.memory_space<vmem>>
      %dma_start3A_270 = tpu.memref_squeeze %dma_start3A_269 : memref<1x125xi32, #tpu.memory_space<vmem>> -> memref<125xi32, #tpu.memory_space<vmem>>
      %dma_start3A_271 = arith.constant 0 : i32
      %dma_start3A_272 = arith.constant 0 : i32
      %dma_start3A_273 = tpu.memref_slice %arg2[%dma_start3A_271, %dma_start3A_272] : memref<10112x64xbf16, #tpu.memory_space<hbm>> -> memref<10112x64xbf16, #tpu.memory_space<hbm>>
      tpu.enqueue_indirect_dma source(%dma_start3A_273 : memref<10112x64xbf16, #tpu.memory_space<hbm>>) target(%arg13 : memref<125x64xbf16, #tpu.memory_space<vmem>>) offsets(%dma_start3A_270 : memref<125xi32, #tpu.memory_space<vmem>>) semaphore(%arg22 : memref<!tpu.dma_semaphore, #tpu.memory_space<semaphore_mem>>)
      %add3A_274 = arith.constant 7 : i32
      %add3A_275 = arith.addi %add3A_154, %add3A_274 : i32
      %dma_wait3A_276 = arith.constant 7 : i32
      %dma_wait3A_277 = arith.constant 0 : i32
      %dma_wait3A_278 = tpu.memref_slice %arg5[%dma_wait3A_276, %dma_wait3A_277] : memref<80x125xi32, #tpu.memory_space<vmem>> -> memref<1x125xi32, #tpu.memory_space<vmem>>
      %dma_wait3A_279 = tpu.memref_squeeze %dma_wait3A_278 : memref<1x125xi32, #tpu.memory_space<vmem>> -> memref<125xi32, #tpu.memory_space<vmem>>
      %dma_wait3A_280 = arith.constant 0 : i32
      %dma_wait3A_281 = arith.constant 0 : i32
      %dma_wait3A_282 = tpu.memref_slice %arg2[%dma_wait3A_280, %dma_wait3A_281] : memref<10112x64xbf16, #tpu.memory_space<hbm>> -> memref<10112x64xbf16, #tpu.memory_space<hbm>>
      tpu.wait_indirect_dma semaphore(%arg23 : memref<!tpu.dma_semaphore, #tpu.memory_space<semaphore_mem>>) src(%dma_wait3A_282 : memref<10112x64xbf16, #tpu.memory_space<hbm>>) dst(%arg14 : memref<125x64xbf16, #tpu.memory_space<vmem>>)
      "tpu.region"() ({
        %run_scoped3A_291 = tpu.sem_alloc : memref<!tpu.dma_semaphore, #tpu.memory_space<semaphore_mem>>
        %dma_start3A_292 = arith.constant 0 : i32
        %dma_start3A_293 = tpu.memref_slice %arg6[%add3A_275, %dma_start3A_292] : memref<80x125xi32, #tpu.memory_space<vmem>> -> memref<1x125xi32, #tpu.memory_space<vmem>>
        %dma_start3A_294 = tpu.memref_squeeze %dma_start3A_293 : memref<1x125xi32, #tpu.memory_space<vmem>> -> memref<125xi32, #tpu.memory_space<vmem>>
        %dma_start3A_295 = arith.constant 0 : i32
        %dma_start3A_296 = arith.constant 0 : i32
        %dma_start3A_297 = tpu.memref_slice %arg15[%dma_start3A_295, %dma_start3A_296] : memref<10112x64xbf16, #tpu.memory_space<vmem_shared>> -> memref<10112x64xbf16, #tpu.memory_space<vmem_shared>>
        tpu.enqueue_indirect_dma source(%arg14 : memref<125x64xbf16, #tpu.memory_space<vmem>>) target(%dma_start3A_297 : memref<10112x64xbf16, #tpu.memory_space<vmem_shared>>) offsets(%dma_start3A_294 : memref<125xi32, #tpu.memory_space<vmem>>) semaphore(%run_scoped3A_291 : memref<!tpu.dma_semaphore, #tpu.memory_space<semaphore_mem>>) {add = true}
        %dma_wait3A_298 = arith.constant 0 : i32
        %dma_wait3A_299 = tpu.memref_slice %arg6[%add3A_275, %dma_wait3A_298] : memref<80x125xi32, #tpu.memory_space<vmem>> -> memref<1x125xi32, #tpu.memory_space<vmem>>
        %dma_wait3A_300 = tpu.memref_squeeze %dma_wait3A_299 : memref<1x125xi32, #tpu.memory_space<vmem>> -> memref<125xi32, #tpu.memory_space<vmem>>
        %dma_wait3A_301 = arith.constant 0 : i32
        %dma_wait3A_302 = arith.constant 0 : i32
        %dma_wait3A_303 = tpu.memref_slice %arg15[%dma_wait3A_301, %dma_wait3A_302] : memref<10112x64xbf16, #tpu.memory_space<vmem_shared>> -> memref<10112x64xbf16, #tpu.memory_space<vmem_shared>>
        tpu.wait_indirect_dma semaphore(%run_scoped3A_291 : memref<!tpu.dma_semaphore, #tpu.memory_space<semaphore_mem>>) src(%arg14 : memref<125x64xbf16, #tpu.memory_space<vmem>>) dst(%dma_wait3A_303 : memref<10112x64xbf16, #tpu.memory_space<vmem_shared>>)
        tpu.yield
      }) : () -> ()
      %add3A_283 = arith.constant 8 : i32
      %add3A_284 = arith.addi %add3A_275, %add3A_283 : i32
      %dma_start3A_285 = arith.constant 0 : i32
      %dma_start3A_286 = tpu.memref_slice %arg5[%add3A_284, %dma_start3A_285] : memref<80x125xi32, #tpu.memory_space<vmem>> -> memref<1x125xi32, #tpu.memory_space<vmem>>
      %dma_start3A_287 = tpu.memref_squeeze %dma_start3A_286 : memref<1x125xi32, #tpu.memory_space<vmem>> -> memref<125xi32, #tpu.memory_space<vmem>>
      %dma_start3A_288 = arith.constant 0 : i32
      %dma_start3A_289 = arith.constant 0 : i32
      %dma_start3A_290 = tpu.memref_slice %arg2[%dma_start3A_288, %dma_start3A_289] : memref<10112x64xbf16, #tpu.memory_space<hbm>> -> memref<10112x64xbf16, #tpu.memory_space<hbm>>
      tpu.enqueue_indirect_dma source(%dma_start3A_290 : memref<10112x64xbf16, #tpu.memory_space<hbm>>) target(%arg14 : memref<125x64xbf16, #tpu.memory_space<vmem>>) offsets(%dma_start3A_287 : memref<125xi32, #tpu.memory_space<vmem>>) semaphore(%arg23 : memref<!tpu.dma_semaphore, #tpu.memory_space<semaphore_mem>>)
    }
    %scan3A_85 = arith.constant 9 : i32
    %dma_wait3A = arith.constant 0 : i32
    %dma_wait3A_86 = arith.constant 0 : i32
    %dma_wait3A_87 = tpu.memref_slice %arg5[%dma_wait3A, %dma_wait3A_86] : memref<80x125xi32, #tpu.memory_space<vmem>> -> memref<1x125xi32, #tpu.memory_space<vmem>>
    %dma_wait3A_88 = tpu.memref_squeeze %dma_wait3A_87 : memref<1x125xi32, #tpu.memory_space<vmem>> -> memref<125xi32, #tpu.memory_space<vmem>>
    %dma_wait3A_89 = arith.constant 0 : i32
    %dma_wait3A_90 = arith.constant 0 : i32
    %dma_wait3A_91 = tpu.memref_slice %arg2[%dma_wait3A_89, %dma_wait3A_90] : memref<10112x64xbf16, #tpu.memory_space<hbm>> -> memref<10112x64xbf16, #tpu.memory_space<hbm>>
    tpu.wait_indirect_dma semaphore(%arg16 : memref<!tpu.dma_semaphore, #tpu.memory_space<semaphore_mem>>) src(%dma_wait3A_91 : memref<10112x64xbf16, #tpu.memory_space<hbm>>) dst(%arg7 : memref<125x64xbf16, #tpu.memory_space<vmem>>)
    %run_scoped3A_92 = arith.constant 72 : i32
    "tpu.region"() ({
      %run_scoped3A_150 = tpu.sem_alloc : memref<!tpu.dma_semaphore, #tpu.memory_space<semaphore_mem>>
      %dma_start3A_151 = arith.constant 0 : i32
      %dma_start3A_152 = tpu.memref_slice %arg6[%run_scoped3A_92, %dma_start3A_151] : memref<80x125xi32, #tpu.memory_space<vmem>> -> memref<1x125xi32, #tpu.memory_space<vmem>>
      %dma_start3A_153 = tpu.memref_squeeze %dma_start3A_152 : memref<1x125xi32, #tpu.memory_space<vmem>> -> memref<125xi32, #tpu.memory_space<vmem>>
      %dma_start3A_154 = arith.constant 0 : i32
      %dma_start3A_155 = arith.constant 0 : i32
      %dma_start3A_156 = tpu.memref_slice %arg15[%dma_start3A_154, %dma_start3A_155] : memref<10112x64xbf16, #tpu.memory_space<vmem_shared>> -> memref<10112x64xbf16, #tpu.memory_space<vmem_shared>>
      tpu.enqueue_indirect_dma source(%arg7 : memref<125x64xbf16, #tpu.memory_space<vmem>>) target(%dma_start3A_156 : memref<10112x64xbf16, #tpu.memory_space<vmem_shared>>) offsets(%dma_start3A_153 : memref<125xi32, #tpu.memory_space<vmem>>) semaphore(%run_scoped3A_150 : memref<!tpu.dma_semaphore, #tpu.memory_space<semaphore_mem>>) {add = true}
      %dma_wait3A_157 = arith.constant 0 : i32
      %dma_wait3A_158 = tpu.memref_slice %arg6[%run_scoped3A_92, %dma_wait3A_157] : memref<80x125xi32, #tpu.memory_space<vmem>> -> memref<1x125xi32, #tpu.memory_space<vmem>>
      %dma_wait3A_159 = tpu.memref_squeeze %dma_wait3A_158 : memref<1x125xi32, #tpu.memory_space<vmem>> -> memref<125xi32, #tpu.memory_space<vmem>>
      %dma_wait3A_160 = arith.constant 0 : i32
      %dma_wait3A_161 = arith.constant 0 : i32
      %dma_wait3A_162 = tpu.memref_slice %arg15[%dma_wait3A_160, %dma_wait3A_161] : memref<10112x64xbf16, #tpu.memory_space<vmem_shared>> -> memref<10112x64xbf16, #tpu.memory_space<vmem_shared>>
      tpu.wait_indirect_dma semaphore(%run_scoped3A_150 : memref<!tpu.dma_semaphore, #tpu.memory_space<semaphore_mem>>) src(%arg7 : memref<125x64xbf16, #tpu.memory_space<vmem>>) dst(%dma_wait3A_162 : memref<10112x64xbf16, #tpu.memory_space<vmem_shared>>)
      tpu.yield
    }) : () -> ()
    %dma_wait3A_93 = arith.constant 1 : i32
    %dma_wait3A_94 = arith.constant 0 : i32
    %dma_wait3A_95 = tpu.memref_slice %arg5[%dma_wait3A_93, %dma_wait3A_94] : memref<80x125xi32, #tpu.memory_space<vmem>> -> memref<1x125xi32, #tpu.memory_space<vmem>>
    %dma_wait3A_96 = tpu.memref_squeeze %dma_wait3A_95 : memref<1x125xi32, #tpu.memory_space<vmem>> -> memref<125xi32, #tpu.memory_space<vmem>>
    %dma_wait3A_97 = arith.constant 0 : i32
    %dma_wait3A_98 = arith.constant 0 : i32
    %dma_wait3A_99 = tpu.memref_slice %arg2[%dma_wait3A_97, %dma_wait3A_98] : memref<10112x64xbf16, #tpu.memory_space<hbm>> -> memref<10112x64xbf16, #tpu.memory_space<hbm>>
    tpu.wait_indirect_dma semaphore(%arg17 : memref<!tpu.dma_semaphore, #tpu.memory_space<semaphore_mem>>) src(%dma_wait3A_99 : memref<10112x64xbf16, #tpu.memory_space<hbm>>) dst(%arg8 : memref<125x64xbf16, #tpu.memory_space<vmem>>)
    %run_scoped3A_100 = arith.constant 73 : i32
    "tpu.region"() ({
      %run_scoped3A_150 = tpu.sem_alloc : memref<!tpu.dma_semaphore, #tpu.memory_space<semaphore_mem>>
      %dma_start3A_151 = arith.constant 0 : i32
      %dma_start3A_152 = tpu.memref_slice %arg6[%run_scoped3A_100, %dma_start3A_151] : memref<80x125xi32, #tpu.memory_space<vmem>> -> memref<1x125xi32, #tpu.memory_space<vmem>>
      %dma_start3A_153 = tpu.memref_squeeze %dma_start3A_152 : memref<1x125xi32, #tpu.memory_space<vmem>> -> memref<125xi32, #tpu.memory_space<vmem>>
      %dma_start3A_154 = arith.constant 0 : i32
      %dma_start3A_155 = arith.constant 0 : i32
      %dma_start3A_156 = tpu.memref_slice %arg15[%dma_start3A_154, %dma_start3A_155] : memref<10112x64xbf16, #tpu.memory_space<vmem_shared>> -> memref<10112x64xbf16, #tpu.memory_space<vmem_shared>>
      tpu.enqueue_indirect_dma source(%arg8 : memref<125x64xbf16, #tpu.memory_space<vmem>>) target(%dma_start3A_156 : memref<10112x64xbf16, #tpu.memory_space<vmem_shared>>) offsets(%dma_start3A_153 : memref<125xi32, #tpu.memory_space<vmem>>) semaphore(%run_scoped3A_150 : memref<!tpu.dma_semaphore, #tpu.memory_space<semaphore_mem>>) {add = true}
      %dma_wait3A_157 = arith.constant 0 : i32
      %dma_wait3A_158 = tpu.memref_slice %arg6[%run_scoped3A_100, %dma_wait3A_157] : memref<80x125xi32, #tpu.memory_space<vmem>> -> memref<1x125xi32, #tpu.memory_space<vmem>>
      %dma_wait3A_159 = tpu.memref_squeeze %dma_wait3A_158 : memref<1x125xi32, #tpu.memory_space<vmem>> -> memref<125xi32, #tpu.memory_space<vmem>>
      %dma_wait3A_160 = arith.constant 0 : i32
      %dma_wait3A_161 = arith.constant 0 : i32
      %dma_wait3A_162 = tpu.memref_slice %arg15[%dma_wait3A_160, %dma_wait3A_161] : memref<10112x64xbf16, #tpu.memory_space<vmem_shared>> -> memref<10112x64xbf16, #tpu.memory_space<vmem_shared>>
      tpu.wait_indirect_dma semaphore(%run_scoped3A_150 : memref<!tpu.dma_semaphore, #tpu.memory_space<semaphore_mem>>) src(%arg8 : memref<125x64xbf16, #tpu.memory_space<vmem>>) dst(%dma_wait3A_162 : memref<10112x64xbf16, #tpu.memory_space<vmem_shared>>)
      tpu.yield
    }) : () -> ()
    %dma_wait3A_101 = arith.constant 2 : i32
    %dma_wait3A_102 = arith.constant 0 : i32
    %dma_wait3A_103 = tpu.memref_slice %arg5[%dma_wait3A_101, %dma_wait3A_102] : memref<80x125xi32, #tpu.memory_space<vmem>> -> memref<1x125xi32, #tpu.memory_space<vmem>>
    %dma_wait3A_104 = tpu.memref_squeeze %dma_wait3A_103 : memref<1x125xi32, #tpu.memory_space<vmem>> -> memref<125xi32, #tpu.memory_space<vmem>>
    %dma_wait3A_105 = arith.constant 0 : i32
    %dma_wait3A_106 = arith.constant 0 : i32
    %dma_wait3A_107 = tpu.memref_slice %arg2[%dma_wait3A_105, %dma_wait3A_106] : memref<10112x64xbf16, #tpu.memory_space<hbm>> -> memref<10112x64xbf16, #tpu.memory_space<hbm>>
    tpu.wait_indirect_dma semaphore(%arg18 : memref<!tpu.dma_semaphore, #tpu.memory_space<semaphore_mem>>) src(%dma_wait3A_107 : memref<10112x64xbf16, #tpu.memory_space<hbm>>) dst(%arg9 : memref<125x64xbf16, #tpu.memory_space<vmem>>)
    %run_scoped3A_108 = arith.constant 74 : i32
    "tpu.region"() ({
      %run_scoped3A_150 = tpu.sem_alloc : memref<!tpu.dma_semaphore, #tpu.memory_space<semaphore_mem>>
      %dma_start3A_151 = arith.constant 0 : i32
      %dma_start3A_152 = tpu.memref_slice %arg6[%run_scoped3A_108, %dma_start3A_151] : memref<80x125xi32, #tpu.memory_space<vmem>> -> memref<1x125xi32, #tpu.memory_space<vmem>>
      %dma_start3A_153 = tpu.memref_squeeze %dma_start3A_152 : memref<1x125xi32, #tpu.memory_space<vmem>> -> memref<125xi32, #tpu.memory_space<vmem>>
      %dma_start3A_154 = arith.constant 0 : i32
      %dma_start3A_155 = arith.constant 0 : i32
      %dma_start3A_156 = tpu.memref_slice %arg15[%dma_start3A_154, %dma_start3A_155] : memref<10112x64xbf16, #tpu.memory_space<vmem_shared>> -> memref<10112x64xbf16, #tpu.memory_space<vmem_shared>>
      tpu.enqueue_indirect_dma source(%arg9 : memref<125x64xbf16, #tpu.memory_space<vmem>>) target(%dma_start3A_156 : memref<10112x64xbf16, #tpu.memory_space<vmem_shared>>) offsets(%dma_start3A_153 : memref<125xi32, #tpu.memory_space<vmem>>) semaphore(%run_scoped3A_150 : memref<!tpu.dma_semaphore, #tpu.memory_space<semaphore_mem>>) {add = true}
      %dma_wait3A_157 = arith.constant 0 : i32
      %dma_wait3A_158 = tpu.memref_slice %arg6[%run_scoped3A_108, %dma_wait3A_157] : memref<80x125xi32, #tpu.memory_space<vmem>> -> memref<1x125xi32, #tpu.memory_space<vmem>>
      %dma_wait3A_159 = tpu.memref_squeeze %dma_wait3A_158 : memref<1x125xi32, #tpu.memory_space<vmem>> -> memref<125xi32, #tpu.memory_space<vmem>>
      %dma_wait3A_160 = arith.constant 0 : i32
      %dma_wait3A_161 = arith.constant 0 : i32
      %dma_wait3A_162 = tpu.memref_slice %arg15[%dma_wait3A_160, %dma_wait3A_161] : memref<10112x64xbf16, #tpu.memory_space<vmem_shared>> -> memref<10112x64xbf16, #tpu.memory_space<vmem_shared>>
      tpu.wait_indirect_dma semaphore(%run_scoped3A_150 : memref<!tpu.dma_semaphore, #tpu.memory_space<semaphore_mem>>) src(%arg9 : memref<125x64xbf16, #tpu.memory_space<vmem>>) dst(%dma_wait3A_162 : memref<10112x64xbf16, #tpu.memory_space<vmem_shared>>)
      tpu.yield
    }) : () -> ()
    %dma_wait3A_109 = arith.constant 3 : i32
    %dma_wait3A_110 = arith.constant 0 : i32
    %dma_wait3A_111 = tpu.memref_slice %arg5[%dma_wait3A_109, %dma_wait3A_110] : memref<80x125xi32, #tpu.memory_space<vmem>> -> memref<1x125xi32, #tpu.memory_space<vmem>>
    %dma_wait3A_112 = tpu.memref_squeeze %dma_wait3A_111 : memref<1x125xi32, #tpu.memory_space<vmem>> -> memref<125xi32, #tpu.memory_space<vmem>>
    %dma_wait3A_113 = arith.constant 0 : i32
    %dma_wait3A_114 = arith.constant 0 : i32
    %dma_wait3A_115 = tpu.memref_slice %arg2[%dma_wait3A_113, %dma_wait3A_114] : memref<10112x64xbf16, #tpu.memory_space<hbm>> -> memref<10112x64xbf16, #tpu.memory_space<hbm>>
    tpu.wait_indirect_dma semaphore(%arg19 : memref<!tpu.dma_semaphore, #tpu.memory_space<semaphore_mem>>) src(%dma_wait3A_115 : memref<10112x64xbf16, #tpu.memory_space<hbm>>) dst(%arg10 : memref<125x64xbf16, #tpu.memory_space<vmem>>)
    %run_scoped3A_116 = arith.constant 75 : i32
    "tpu.region"() ({
      %run_scoped3A_150 = tpu.sem_alloc : memref<!tpu.dma_semaphore, #tpu.memory_space<semaphore_mem>>
      %dma_start3A_151 = arith.constant 0 : i32
      %dma_start3A_152 = tpu.memref_slice %arg6[%run_scoped3A_116, %dma_start3A_151] : memref<80x125xi32, #tpu.memory_space<vmem>> -> memref<1x125xi32, #tpu.memory_space<vmem>>
      %dma_start3A_153 = tpu.memref_squeeze %dma_start3A_152 : memref<1x125xi32, #tpu.memory_space<vmem>> -> memref<125xi32, #tpu.memory_space<vmem>>
      %dma_start3A_154 = arith.constant 0 : i32
      %dma_start3A_155 = arith.constant 0 : i32
      %dma_start3A_156 = tpu.memref_slice %arg15[%dma_start3A_154, %dma_start3A_155] : memref<10112x64xbf16, #tpu.memory_space<vmem_shared>> -> memref<10112x64xbf16, #tpu.memory_space<vmem_shared>>
      tpu.enqueue_indirect_dma source(%arg10 : memref<125x64xbf16, #tpu.memory_space<vmem>>) target(%dma_start3A_156 : memref<10112x64xbf16, #tpu.memory_space<vmem_shared>>) offsets(%dma_start3A_153 : memref<125xi32, #tpu.memory_space<vmem>>) semaphore(%run_scoped3A_150 : memref<!tpu.dma_semaphore, #tpu.memory_space<semaphore_mem>>) {add = true}
      %dma_wait3A_157 = arith.constant 0 : i32
      %dma_wait3A_158 = tpu.memref_slice %arg6[%run_scoped3A_116, %dma_wait3A_157] : memref<80x125xi32, #tpu.memory_space<vmem>> -> memref<1x125xi32, #tpu.memory_space<vmem>>
      %dma_wait3A_159 = tpu.memref_squeeze %dma_wait3A_158 : memref<1x125xi32, #tpu.memory_space<vmem>> -> memref<125xi32, #tpu.memory_space<vmem>>
      %dma_wait3A_160 = arith.constant 0 : i32
      %dma_wait3A_161 = arith.constant 0 : i32
      %dma_wait3A_162 = tpu.memref_slice %arg15[%dma_wait3A_160, %dma_wait3A_161] : memref<10112x64xbf16, #tpu.memory_space<vmem_shared>> -> memref<10112x64xbf16, #tpu.memory_space<vmem_shared>>
      tpu.wait_indirect_dma semaphore(%run_scoped3A_150 : memref<!tpu.dma_semaphore, #tpu.memory_space<semaphore_mem>>) src(%arg10 : memref<125x64xbf16, #tpu.memory_space<vmem>>) dst(%dma_wait3A_162 : memref<10112x64xbf16, #tpu.memory_space<vmem_shared>>)
      tpu.yield
    }) : () -> ()
    %dma_wait3A_117 = arith.constant 4 : i32
    %dma_wait3A_118 = arith.constant 0 : i32
    %dma_wait3A_119 = tpu.memref_slice %arg5[%dma_wait3A_117, %dma_wait3A_118] : memref<80x125xi32, #tpu.memory_space<vmem>> -> memref<1x125xi32, #tpu.memory_space<vmem>>
    %dma_wait3A_120 = tpu.memref_squeeze %dma_wait3A_119 : memref<1x125xi32, #tpu.memory_space<vmem>> -> memref<125xi32, #tpu.memory_space<vmem>>
    %dma_wait3A_121 = arith.constant 0 : i32
    %dma_wait3A_122 = arith.constant 0 : i32
    %dma_wait3A_123 = tpu.memref_slice %arg2[%dma_wait3A_121, %dma_wait3A_122] : memref<10112x64xbf16, #tpu.memory_space<hbm>> -> memref<10112x64xbf16, #tpu.memory_space<hbm>>
    tpu.wait_indirect_dma semaphore(%arg20 : memref<!tpu.dma_semaphore, #tpu.memory_space<semaphore_mem>>) src(%dma_wait3A_123 : memref<10112x64xbf16, #tpu.memory_space<hbm>>) dst(%arg11 : memref<125x64xbf16, #tpu.memory_space<vmem>>)
    %run_scoped3A_124 = arith.constant 76 : i32
    "tpu.region"() ({
      %run_scoped3A_150 = tpu.sem_alloc : memref<!tpu.dma_semaphore, #tpu.memory_space<semaphore_mem>>
      %dma_start3A_151 = arith.constant 0 : i32
      %dma_start3A_152 = tpu.memref_slice %arg6[%run_scoped3A_124, %dma_start3A_151] : memref<80x125xi32, #tpu.memory_space<vmem>> -> memref<1x125xi32, #tpu.memory_space<vmem>>
      %dma_start3A_153 = tpu.memref_squeeze %dma_start3A_152 : memref<1x125xi32, #tpu.memory_space<vmem>> -> memref<125xi32, #tpu.memory_space<vmem>>
      %dma_start3A_154 = arith.constant 0 : i32
      %dma_start3A_155 = arith.constant 0 : i32
      %dma_start3A_156 = tpu.memref_slice %arg15[%dma_start3A_154, %dma_start3A_155] : memref<10112x64xbf16, #tpu.memory_space<vmem_shared>> -> memref<10112x64xbf16, #tpu.memory_space<vmem_shared>>
      tpu.enqueue_indirect_dma source(%arg11 : memref<125x64xbf16, #tpu.memory_space<vmem>>) target(%dma_start3A_156 : memref<10112x64xbf16, #tpu.memory_space<vmem_shared>>) offsets(%dma_start3A_153 : memref<125xi32, #tpu.memory_space<vmem>>) semaphore(%run_scoped3A_150 : memref<!tpu.dma_semaphore, #tpu.memory_space<semaphore_mem>>) {add = true}
      %dma_wait3A_157 = arith.constant 0 : i32
      %dma_wait3A_158 = tpu.memref_slice %arg6[%run_scoped3A_124, %dma_wait3A_157] : memref<80x125xi32, #tpu.memory_space<vmem>> -> memref<1x125xi32, #tpu.memory_space<vmem>>
      %dma_wait3A_159 = tpu.memref_squeeze %dma_wait3A_158 : memref<1x125xi32, #tpu.memory_space<vmem>> -> memref<125xi32, #tpu.memory_space<vmem>>
      %dma_wait3A_160 = arith.constant 0 : i32
      %dma_wait3A_161 = arith.constant 0 : i32
      %dma_wait3A_162 = tpu.memref_slice %arg15[%dma_wait3A_160, %dma_wait3A_161] : memref<10112x64xbf16, #tpu.memory_space<vmem_shared>> -> memref<10112x64xbf16, #tpu.memory_space<vmem_shared>>
      tpu.wait_indirect_dma semaphore(%run_scoped3A_150 : memref<!tpu.dma_semaphore, #tpu.memory_space<semaphore_mem>>) src(%arg11 : memref<125x64xbf16, #tpu.memory_space<vmem>>) dst(%dma_wait3A_162 : memref<10112x64xbf16, #tpu.memory_space<vmem_shared>>)
      tpu.yield
    }) : () -> ()
    %dma_wait3A_125 = arith.constant 5 : i32
    %dma_wait3A_126 = arith.constant 0 : i32
    %dma_wait3A_127 = tpu.memref_slice %arg5[%dma_wait3A_125, %dma_wait3A_126] : memref<80x125xi32, #tpu.memory_space<vmem>> -> memref<1x125xi32, #tpu.memory_space<vmem>>
    %dma_wait3A_128 = tpu.memref_squeeze %dma_wait3A_127 : memref<1x125xi32, #tpu.memory_space<vmem>> -> memref<125xi32, #tpu.memory_space<vmem>>
    %dma_wait3A_129 = arith.constant 0 : i32
    %dma_wait3A_130 = arith.constant 0 : i32
    %dma_wait3A_131 = tpu.memref_slice %arg2[%dma_wait3A_129, %dma_wait3A_130] : memref<10112x64xbf16, #tpu.memory_space<hbm>> -> memref<10112x64xbf16, #tpu.memory_space<hbm>>
    tpu.wait_indirect_dma semaphore(%arg21 : memref<!tpu.dma_semaphore, #tpu.memory_space<semaphore_mem>>) src(%dma_wait3A_131 : memref<10112x64xbf16, #tpu.memory_space<hbm>>) dst(%arg12 : memref<125x64xbf16, #tpu.memory_space<vmem>>)
    %run_scoped3A_132 = arith.constant 77 : i32
    "tpu.region"() ({
      %run_scoped3A_150 = tpu.sem_alloc : memref<!tpu.dma_semaphore, #tpu.memory_space<semaphore_mem>>
      %dma_start3A_151 = arith.constant 0 : i32
      %dma_start3A_152 = tpu.memref_slice %arg6[%run_scoped3A_132, %dma_start3A_151] : memref<80x125xi32, #tpu.memory_space<vmem>> -> memref<1x125xi32, #tpu.memory_space<vmem>>
      %dma_start3A_153 = tpu.memref_squeeze %dma_start3A_152 : memref<1x125xi32, #tpu.memory_space<vmem>> -> memref<125xi32, #tpu.memory_space<vmem>>
      %dma_start3A_154 = arith.constant 0 : i32
      %dma_start3A_155 = arith.constant 0 : i32
      %dma_start3A_156 = tpu.memref_slice %arg15[%dma_start3A_154, %dma_start3A_155] : memref<10112x64xbf16, #tpu.memory_space<vmem_shared>> -> memref<10112x64xbf16, #tpu.memory_space<vmem_shared>>
      tpu.enqueue_indirect_dma source(%arg12 : memref<125x64xbf16, #tpu.memory_space<vmem>>) target(%dma_start3A_156 : memref<10112x64xbf16, #tpu.memory_space<vmem_shared>>) offsets(%dma_start3A_153 : memref<125xi32, #tpu.memory_space<vmem>>) semaphore(%run_scoped3A_150 : memref<!tpu.dma_semaphore, #tpu.memory_space<semaphore_mem>>) {add = true}
      %dma_wait3A_157 = arith.constant 0 : i32
      %dma_wait3A_158 = tpu.memref_slice %arg6[%run_scoped3A_132, %dma_wait3A_157] : memref<80x125xi32, #tpu.memory_space<vmem>> -> memref<1x125xi32, #tpu.memory_space<vmem>>
      %dma_wait3A_159 = tpu.memref_squeeze %dma_wait3A_158 : memref<1x125xi32, #tpu.memory_space<vmem>> -> memref<125xi32, #tpu.memory_space<vmem>>
      %dma_wait3A_160 = arith.constant 0 : i32
      %dma_wait3A_161 = arith.constant 0 : i32
      %dma_wait3A_162 = tpu.memref_slice %arg15[%dma_wait3A_160, %dma_wait3A_161] : memref<10112x64xbf16, #tpu.memory_space<vmem_shared>> -> memref<10112x64xbf16, #tpu.memory_space<vmem_shared>>
      tpu.wait_indirect_dma semaphore(%run_scoped3A_150 : memref<!tpu.dma_semaphore, #tpu.memory_space<semaphore_mem>>) src(%arg12 : memref<125x64xbf16, #tpu.memory_space<vmem>>) dst(%dma_wait3A_162 : memref<10112x64xbf16, #tpu.memory_space<vmem_shared>>)
      tpu.yield
    }) : () -> ()
    %dma_wait3A_133 = arith.constant 6 : i32
    %dma_wait3A_134 = arith.constant 0 : i32
    %dma_wait3A_135 = tpu.memref_slice %arg5[%dma_wait3A_133, %dma_wait3A_134] : memref<80x125xi32, #tpu.memory_space<vmem>> -> memref<1x125xi32, #tpu.memory_space<vmem>>
    %dma_wait3A_136 = tpu.memref_squeeze %dma_wait3A_135 : memref<1x125xi32, #tpu.memory_space<vmem>> -> memref<125xi32, #tpu.memory_space<vmem>>
    %dma_wait3A_137 = arith.constant 0 : i32
    %dma_wait3A_138 = arith.constant 0 : i32
    %dma_wait3A_139 = tpu.memref_slice %arg2[%dma_wait3A_137, %dma_wait3A_138] : memref<10112x64xbf16, #tpu.memory_space<hbm>> -> memref<10112x64xbf16, #tpu.memory_space<hbm>>
    tpu.wait_indirect_dma semaphore(%arg22 : memref<!tpu.dma_semaphore, #tpu.memory_space<semaphore_mem>>) src(%dma_wait3A_139 : memref<10112x64xbf16, #tpu.memory_space<hbm>>) dst(%arg13 : memref<125x64xbf16, #tpu.memory_space<vmem>>)
    %run_scoped3A_140 = arith.constant 78 : i32
    "tpu.region"() ({
      %run_scoped3A_150 = tpu.sem_alloc : memref<!tpu.dma_semaphore, #tpu.memory_space<semaphore_mem>>
      %dma_start3A_151 = arith.constant 0 : i32
      %dma_start3A_152 = tpu.memref_slice %arg6[%run_scoped3A_140, %dma_start3A_151] : memref<80x125xi32, #tpu.memory_space<vmem>> -> memref<1x125xi32, #tpu.memory_space<vmem>>
      %dma_start3A_153 = tpu.memref_squeeze %dma_start3A_152 : memref<1x125xi32, #tpu.memory_space<vmem>> -> memref<125xi32, #tpu.memory_space<vmem>>
      %dma_start3A_154 = arith.constant 0 : i32
      %dma_start3A_155 = arith.constant 0 : i32
      %dma_start3A_156 = tpu.memref_slice %arg15[%dma_start3A_154, %dma_start3A_155] : memref<10112x64xbf16, #tpu.memory_space<vmem_shared>> -> memref<10112x64xbf16, #tpu.memory_space<vmem_shared>>
      tpu.enqueue_indirect_dma source(%arg13 : memref<125x64xbf16, #tpu.memory_space<vmem>>) target(%dma_start3A_156 : memref<10112x64xbf16, #tpu.memory_space<vmem_shared>>) offsets(%dma_start3A_153 : memref<125xi32, #tpu.memory_space<vmem>>) semaphore(%run_scoped3A_150 : memref<!tpu.dma_semaphore, #tpu.memory_space<semaphore_mem>>) {add = true}
      %dma_wait3A_157 = arith.constant 0 : i32
      %dma_wait3A_158 = tpu.memref_slice %arg6[%run_scoped3A_140, %dma_wait3A_157] : memref<80x125xi32, #tpu.memory_space<vmem>> -> memref<1x125xi32, #tpu.memory_space<vmem>>
      %dma_wait3A_159 = tpu.memref_squeeze %dma_wait3A_158 : memref<1x125xi32, #tpu.memory_space<vmem>> -> memref<125xi32, #tpu.memory_space<vmem>>
      %dma_wait3A_160 = arith.constant 0 : i32
      %dma_wait3A_161 = arith.constant 0 : i32
      %dma_wait3A_162 = tpu.memref_slice %arg15[%dma_wait3A_160, %dma_wait3A_161] : memref<10112x64xbf16, #tpu.memory_space<vmem_shared>> -> memref<10112x64xbf16, #tpu.memory_space<vmem_shared>>
      tpu.wait_indirect_dma semaphore(%run_scoped3A_150 : memref<!tpu.dma_semaphore, #tpu.memory_space<semaphore_mem>>) src(%arg13 : memref<125x64xbf16, #tpu.memory_space<vmem>>) dst(%dma_wait3A_162 : memref<10112x64xbf16, #tpu.memory_space<vmem_shared>>)
      tpu.yield
    }) : () -> ()
    %dma_wait3A_141 = arith.constant 7 : i32
    %dma_wait3A_142 = arith.constant 0 : i32
    %dma_wait3A_143 = tpu.memref_slice %arg5[%dma_wait3A_141, %dma_wait3A_142] : memref<80x125xi32, #tpu.memory_space<vmem>> -> memref<1x125xi32, #tpu.memory_space<vmem>>
    %dma_wait3A_144 = tpu.memref_squeeze %dma_wait3A_143 : memref<1x125xi32, #tpu.memory_space<vmem>> -> memref<125xi32, #tpu.memory_space<vmem>>
    %dma_wait3A_145 = arith.constant 0 : i32
    %dma_wait3A_146 = arith.constant 0 : i32
    %dma_wait3A_147 = tpu.memref_slice %arg2[%dma_wait3A_145, %dma_wait3A_146] : memref<10112x64xbf16, #tpu.memory_space<hbm>> -> memref<10112x64xbf16, #tpu.memory_space<hbm>>
    tpu.wait_indirect_dma semaphore(%arg23 : memref<!tpu.dma_semaphore, #tpu.memory_space<semaphore_mem>>) src(%dma_wait3A_147 : memref<10112x64xbf16, #tpu.memory_space<hbm>>) dst(%arg14 : memref<125x64xbf16, #tpu.memory_space<vmem>>)
    %run_scoped3A_148 = arith.constant 79 : i32
    "tpu.region"() ({
      %run_scoped3A_150 = tpu.sem_alloc : memref<!tpu.dma_semaphore, #tpu.memory_space<semaphore_mem>>
      %dma_start3A_151 = arith.constant 0 : i32
      %dma_start3A_152 = tpu.memref_slice %arg6[%run_scoped3A_148, %dma_start3A_151] : memref<80x125xi32, #tpu.memory_space<vmem>> -> memref<1x125xi32, #tpu.memory_space<vmem>>
      %dma_start3A_153 = tpu.memref_squeeze %dma_start3A_152 : memref<1x125xi32, #tpu.memory_space<vmem>> -> memref<125xi32, #tpu.memory_space<vmem>>
      %dma_start3A_154 = arith.constant 0 : i32
      %dma_start3A_155 = arith.constant 0 : i32
      %dma_start3A_156 = tpu.memref_slice %arg15[%dma_start3A_154, %dma_start3A_155] : memref<10112x64xbf16, #tpu.memory_space<vmem_shared>> -> memref<10112x64xbf16, #tpu.memory_space<vmem_shared>>
      tpu.enqueue_indirect_dma source(%arg14 : memref<125x64xbf16, #tpu.memory_space<vmem>>) target(%dma_start3A_156 : memref<10112x64xbf16, #tpu.memory_space<vmem_shared>>) offsets(%dma_start3A_153 : memref<125xi32, #tpu.memory_space<vmem>>) semaphore(%run_scoped3A_150 : memref<!tpu.dma_semaphore, #tpu.memory_space<semaphore_mem>>) {add = true}
      %dma_wait3A_157 = arith.constant 0 : i32
      %dma_wait3A_158 = tpu.memref_slice %arg6[%run_scoped3A_148, %dma_wait3A_157] : memref<80x125xi32, #tpu.memory_space<vmem>> -> memref<1x125xi32, #tpu.memory_space<vmem>>
      %dma_wait3A_159 = tpu.memref_squeeze %dma_wait3A_158 : memref<1x125xi32, #tpu.memory_space<vmem>> -> memref<125xi32, #tpu.memory_space<vmem>>
      %dma_wait3A_160 = arith.constant 0 : i32
      %dma_wait3A_161 = arith.constant 0 : i32
      %dma_wait3A_162 = tpu.memref_slice %arg15[%dma_wait3A_160, %dma_wait3A_161] : memref<10112x64xbf16, #tpu.memory_space<vmem_shared>> -> memref<10112x64xbf16, #tpu.memory_space<vmem_shared>>
      tpu.wait_indirect_dma semaphore(%run_scoped3A_150 : memref<!tpu.dma_semaphore, #tpu.memory_space<semaphore_mem>>) src(%arg14 : memref<125x64xbf16, #tpu.memory_space<vmem>>) dst(%dma_wait3A_162 : memref<10112x64xbf16, #tpu.memory_space<vmem_shared>>)
      tpu.yield
    }) : () -> ()
    %barrier3A_149 = arith.constant 0 : index
    tpu.barrier barrier_id(%barrier3A_149)
    "tpu.region"() ({
      %run_scoped3A_150 = tpu.sem_alloc : memref<!tpu.dma_semaphore, #tpu.memory_space<semaphore_mem>>
      %dma_start3A_151 = arith.constant 0 : i32
      %dma_start3A_152 = tpu.memref_slice %arg4[%arg0, %mul3A_2, %dma_start3A_151] : memref<2x10112x64xbf16, #tpu.memory_space<hbm>> -> memref<1x632x64xbf16, #tpu.memory_space<hbm>>
      %dma_start3A_153 = tpu.memref_squeeze %dma_start3A_152 : memref<1x632x64xbf16, #tpu.memory_space<hbm>> -> memref<632x64xbf16, #tpu.memory_space<hbm>>
      %dma_start3A_154 = arith.constant 0 : i32
      %dma_start3A_155 = tpu.memref_slice %arg15[%mul3A_2, %dma_start3A_154] : memref<10112x64xbf16, #tpu.memory_space<vmem_shared>> -> memref<632x64xbf16, #tpu.memory_space<vmem_shared>>
      tpu.enqueue_dma source(%dma_start3A_155 : memref<632x64xbf16, #tpu.memory_space<vmem_shared>>) target(%dma_start3A_153 : memref<632x64xbf16, #tpu.memory_space<hbm>>) target_semaphore(%run_scoped3A_150 : memref<!tpu.dma_semaphore, #tpu.memory_space<semaphore_mem>>)
      %dma_wait3A_156 = arith.constant 0 : i32
      %dma_wait3A_157 = tpu.memref_slice %arg4[%arg0, %mul3A_2, %dma_wait3A_156] : memref<2x10112x64xbf16, #tpu.memory_space<hbm>> -> memref<1x632x64xbf16, #tpu.memory_space<hbm>>
      %dma_wait3A_158 = tpu.memref_squeeze %dma_wait3A_157 : memref<1x632x64xbf16, #tpu.memory_space<hbm>> -> memref<632x64xbf16, #tpu.memory_space<hbm>>
      %dma_wait3A_159 = arith.constant 0 : i32
      %dma_wait3A_160 = tpu.memref_slice %arg15[%mul3A_2, %dma_wait3A_159] : memref<10112x64xbf16, #tpu.memory_space<vmem_shared>> -> memref<632x64xbf16, #tpu.memory_space<vmem_shared>>
      tpu.wait_dma2 semaphore(%run_scoped3A_150 : memref<!tpu.dma_semaphore, #tpu.memory_space<semaphore_mem>>) src(%dma_wait3A_160 : memref<632x64xbf16, #tpu.memory_space<vmem_shared>>) dst(%dma_wait3A_158 : memref<632x64xbf16, #tpu.memory_space<hbm>>)
      tpu.yield
    }) : () -> ()
    return
  }
}

#map = affine_map<(d0, d1) -> (0, 0)>
#map1 = affine_map<(d0, d1) -> (0, 0, 0)>
module attributes {stable_mosaic.version = 14 : i64} {
  func.func @body(%arg0: i32, %arg1: i32, %arg2: memref<10112x128xbf16, #tpu.memory_space<hbm>>, %arg3: memref<2x2560x125xi32, #tpu.memory_space<hbm>>, %arg4: memref<2x10112x128xbf16, #tpu.memory_space<hbm>>, %arg5: memref<2x10112x16xf32, #tpu.memory_space<hbm>>, %arg6: memref<80x125xi32, #tpu.memory_space<vmem>>, %arg7: memref<80x125xi32, #tpu.memory_space<vmem>>, %arg8: memref<125x128xbf16, #tpu.memory_space<vmem>>, %arg9: memref<125x128xbf16, #tpu.memory_space<vmem>>, %arg10: memref<125x128xbf16, #tpu.memory_space<vmem>>, %arg11: memref<125x128xbf16, #tpu.memory_space<vmem>>, %arg12: memref<10112x128xbf16, #tpu.memory_space<vmem_shared>>, %arg13: memref<!tpu.dma_semaphore, #tpu.memory_space<semaphore_mem>>, %arg14: memref<!tpu.dma_semaphore, #tpu.memory_space<semaphore_mem>>, %arg15: memref<!tpu.dma_semaphore, #tpu.memory_space<semaphore_mem>>, %arg16: memref<!tpu.dma_semaphore, #tpu.memory_space<semaphore_mem>>, %arg17: memref<125x16xf32, #tpu.memory_space<vmem>>, %arg18: memref<632x16xf32, #tpu.memory_space<vmem>>, %arg19: memref<10112x16xf32, #tpu.memory_space<vmem_shared>>) attributes {dimension_semantics = [#tpu.dimension_semantics<core_parallel>, #tpu.dimension_semantics<subcore_parallel>], iteration_bounds = array<i64: 2, 16>, scalar_prefetch = 0 : i64, scratch_operands = 14 : i64, tpu.core_type = #tpu.core_type<sc_vector_subcore>, window_params = [{transform_indices = #map}, {transform_indices = #map1}, {transform_indices = #map1}, {transform_indices = #map1}]} {
    %mul3A = arith.constant 2 : i32
    %mul3A_0 = arith.muli %arg1, %mul3A : i32
    %add3A = arith.addi %mul3A_0, %arg0 : i32
    %mul3A_1 = arith.constant 632 : i32
    %mul3A_2 = arith.muli %arg1, %mul3A_1 : i32
    %mul3A_3 = arith.constant 80 : i32
    %mul3A_4 = arith.muli %add3A, %mul3A_3 : i32
    %run_scoped3A = arith.constant 0 : i32
    "tpu.region"() ({
      %run_scoped3A_108 = tpu.sem_alloc : memref<!tpu.dma_semaphore, #tpu.memory_space<semaphore_mem>>
      %dma_start3A_109 = arith.constant 0 : i32
      %dma_start3A_110 = tpu.memref_slice %arg3[%run_scoped3A, %mul3A_4, %dma_start3A_109] : memref<2x2560x125xi32, #tpu.memory_space<hbm>> -> memref<1x80x125xi32, #tpu.memory_space<hbm>>
      %dma_start3A_111 = tpu.memref_squeeze %dma_start3A_110 : memref<1x80x125xi32, #tpu.memory_space<hbm>> -> memref<80x125xi32, #tpu.memory_space<hbm>>
      %dma_start3A_112 = arith.constant 0 : i32
      %dma_start3A_113 = tpu.memref_slice %arg3[%run_scoped3A, %mul3A_4, %dma_start3A_112] : memref<2x2560x125xi32, #tpu.memory_space<hbm>> -> memref<1x80x125xi32, #tpu.memory_space<hbm>>
      %dma_start3A_114 = tpu.memref_squeeze %dma_start3A_113 : memref<1x80x125xi32, #tpu.memory_space<hbm>> -> memref<80x125xi32, #tpu.memory_space<hbm>>
      tpu.enqueue_dma source(%dma_start3A_114 : memref<80x125xi32, #tpu.memory_space<hbm>>) target(%arg6 : memref<80x125xi32, #tpu.memory_space<vmem>>) target_semaphore(%run_scoped3A_108 : memref<!tpu.dma_semaphore, #tpu.memory_space<semaphore_mem>>)
      %dma_wait3A_115 = arith.constant 0 : i32
      %dma_wait3A_116 = tpu.memref_slice %arg3[%run_scoped3A, %mul3A_4, %dma_wait3A_115] : memref<2x2560x125xi32, #tpu.memory_space<hbm>> -> memref<1x80x125xi32, #tpu.memory_space<hbm>>
      %dma_wait3A_117 = tpu.memref_squeeze %dma_wait3A_116 : memref<1x80x125xi32, #tpu.memory_space<hbm>> -> memref<80x125xi32, #tpu.memory_space<hbm>>
      %dma_wait3A_118 = arith.constant 0 : i32
      %dma_wait3A_119 = tpu.memref_slice %arg3[%run_scoped3A, %mul3A_4, %dma_wait3A_118] : memref<2x2560x125xi32, #tpu.memory_space<hbm>> -> memref<1x80x125xi32, #tpu.memory_space<hbm>>
      %dma_wait3A_120 = tpu.memref_squeeze %dma_wait3A_119 : memref<1x80x125xi32, #tpu.memory_space<hbm>> -> memref<80x125xi32, #tpu.memory_space<hbm>>
      tpu.wait_dma2 semaphore(%run_scoped3A_108 : memref<!tpu.dma_semaphore, #tpu.memory_space<semaphore_mem>>) src(%dma_wait3A_120 : memref<80x125xi32, #tpu.memory_space<hbm>>) dst(%arg6 : memref<80x125xi32, #tpu.memory_space<vmem>>)
      tpu.yield
    }) : () -> ()
    %mul3A_5 = arith.constant 80 : i32
    %mul3A_6 = arith.muli %add3A, %mul3A_5 : i32
    %run_scoped3A_7 = arith.constant 1 : i32
    "tpu.region"() ({
      %run_scoped3A_108 = tpu.sem_alloc : memref<!tpu.dma_semaphore, #tpu.memory_space<semaphore_mem>>
      %dma_start3A_109 = arith.constant 0 : i32
      %dma_start3A_110 = tpu.memref_slice %arg3[%run_scoped3A_7, %mul3A_6, %dma_start3A_109] : memref<2x2560x125xi32, #tpu.memory_space<hbm>> -> memref<1x80x125xi32, #tpu.memory_space<hbm>>
      %dma_start3A_111 = tpu.memref_squeeze %dma_start3A_110 : memref<1x80x125xi32, #tpu.memory_space<hbm>> -> memref<80x125xi32, #tpu.memory_space<hbm>>
      %dma_start3A_112 = arith.constant 0 : i32
      %dma_start3A_113 = tpu.memref_slice %arg3[%run_scoped3A_7, %mul3A_6, %dma_start3A_112] : memref<2x2560x125xi32, #tpu.memory_space<hbm>> -> memref<1x80x125xi32, #tpu.memory_space<hbm>>
      %dma_start3A_114 = tpu.memref_squeeze %dma_start3A_113 : memref<1x80x125xi32, #tpu.memory_space<hbm>> -> memref<80x125xi32, #tpu.memory_space<hbm>>
      tpu.enqueue_dma source(%dma_start3A_114 : memref<80x125xi32, #tpu.memory_space<hbm>>) target(%arg7 : memref<80x125xi32, #tpu.memory_space<vmem>>) target_semaphore(%run_scoped3A_108 : memref<!tpu.dma_semaphore, #tpu.memory_space<semaphore_mem>>)
      %dma_wait3A_115 = arith.constant 0 : i32
      %dma_wait3A_116 = tpu.memref_slice %arg3[%run_scoped3A_7, %mul3A_6, %dma_wait3A_115] : memref<2x2560x125xi32, #tpu.memory_space<hbm>> -> memref<1x80x125xi32, #tpu.memory_space<hbm>>
      %dma_wait3A_117 = tpu.memref_squeeze %dma_wait3A_116 : memref<1x80x125xi32, #tpu.memory_space<hbm>> -> memref<80x125xi32, #tpu.memory_space<hbm>>
      %dma_wait3A_118 = arith.constant 0 : i32
      %dma_wait3A_119 = tpu.memref_slice %arg3[%run_scoped3A_7, %mul3A_6, %dma_wait3A_118] : memref<2x2560x125xi32, #tpu.memory_space<hbm>> -> memref<1x80x125xi32, #tpu.memory_space<hbm>>
      %dma_wait3A_120 = tpu.memref_squeeze %dma_wait3A_119 : memref<1x80x125xi32, #tpu.memory_space<hbm>> -> memref<80x125xi32, #tpu.memory_space<hbm>>
      tpu.wait_dma2 semaphore(%run_scoped3A_108 : memref<!tpu.dma_semaphore, #tpu.memory_space<semaphore_mem>>) src(%dma_wait3A_120 : memref<80x125xi32, #tpu.memory_space<hbm>>) dst(%arg7 : memref<80x125xi32, #tpu.memory_space<vmem>>)
      tpu.yield
    }) : () -> ()
    %scan3A = arith.constant 0 : i32
    %scan3A_8 = arith.constant 0 : i32
    %scan3A_9 = arith.constant 125 : i32
    %scan3A_10 = arith.addi %scan3A_8, %scan3A_9 : i32
    %scan3A_11 = arith.constant 1 : i32
    %scan3A_12 = scf.for %scan3A_108 = %scan3A_8 to %scan3A_10 step %scan3A_11 iter_args(%scan3A_109 = %scan3A) -> (i32)  : i32 {
      %broadcast_in_dim3A = arith.constant 0.000000e+00 : bf16
      %broadcast_in_dim3A_110 = vector.broadcast %broadcast_in_dim3A : bf16 to vector<32xbf16>
      %swap3A = arith.index_cast %scan3A_108 : i32 to index
      %swap3A_111 = arith.constant 0 : index
      %swap3A_112 = tpu.vector_load %arg8[%swap3A, %swap3A_111] {strides = array<i32>} : memref<125x128xbf16, #tpu.memory_space<vmem>>, vector<1x32xbf16>,
      %swap3A_113 = vector.shape_cast %swap3A_112 : vector<1x32xbf16> to vector<32xbf16>
      %swap3A_114 = vector.shape_cast %broadcast_in_dim3A_110 : vector<32xbf16> to vector<1x32xbf16>
      tpu.vector_store %arg8[%swap3A, %swap3A_111], %swap3A_114 {strides = array<i32>} : memref<125x128xbf16, #tpu.memory_space<vmem>>, vector<1x32xbf16>,
      %broadcast_in_dim3A_115 = arith.constant 0.000000e+00 : bf16
      %broadcast_in_dim3A_116 = vector.broadcast %broadcast_in_dim3A_115 : bf16 to vector<32xbf16>
      %swap3A_117 = arith.index_cast %scan3A_108 : i32 to index
      %swap3A_118 = arith.constant 32 : index
      %swap3A_119 = tpu.vector_load %arg8[%swap3A_117, %swap3A_118] {strides = array<i32>} : memref<125x128xbf16, #tpu.memory_space<vmem>>, vector<1x32xbf16>,
      %swap3A_120 = vector.shape_cast %swap3A_119 : vector<1x32xbf16> to vector<32xbf16>
      %swap3A_121 = vector.shape_cast %broadcast_in_dim3A_116 : vector<32xbf16> to vector<1x32xbf16>
      tpu.vector_store %arg8[%swap3A_117, %swap3A_118], %swap3A_121 {strides = array<i32>} : memref<125x128xbf16, #tpu.memory_space<vmem>>, vector<1x32xbf16>,
      %broadcast_in_dim3A_122 = arith.constant 0.000000e+00 : bf16
      %broadcast_in_dim3A_123 = vector.broadcast %broadcast_in_dim3A_122 : bf16 to vector<32xbf16>
      %swap3A_124 = arith.index_cast %scan3A_108 : i32 to index
      %swap3A_125 = arith.constant 64 : index
      %swap3A_126 = tpu.vector_load %arg8[%swap3A_124, %swap3A_125] {strides = array<i32>} : memref<125x128xbf16, #tpu.memory_space<vmem>>, vector<1x32xbf16>,
      %swap3A_127 = vector.shape_cast %swap3A_126 : vector<1x32xbf16> to vector<32xbf16>
      %swap3A_128 = vector.shape_cast %broadcast_in_dim3A_123 : vector<32xbf16> to vector<1x32xbf16>
      tpu.vector_store %arg8[%swap3A_124, %swap3A_125], %swap3A_128 {strides = array<i32>} : memref<125x128xbf16, #tpu.memory_space<vmem>>, vector<1x32xbf16>,
      %broadcast_in_dim3A_129 = arith.constant 0.000000e+00 : bf16
      %broadcast_in_dim3A_130 = vector.broadcast %broadcast_in_dim3A_129 : bf16 to vector<32xbf16>
      %swap3A_131 = arith.index_cast %scan3A_108 : i32 to index
      %swap3A_132 = arith.constant 96 : index
      %swap3A_133 = tpu.vector_load %arg8[%swap3A_131, %swap3A_132] {strides = array<i32>} : memref<125x128xbf16, #tpu.memory_space<vmem>>, vector<1x32xbf16>,
      %swap3A_134 = vector.shape_cast %swap3A_133 : vector<1x32xbf16> to vector<32xbf16>
      %swap3A_135 = vector.shape_cast %broadcast_in_dim3A_130 : vector<32xbf16> to vector<1x32xbf16>
      tpu.vector_store %arg8[%swap3A_131, %swap3A_132], %swap3A_135 {strides = array<i32>} : memref<125x128xbf16, #tpu.memory_space<vmem>>, vector<1x32xbf16>,
      %scan3A_136 = arith.constant 0 : i32
      scf.yield %scan3A_136 : i32
    }
    %scan3A_13 = arith.constant 125 : i32
    %add3A_14 = arith.constant 0 : i32
    %add3A_15 = arith.addi %mul3A_2, %add3A_14 : i32
    "tpu.region"() ({
      %run_scoped3A_108 = tpu.sem_alloc : memref<!tpu.dma_semaphore, #tpu.memory_space<semaphore_mem>>
      %dma_start3A_109 = arith.constant 0 : i32
      %dma_start3A_110 = tpu.memref_slice %arg12[%add3A_15, %dma_start3A_109] : memref<10112x128xbf16, #tpu.memory_space<vmem_shared>> -> memref<125x128xbf16, #tpu.memory_space<vmem_shared>>
      %dma_start3A_111 = arith.constant 0 : i32
      %dma_start3A_112 = tpu.memref_slice %arg12[%add3A_15, %dma_start3A_111] : memref<10112x128xbf16, #tpu.memory_space<vmem_shared>> -> memref<125x128xbf16, #tpu.memory_space<vmem_shared>>
      tpu.enqueue_dma source(%arg8 : memref<125x128xbf16, #tpu.memory_space<vmem>>) target(%dma_start3A_112 : memref<125x128xbf16, #tpu.memory_space<vmem_shared>>) target_semaphore(%run_scoped3A_108 : memref<!tpu.dma_semaphore, #tpu.memory_space<semaphore_mem>>)
      %dma_wait3A_113 = arith.constant 0 : i32
      %dma_wait3A_114 = tpu.memref_slice %arg12[%add3A_15, %dma_wait3A_113] : memref<10112x128xbf16, #tpu.memory_space<vmem_shared>> -> memref<125x128xbf16, #tpu.memory_space<vmem_shared>>
      %dma_wait3A_115 = arith.constant 0 : i32
      %dma_wait3A_116 = tpu.memref_slice %arg12[%add3A_15, %dma_wait3A_115] : memref<10112x128xbf16, #tpu.memory_space<vmem_shared>> -> memref<125x128xbf16, #tpu.memory_space<vmem_shared>>
      tpu.wait_dma2 semaphore(%run_scoped3A_108 : memref<!tpu.dma_semaphore, #tpu.memory_space<semaphore_mem>>) src(%arg8 : memref<125x128xbf16, #tpu.memory_space<vmem>>) dst(%dma_wait3A_116 : memref<125x128xbf16, #tpu.memory_space<vmem_shared>>)
      tpu.yield
    }) : () -> ()
    %add3A_16 = arith.constant 125 : i32
    %add3A_17 = arith.addi %mul3A_2, %add3A_16 : i32
    "tpu.region"() ({
      %run_scoped3A_108 = tpu.sem_alloc : memref<!tpu.dma_semaphore, #tpu.memory_space<semaphore_mem>>
      %dma_start3A_109 = arith.constant 0 : i32
      %dma_start3A_110 = tpu.memref_slice %arg12[%add3A_17, %dma_start3A_109] : memref<10112x128xbf16, #tpu.memory_space<vmem_shared>> -> memref<125x128xbf16, #tpu.memory_space<vmem_shared>>
      %dma_start3A_111 = arith.constant 0 : i32
      %dma_start3A_112 = tpu.memref_slice %arg12[%add3A_17, %dma_start3A_111] : memref<10112x128xbf16, #tpu.memory_space<vmem_shared>> -> memref<125x128xbf16, #tpu.memory_space<vmem_shared>>
      tpu.enqueue_dma source(%arg8 : memref<125x128xbf16, #tpu.memory_space<vmem>>) target(%dma_start3A_112 : memref<125x128xbf16, #tpu.memory_space<vmem_shared>>) target_semaphore(%run_scoped3A_108 : memref<!tpu.dma_semaphore, #tpu.memory_space<semaphore_mem>>)
      %dma_wait3A_113 = arith.constant 0 : i32
      %dma_wait3A_114 = tpu.memref_slice %arg12[%add3A_17, %dma_wait3A_113] : memref<10112x128xbf16, #tpu.memory_space<vmem_shared>> -> memref<125x128xbf16, #tpu.memory_space<vmem_shared>>
      %dma_wait3A_115 = arith.constant 0 : i32
      %dma_wait3A_116 = tpu.memref_slice %arg12[%add3A_17, %dma_wait3A_115] : memref<10112x128xbf16, #tpu.memory_space<vmem_shared>> -> memref<125x128xbf16, #tpu.memory_space<vmem_shared>>
      tpu.wait_dma2 semaphore(%run_scoped3A_108 : memref<!tpu.dma_semaphore, #tpu.memory_space<semaphore_mem>>) src(%arg8 : memref<125x128xbf16, #tpu.memory_space<vmem>>) dst(%dma_wait3A_116 : memref<125x128xbf16, #tpu.memory_space<vmem_shared>>)
      tpu.yield
    }) : () -> ()
    %add3A_18 = arith.constant 250 : i32
    %add3A_19 = arith.addi %mul3A_2, %add3A_18 : i32
    "tpu.region"() ({
      %run_scoped3A_108 = tpu.sem_alloc : memref<!tpu.dma_semaphore, #tpu.memory_space<semaphore_mem>>
      %dma_start3A_109 = arith.constant 0 : i32
      %dma_start3A_110 = tpu.memref_slice %arg12[%add3A_19, %dma_start3A_109] : memref<10112x128xbf16, #tpu.memory_space<vmem_shared>> -> memref<125x128xbf16, #tpu.memory_space<vmem_shared>>
      %dma_start3A_111 = arith.constant 0 : i32
      %dma_start3A_112 = tpu.memref_slice %arg12[%add3A_19, %dma_start3A_111] : memref<10112x128xbf16, #tpu.memory_space<vmem_shared>> -> memref<125x128xbf16, #tpu.memory_space<vmem_shared>>
      tpu.enqueue_dma source(%arg8 : memref<125x128xbf16, #tpu.memory_space<vmem>>) target(%dma_start3A_112 : memref<125x128xbf16, #tpu.memory_space<vmem_shared>>) target_semaphore(%run_scoped3A_108 : memref<!tpu.dma_semaphore, #tpu.memory_space<semaphore_mem>>)
      %dma_wait3A_113 = arith.constant 0 : i32
      %dma_wait3A_114 = tpu.memref_slice %arg12[%add3A_19, %dma_wait3A_113] : memref<10112x128xbf16, #tpu.memory_space<vmem_shared>> -> memref<125x128xbf16, #tpu.memory_space<vmem_shared>>
      %dma_wait3A_115 = arith.constant 0 : i32
      %dma_wait3A_116 = tpu.memref_slice %arg12[%add3A_19, %dma_wait3A_115] : memref<10112x128xbf16, #tpu.memory_space<vmem_shared>> -> memref<125x128xbf16, #tpu.memory_space<vmem_shared>>
      tpu.wait_dma2 semaphore(%run_scoped3A_108 : memref<!tpu.dma_semaphore, #tpu.memory_space<semaphore_mem>>) src(%arg8 : memref<125x128xbf16, #tpu.memory_space<vmem>>) dst(%dma_wait3A_116 : memref<125x128xbf16, #tpu.memory_space<vmem_shared>>)
      tpu.yield
    }) : () -> ()
    %add3A_20 = arith.constant 375 : i32
    %add3A_21 = arith.addi %mul3A_2, %add3A_20 : i32
    "tpu.region"() ({
      %run_scoped3A_108 = tpu.sem_alloc : memref<!tpu.dma_semaphore, #tpu.memory_space<semaphore_mem>>
      %dma_start3A_109 = arith.constant 0 : i32
      %dma_start3A_110 = tpu.memref_slice %arg12[%add3A_21, %dma_start3A_109] : memref<10112x128xbf16, #tpu.memory_space<vmem_shared>> -> memref<125x128xbf16, #tpu.memory_space<vmem_shared>>
      %dma_start3A_111 = arith.constant 0 : i32
      %dma_start3A_112 = tpu.memref_slice %arg12[%add3A_21, %dma_start3A_111] : memref<10112x128xbf16, #tpu.memory_space<vmem_shared>> -> memref<125x128xbf16, #tpu.memory_space<vmem_shared>>
      tpu.enqueue_dma source(%arg8 : memref<125x128xbf16, #tpu.memory_space<vmem>>) target(%dma_start3A_112 : memref<125x128xbf16, #tpu.memory_space<vmem_shared>>) target_semaphore(%run_scoped3A_108 : memref<!tpu.dma_semaphore, #tpu.memory_space<semaphore_mem>>)
      %dma_wait3A_113 = arith.constant 0 : i32
      %dma_wait3A_114 = tpu.memref_slice %arg12[%add3A_21, %dma_wait3A_113] : memref<10112x128xbf16, #tpu.memory_space<vmem_shared>> -> memref<125x128xbf16, #tpu.memory_space<vmem_shared>>
      %dma_wait3A_115 = arith.constant 0 : i32
      %dma_wait3A_116 = tpu.memref_slice %arg12[%add3A_21, %dma_wait3A_115] : memref<10112x128xbf16, #tpu.memory_space<vmem_shared>> -> memref<125x128xbf16, #tpu.memory_space<vmem_shared>>
      tpu.wait_dma2 semaphore(%run_scoped3A_108 : memref<!tpu.dma_semaphore, #tpu.memory_space<semaphore_mem>>) src(%arg8 : memref<125x128xbf16, #tpu.memory_space<vmem>>) dst(%dma_wait3A_116 : memref<125x128xbf16, #tpu.memory_space<vmem_shared>>)
      tpu.yield
    }) : () -> ()
    %add3A_22 = arith.constant 500 : i32
    %add3A_23 = arith.addi %mul3A_2, %add3A_22 : i32
    "tpu.region"() ({
      %run_scoped3A_108 = tpu.sem_alloc : memref<!tpu.dma_semaphore, #tpu.memory_space<semaphore_mem>>
      %dma_start3A_109 = arith.constant 0 : i32
      %dma_start3A_110 = tpu.memref_slice %arg12[%add3A_23, %dma_start3A_109] : memref<10112x128xbf16, #tpu.memory_space<vmem_shared>> -> memref<125x128xbf16, #tpu.memory_space<vmem_shared>>
      %dma_start3A_111 = arith.constant 0 : i32
      %dma_start3A_112 = tpu.memref_slice %arg12[%add3A_23, %dma_start3A_111] : memref<10112x128xbf16, #tpu.memory_space<vmem_shared>> -> memref<125x128xbf16, #tpu.memory_space<vmem_shared>>
      tpu.enqueue_dma source(%arg8 : memref<125x128xbf16, #tpu.memory_space<vmem>>) target(%dma_start3A_112 : memref<125x128xbf16, #tpu.memory_space<vmem_shared>>) target_semaphore(%run_scoped3A_108 : memref<!tpu.dma_semaphore, #tpu.memory_space<semaphore_mem>>)
      %dma_wait3A_113 = arith.constant 0 : i32
      %dma_wait3A_114 = tpu.memref_slice %arg12[%add3A_23, %dma_wait3A_113] : memref<10112x128xbf16, #tpu.memory_space<vmem_shared>> -> memref<125x128xbf16, #tpu.memory_space<vmem_shared>>
      %dma_wait3A_115 = arith.constant 0 : i32
      %dma_wait3A_116 = tpu.memref_slice %arg12[%add3A_23, %dma_wait3A_115] : memref<10112x128xbf16, #tpu.memory_space<vmem_shared>> -> memref<125x128xbf16, #tpu.memory_space<vmem_shared>>
      tpu.wait_dma2 semaphore(%run_scoped3A_108 : memref<!tpu.dma_semaphore, #tpu.memory_space<semaphore_mem>>) src(%arg8 : memref<125x128xbf16, #tpu.memory_space<vmem>>) dst(%dma_wait3A_116 : memref<125x128xbf16, #tpu.memory_space<vmem_shared>>)
      tpu.yield
    }) : () -> ()
    %add3A_24 = arith.constant 625 : i32
    %add3A_25 = arith.addi %mul3A_2, %add3A_24 : i32
    "tpu.region"() ({
      %run_scoped3A_108 = tpu.sem_alloc : memref<!tpu.dma_semaphore, #tpu.memory_space<semaphore_mem>>
      %dma_start3A_109 = arith.constant 0 : i32
      %dma_start3A_110 = arith.constant 0 : i32
      %dma_start3A_111 = tpu.memref_slice %arg8[%dma_start3A_109, %dma_start3A_110] : memref<125x128xbf16, #tpu.memory_space<vmem>> -> memref<7x128xbf16, #tpu.memory_space<vmem>>
      %dma_start3A_112 = arith.constant 0 : i32
      %dma_start3A_113 = tpu.memref_slice %arg12[%add3A_25, %dma_start3A_112] : memref<10112x128xbf16, #tpu.memory_space<vmem_shared>> -> memref<7x128xbf16, #tpu.memory_space<vmem_shared>>
      %dma_start3A_114 = arith.constant 0 : i32
      %dma_start3A_115 = tpu.memref_slice %arg12[%add3A_25, %dma_start3A_114] : memref<10112x128xbf16, #tpu.memory_space<vmem_shared>> -> memref<7x128xbf16, #tpu.memory_space<vmem_shared>>
      %dma_start3A_116 = arith.constant 0 : i32
      %dma_start3A_117 = arith.constant 0 : i32
      %dma_start3A_118 = tpu.memref_slice %arg8[%dma_start3A_116, %dma_start3A_117] : memref<125x128xbf16, #tpu.memory_space<vmem>> -> memref<7x128xbf16, #tpu.memory_space<vmem>>
      tpu.enqueue_dma source(%dma_start3A_118 : memref<7x128xbf16, #tpu.memory_space<vmem>>) target(%dma_start3A_115 : memref<7x128xbf16, #tpu.memory_space<vmem_shared>>) target_semaphore(%run_scoped3A_108 : memref<!tpu.dma_semaphore, #tpu.memory_space<semaphore_mem>>)
      %dma_wait3A_119 = arith.constant 0 : i32
      %dma_wait3A_120 = arith.constant 0 : i32
      %dma_wait3A_121 = tpu.memref_slice %arg8[%dma_wait3A_119, %dma_wait3A_120] : memref<125x128xbf16, #tpu.memory_space<vmem>> -> memref<7x128xbf16, #tpu.memory_space<vmem>>
      %dma_wait3A_122 = arith.constant 0 : i32
      %dma_wait3A_123 = tpu.memref_slice %arg12[%add3A_25, %dma_wait3A_122] : memref<10112x128xbf16, #tpu.memory_space<vmem_shared>> -> memref<7x128xbf16, #tpu.memory_space<vmem_shared>>
      %dma_wait3A_124 = arith.constant 0 : i32
      %dma_wait3A_125 = tpu.memref_slice %arg12[%add3A_25, %dma_wait3A_124] : memref<10112x128xbf16, #tpu.memory_space<vmem_shared>> -> memref<7x128xbf16, #tpu.memory_space<vmem_shared>>
      %dma_wait3A_126 = arith.constant 0 : i32
      %dma_wait3A_127 = arith.constant 0 : i32
      %dma_wait3A_128 = tpu.memref_slice %arg8[%dma_wait3A_126, %dma_wait3A_127] : memref<125x128xbf16, #tpu.memory_space<vmem>> -> memref<7x128xbf16, #tpu.memory_space<vmem>>
      tpu.wait_dma2 semaphore(%run_scoped3A_108 : memref<!tpu.dma_semaphore, #tpu.memory_space<semaphore_mem>>) src(%dma_wait3A_128 : memref<7x128xbf16, #tpu.memory_space<vmem>>) dst(%dma_wait3A_125 : memref<7x128xbf16, #tpu.memory_space<vmem_shared>>)
      tpu.yield
    }) : () -> ()
    %scan3A_26 = arith.constant 0 : i32
    %scan3A_27 = arith.constant 0 : i32
    %scan3A_28 = arith.constant 125 : i32
    %scan3A_29 = arith.addi %scan3A_27, %scan3A_28 : i32
    %scan3A_30 = arith.constant 1 : i32
    %scan3A_31 = scf.for %scan3A_108 = %scan3A_27 to %scan3A_29 step %scan3A_30 iter_args(%scan3A_109 = %scan3A_26) -> (i32)  : i32 {
      %broadcast_in_dim3A = arith.constant 1.000000e+00 : f32
      %broadcast_in_dim3A_110 = vector.broadcast %broadcast_in_dim3A : f32 to vector<16xf32>
      %swap3A = arith.index_cast %scan3A_108 : i32 to index
      %swap3A_111 = arith.constant 0 : index
      %swap3A_112 = tpu.vector_load %arg17[%swap3A, %swap3A_111] {strides = array<i32>} : memref<125x16xf32, #tpu.memory_space<vmem>>, vector<1x16xf32>,
      %swap3A_113 = vector.shape_cast %swap3A_112 : vector<1x16xf32> to vector<16xf32>
      %swap3A_114 = vector.shape_cast %broadcast_in_dim3A_110 : vector<16xf32> to vector<1x16xf32>
      tpu.vector_store %arg17[%swap3A, %swap3A_111], %swap3A_114 {strides = array<i32>} : memref<125x16xf32, #tpu.memory_space<vmem>>, vector<1x16xf32>,
      %scan3A_115 = arith.constant 0 : i32
      scf.yield %scan3A_115 : i32
    }
    %scan3A_32 = arith.constant 125 : i32
    %scan3A_33 = arith.constant 0 : i32
    %scan3A_34 = arith.constant 0 : i32
    %scan3A_35 = arith.constant 632 : i32
    %scan3A_36 = arith.addi %scan3A_34, %scan3A_35 : i32
    %scan3A_37 = arith.constant 1 : i32
    %scan3A_38 = scf.for %scan3A_108 = %scan3A_34 to %scan3A_36 step %scan3A_37 iter_args(%scan3A_109 = %scan3A_33) -> (i32)  : i32 {
      %broadcast_in_dim3A = arith.constant 0.000000e+00 : f32
      %broadcast_in_dim3A_110 = vector.broadcast %broadcast_in_dim3A : f32 to vector<16xf32>
      %swap3A = arith.index_cast %scan3A_108 : i32 to index
      %swap3A_111 = arith.constant 0 : index
      %swap3A_112 = tpu.vector_load %arg18[%swap3A, %swap3A_111] {strides = array<i32>} : memref<632x16xf32, #tpu.memory_space<vmem>>, vector<1x16xf32>,
      %swap3A_113 = vector.shape_cast %swap3A_112 : vector<1x16xf32> to vector<16xf32>
      %swap3A_114 = vector.shape_cast %broadcast_in_dim3A_110 : vector<16xf32> to vector<1x16xf32>
      tpu.vector_store %arg18[%swap3A, %swap3A_111], %swap3A_114 {strides = array<i32>} : memref<632x16xf32, #tpu.memory_space<vmem>>, vector<1x16xf32>,
      %scan3A_115 = arith.constant 0 : i32
      scf.yield %scan3A_115 : i32
    }
    %scan3A_39 = arith.constant 632 : i32
    "tpu.region"() ({
      %run_scoped3A_108 = tpu.sem_alloc : memref<!tpu.dma_semaphore, #tpu.memory_space<semaphore_mem>>
      %dma_start3A_109 = arith.constant 0 : i32
      %dma_start3A_110 = tpu.memref_slice %arg19[%mul3A_2, %dma_start3A_109] : memref<10112x16xf32, #tpu.memory_space<vmem_shared>> -> memref<632x16xf32, #tpu.memory_space<vmem_shared>>
      %dma_start3A_111 = arith.constant 0 : i32
      %dma_start3A_112 = tpu.memref_slice %arg19[%mul3A_2, %dma_start3A_111] : memref<10112x16xf32, #tpu.memory_space<vmem_shared>> -> memref<632x16xf32, #tpu.memory_space<vmem_shared>>
      tpu.enqueue_dma source(%arg18 : memref<632x16xf32, #tpu.memory_space<vmem>>) target(%dma_start3A_112 : memref<632x16xf32, #tpu.memory_space<vmem_shared>>) target_semaphore(%run_scoped3A_108 : memref<!tpu.dma_semaphore, #tpu.memory_space<semaphore_mem>>)
      %dma_wait3A_113 = arith.constant 0 : i32
      %dma_wait3A_114 = tpu.memref_slice %arg19[%mul3A_2, %dma_wait3A_113] : memref<10112x16xf32, #tpu.memory_space<vmem_shared>> -> memref<632x16xf32, #tpu.memory_space<vmem_shared>>
      %dma_wait3A_115 = arith.constant 0 : i32
      %dma_wait3A_116 = tpu.memref_slice %arg19[%mul3A_2, %dma_wait3A_115] : memref<10112x16xf32, #tpu.memory_space<vmem_shared>> -> memref<632x16xf32, #tpu.memory_space<vmem_shared>>
      tpu.wait_dma2 semaphore(%run_scoped3A_108 : memref<!tpu.dma_semaphore, #tpu.memory_space<semaphore_mem>>) src(%arg18 : memref<632x16xf32, #tpu.memory_space<vmem>>) dst(%dma_wait3A_116 : memref<632x16xf32, #tpu.memory_space<vmem_shared>>)
      tpu.yield
    }) : () -> ()
    %barrier3A = arith.constant 0 : index
    tpu.barrier barrier_id(%barrier3A)
    %dma_start3A = arith.constant 0 : i32
    %dma_start3A_40 = arith.constant 0 : i32
    %dma_start3A_41 = tpu.memref_slice %arg6[%dma_start3A, %dma_start3A_40] : memref<80x125xi32, #tpu.memory_space<vmem>> -> memref<1x125xi32, #tpu.memory_space<vmem>>
    %dma_start3A_42 = tpu.memref_squeeze %dma_start3A_41 : memref<1x125xi32, #tpu.memory_space<vmem>> -> memref<125xi32, #tpu.memory_space<vmem>>
    %dma_start3A_43 = arith.constant 0 : i32
    %dma_start3A_44 = arith.constant 0 : i32
    %dma_start3A_45 = tpu.memref_slice %arg2[%dma_start3A_43, %dma_start3A_44] : memref<10112x128xbf16, #tpu.memory_space<hbm>> -> memref<10112x128xbf16, #tpu.memory_space<hbm>>
    tpu.enqueue_indirect_dma source(%dma_start3A_45 : memref<10112x128xbf16, #tpu.memory_space<hbm>>) target(%arg8 : memref<125x128xbf16, #tpu.memory_space<vmem>>) offsets(%dma_start3A_42 : memref<125xi32, #tpu.memory_space<vmem>>) semaphore(%arg13 : memref<!tpu.dma_semaphore, #tpu.memory_space<semaphore_mem>>)
    %dma_start3A_46 = arith.constant 1 : i32
    %dma_start3A_47 = arith.constant 0 : i32
    %dma_start3A_48 = tpu.memref_slice %arg6[%dma_start3A_46, %dma_start3A_47] : memref<80x125xi32, #tpu.memory_space<vmem>> -> memref<1x125xi32, #tpu.memory_space<vmem>>
    %dma_start3A_49 = tpu.memref_squeeze %dma_start3A_48 : memref<1x125xi32, #tpu.memory_space<vmem>> -> memref<125xi32, #tpu.memory_space<vmem>>
    %dma_start3A_50 = arith.constant 0 : i32
    %dma_start3A_51 = arith.constant 0 : i32
    %dma_start3A_52 = tpu.memref_slice %arg2[%dma_start3A_50, %dma_start3A_51] : memref<10112x128xbf16, #tpu.memory_space<hbm>> -> memref<10112x128xbf16, #tpu.memory_space<hbm>>
    tpu.enqueue_indirect_dma source(%dma_start3A_52 : memref<10112x128xbf16, #tpu.memory_space<hbm>>) target(%arg9 : memref<125x128xbf16, #tpu.memory_space<vmem>>) offsets(%dma_start3A_49 : memref<125xi32, #tpu.memory_space<vmem>>) semaphore(%arg14 : memref<!tpu.dma_semaphore, #tpu.memory_space<semaphore_mem>>)
    %dma_start3A_53 = arith.constant 2 : i32
    %dma_start3A_54 = arith.constant 0 : i32
    %dma_start3A_55 = tpu.memref_slice %arg6[%dma_start3A_53, %dma_start3A_54] : memref<80x125xi32, #tpu.memory_space<vmem>> -> memref<1x125xi32, #tpu.memory_space<vmem>>
    %dma_start3A_56 = tpu.memref_squeeze %dma_start3A_55 : memref<1x125xi32, #tpu.memory_space<vmem>> -> memref<125xi32, #tpu.memory_space<vmem>>
    %dma_start3A_57 = arith.constant 0 : i32
    %dma_start3A_58 = arith.constant 0 : i32
    %dma_start3A_59 = tpu.memref_slice %arg2[%dma_start3A_57, %dma_start3A_58] : memref<10112x128xbf16, #tpu.memory_space<hbm>> -> memref<10112x128xbf16, #tpu.memory_space<hbm>>
    tpu.enqueue_indirect_dma source(%dma_start3A_59 : memref<10112x128xbf16, #tpu.memory_space<hbm>>) target(%arg10 : memref<125x128xbf16, #tpu.memory_space<vmem>>) offsets(%dma_start3A_56 : memref<125xi32, #tpu.memory_space<vmem>>) semaphore(%arg15 : memref<!tpu.dma_semaphore, #tpu.memory_space<semaphore_mem>>)
    %dma_start3A_60 = arith.constant 3 : i32
    %dma_start3A_61 = arith.constant 0 : i32
    %dma_start3A_62 = tpu.memref_slice %arg6[%dma_start3A_60, %dma_start3A_61] : memref<80x125xi32, #tpu.memory_space<vmem>> -> memref<1x125xi32, #tpu.memory_space<vmem>>
    %dma_start3A_63 = tpu.memref_squeeze %dma_start3A_62 : memref<1x125xi32, #tpu.memory_space<vmem>> -> memref<125xi32, #tpu.memory_space<vmem>>
    %dma_start3A_64 = arith.constant 0 : i32
    %dma_start3A_65 = arith.constant 0 : i32
    %dma_start3A_66 = tpu.memref_slice %arg2[%dma_start3A_64, %dma_start3A_65] : memref<10112x128xbf16, #tpu.memory_space<hbm>> -> memref<10112x128xbf16, #tpu.memory_space<hbm>>
    tpu.enqueue_indirect_dma source(%dma_start3A_66 : memref<10112x128xbf16, #tpu.memory_space<hbm>>) target(%arg11 : memref<125x128xbf16, #tpu.memory_space<vmem>>) offsets(%dma_start3A_63 : memref<125xi32, #tpu.memory_space<vmem>>) semaphore(%arg16 : memref<!tpu.dma_semaphore, #tpu.memory_space<semaphore_mem>>)
    %scan3A_67 = arith.constant 0 : i32
    %scan3A_68 = arith.constant 19 : i32
    %scan3A_69 = arith.addi %scan3A_67, %scan3A_68 : i32
    %scan3A_70 = arith.constant 1 : i32
    scf.for %scan3A_108 = %scan3A_67 to %scan3A_69 step %scan3A_70  : i32 {
      %mul3A_109 = arith.constant 4 : i32
      %mul3A_110 = arith.muli %scan3A_108, %mul3A_109 : i32
      %add3A_111 = arith.constant 0 : i32
      %add3A_112 = arith.addi %add3A_111, %mul3A_110 : i32
      %add3A_113 = arith.constant 0 : i32
      %add3A_114 = arith.addi %add3A_112, %add3A_113 : i32
      %dma_wait3A_115 = arith.constant 0 : i32
      %dma_wait3A_116 = arith.constant 0 : i32
      %dma_wait3A_117 = tpu.memref_slice %arg6[%dma_wait3A_115, %dma_wait3A_116] : memref<80x125xi32, #tpu.memory_space<vmem>> -> memref<1x125xi32, #tpu.memory_space<vmem>>
      %dma_wait3A_118 = tpu.memref_squeeze %dma_wait3A_117 : memref<1x125xi32, #tpu.memory_space<vmem>> -> memref<125xi32, #tpu.memory_space<vmem>>
      %dma_wait3A_119 = arith.constant 0 : i32
      %dma_wait3A_120 = arith.constant 0 : i32
      %dma_wait3A_121 = tpu.memref_slice %arg2[%dma_wait3A_119, %dma_wait3A_120] : memref<10112x128xbf16, #tpu.memory_space<hbm>> -> memref<10112x128xbf16, #tpu.memory_space<hbm>>
      tpu.wait_indirect_dma semaphore(%arg13 : memref<!tpu.dma_semaphore, #tpu.memory_space<semaphore_mem>>) src(%dma_wait3A_121 : memref<10112x128xbf16, #tpu.memory_space<hbm>>) dst(%arg8 : memref<125x128xbf16, #tpu.memory_space<vmem>>)
      "tpu.region"() ({
        %run_scoped3A_181 = tpu.sem_alloc : memref<!tpu.dma_semaphore, #tpu.memory_space<semaphore_mem>>
        %dma_start3A_182 = arith.constant 0 : i32
        %dma_start3A_183 = tpu.memref_slice %arg7[%add3A_114, %dma_start3A_182] : memref<80x125xi32, #tpu.memory_space<vmem>> -> memref<1x125xi32, #tpu.memory_space<vmem>>
        %dma_start3A_184 = tpu.memref_squeeze %dma_start3A_183 : memref<1x125xi32, #tpu.memory_space<vmem>> -> memref<125xi32, #tpu.memory_space<vmem>>
        %dma_start3A_185 = arith.constant 0 : i32
        %dma_start3A_186 = arith.constant 0 : i32
        %dma_start3A_187 = tpu.memref_slice %arg12[%dma_start3A_185, %dma_start3A_186] : memref<10112x128xbf16, #tpu.memory_space<vmem_shared>> -> memref<10112x128xbf16, #tpu.memory_space<vmem_shared>>
        tpu.enqueue_indirect_dma source(%arg8 : memref<125x128xbf16, #tpu.memory_space<vmem>>) target(%dma_start3A_187 : memref<10112x128xbf16, #tpu.memory_space<vmem_shared>>) offsets(%dma_start3A_184 : memref<125xi32, #tpu.memory_space<vmem>>) semaphore(%run_scoped3A_181 : memref<!tpu.dma_semaphore, #tpu.memory_space<semaphore_mem>>) {add = true}
        %dma_wait3A_188 = arith.constant 0 : i32
        %dma_wait3A_189 = tpu.memref_slice %arg7[%add3A_114, %dma_wait3A_188] : memref<80x125xi32, #tpu.memory_space<vmem>> -> memref<1x125xi32, #tpu.memory_space<vmem>>
        %dma_wait3A_190 = tpu.memref_squeeze %dma_wait3A_189 : memref<1x125xi32, #tpu.memory_space<vmem>> -> memref<125xi32, #tpu.memory_space<vmem>>
        %dma_wait3A_191 = arith.constant 0 : i32
        %dma_wait3A_192 = arith.constant 0 : i32
        %dma_wait3A_193 = tpu.memref_slice %arg12[%dma_wait3A_191, %dma_wait3A_192] : memref<10112x128xbf16, #tpu.memory_space<vmem_shared>> -> memref<10112x128xbf16, #tpu.memory_space<vmem_shared>>
        tpu.wait_indirect_dma semaphore(%run_scoped3A_181 : memref<!tpu.dma_semaphore, #tpu.memory_space<semaphore_mem>>) src(%arg8 : memref<125x128xbf16, #tpu.memory_space<vmem>>) dst(%dma_wait3A_193 : memref<10112x128xbf16, #tpu.memory_space<vmem_shared>>)
        tpu.yield
      }) : () -> ()
      "tpu.region"() ({
        %run_scoped3A_181 = tpu.sem_alloc : memref<!tpu.dma_semaphore, #tpu.memory_space<semaphore_mem>>
        %dma_start3A_182 = arith.constant 0 : i32
        %dma_start3A_183 = tpu.memref_slice %arg7[%add3A_114, %dma_start3A_182] : memref<80x125xi32, #tpu.memory_space<vmem>> -> memref<1x125xi32, #tpu.memory_space<vmem>>
        %dma_start3A_184 = tpu.memref_squeeze %dma_start3A_183 : memref<1x125xi32, #tpu.memory_space<vmem>> -> memref<125xi32, #tpu.memory_space<vmem>>
        %dma_start3A_185 = arith.constant 0 : i32
        %dma_start3A_186 = arith.constant 0 : i32
        %dma_start3A_187 = tpu.memref_slice %arg19[%dma_start3A_185, %dma_start3A_186] : memref<10112x16xf32, #tpu.memory_space<vmem_shared>> -> memref<10112x16xf32, #tpu.memory_space<vmem_shared>>
        tpu.enqueue_indirect_dma source(%arg17 : memref<125x16xf32, #tpu.memory_space<vmem>>) target(%dma_start3A_187 : memref<10112x16xf32, #tpu.memory_space<vmem_shared>>) offsets(%dma_start3A_184 : memref<125xi32, #tpu.memory_space<vmem>>) semaphore(%run_scoped3A_181 : memref<!tpu.dma_semaphore, #tpu.memory_space<semaphore_mem>>) {add = true}
        %dma_wait3A_188 = arith.constant 0 : i32
        %dma_wait3A_189 = tpu.memref_slice %arg7[%add3A_114, %dma_wait3A_188] : memref<80x125xi32, #tpu.memory_space<vmem>> -> memref<1x125xi32, #tpu.memory_space<vmem>>
        %dma_wait3A_190 = tpu.memref_squeeze %dma_wait3A_189 : memref<1x125xi32, #tpu.memory_space<vmem>> -> memref<125xi32, #tpu.memory_space<vmem>>
        %dma_wait3A_191 = arith.constant 0 : i32
        %dma_wait3A_192 = arith.constant 0 : i32
        %dma_wait3A_193 = tpu.memref_slice %arg19[%dma_wait3A_191, %dma_wait3A_192] : memref<10112x16xf32, #tpu.memory_space<vmem_shared>> -> memref<10112x16xf32, #tpu.memory_space<vmem_shared>>
        tpu.wait_indirect_dma semaphore(%run_scoped3A_181 : memref<!tpu.dma_semaphore, #tpu.memory_space<semaphore_mem>>) src(%arg17 : memref<125x16xf32, #tpu.memory_space<vmem>>) dst(%dma_wait3A_193 : memref<10112x16xf32, #tpu.memory_space<vmem_shared>>)
        tpu.yield
      }) : () -> ()
      %add3A_122 = arith.constant 4 : i32
      %add3A_123 = arith.addi %add3A_114, %add3A_122 : i32
      %dma_start3A_124 = arith.constant 0 : i32
      %dma_start3A_125 = tpu.memref_slice %arg6[%add3A_123, %dma_start3A_124] : memref<80x125xi32, #tpu.memory_space<vmem>> -> memref<1x125xi32, #tpu.memory_space<vmem>>
      %dma_start3A_126 = tpu.memref_squeeze %dma_start3A_125 : memref<1x125xi32, #tpu.memory_space<vmem>> -> memref<125xi32, #tpu.memory_space<vmem>>
      %dma_start3A_127 = arith.constant 0 : i32
      %dma_start3A_128 = arith.constant 0 : i32
      %dma_start3A_129 = tpu.memref_slice %arg2[%dma_start3A_127, %dma_start3A_128] : memref<10112x128xbf16, #tpu.memory_space<hbm>> -> memref<10112x128xbf16, #tpu.memory_space<hbm>>
      tpu.enqueue_indirect_dma source(%dma_start3A_129 : memref<10112x128xbf16, #tpu.memory_space<hbm>>) target(%arg8 : memref<125x128xbf16, #tpu.memory_space<vmem>>) offsets(%dma_start3A_126 : memref<125xi32, #tpu.memory_space<vmem>>) semaphore(%arg13 : memref<!tpu.dma_semaphore, #tpu.memory_space<semaphore_mem>>)
      %add3A_130 = arith.constant 1 : i32
      %add3A_131 = arith.addi %add3A_112, %add3A_130 : i32
      %dma_wait3A_132 = arith.constant 1 : i32
      %dma_wait3A_133 = arith.constant 0 : i32
      %dma_wait3A_134 = tpu.memref_slice %arg6[%dma_wait3A_132, %dma_wait3A_133] : memref<80x125xi32, #tpu.memory_space<vmem>> -> memref<1x125xi32, #tpu.memory_space<vmem>>
      %dma_wait3A_135 = tpu.memref_squeeze %dma_wait3A_134 : memref<1x125xi32, #tpu.memory_space<vmem>> -> memref<125xi32, #tpu.memory_space<vmem>>
      %dma_wait3A_136 = arith.constant 0 : i32
      %dma_wait3A_137 = arith.constant 0 : i32
      %dma_wait3A_138 = tpu.memref_slice %arg2[%dma_wait3A_136, %dma_wait3A_137] : memref<10112x128xbf16, #tpu.memory_space<hbm>> -> memref<10112x128xbf16, #tpu.memory_space<hbm>>
      tpu.wait_indirect_dma semaphore(%arg14 : memref<!tpu.dma_semaphore, #tpu.memory_space<semaphore_mem>>) src(%dma_wait3A_138 : memref<10112x128xbf16, #tpu.memory_space<hbm>>) dst(%arg9 : memref<125x128xbf16, #tpu.memory_space<vmem>>)
      "tpu.region"() ({
        %run_scoped3A_181 = tpu.sem_alloc : memref<!tpu.dma_semaphore, #tpu.memory_space<semaphore_mem>>
        %dma_start3A_182 = arith.constant 0 : i32
        %dma_start3A_183 = tpu.memref_slice %arg7[%add3A_131, %dma_start3A_182] : memref<80x125xi32, #tpu.memory_space<vmem>> -> memref<1x125xi32, #tpu.memory_space<vmem>>
        %dma_start3A_184 = tpu.memref_squeeze %dma_start3A_183 : memref<1x125xi32, #tpu.memory_space<vmem>> -> memref<125xi32, #tpu.memory_space<vmem>>
        %dma_start3A_185 = arith.constant 0 : i32
        %dma_start3A_186 = arith.constant 0 : i32
        %dma_start3A_187 = tpu.memref_slice %arg12[%dma_start3A_185, %dma_start3A_186] : memref<10112x128xbf16, #tpu.memory_space<vmem_shared>> -> memref<10112x128xbf16, #tpu.memory_space<vmem_shared>>
        tpu.enqueue_indirect_dma source(%arg9 : memref<125x128xbf16, #tpu.memory_space<vmem>>) target(%dma_start3A_187 : memref<10112x128xbf16, #tpu.memory_space<vmem_shared>>) offsets(%dma_start3A_184 : memref<125xi32, #tpu.memory_space<vmem>>) semaphore(%run_scoped3A_181 : memref<!tpu.dma_semaphore, #tpu.memory_space<semaphore_mem>>) {add = true}
        %dma_wait3A_188 = arith.constant 0 : i32
        %dma_wait3A_189 = tpu.memref_slice %arg7[%add3A_131, %dma_wait3A_188] : memref<80x125xi32, #tpu.memory_space<vmem>> -> memref<1x125xi32, #tpu.memory_space<vmem>>
        %dma_wait3A_190 = tpu.memref_squeeze %dma_wait3A_189 : memref<1x125xi32, #tpu.memory_space<vmem>> -> memref<125xi32, #tpu.memory_space<vmem>>
        %dma_wait3A_191 = arith.constant 0 : i32
        %dma_wait3A_192 = arith.constant 0 : i32
        %dma_wait3A_193 = tpu.memref_slice %arg12[%dma_wait3A_191, %dma_wait3A_192] : memref<10112x128xbf16, #tpu.memory_space<vmem_shared>> -> memref<10112x128xbf16, #tpu.memory_space<vmem_shared>>
        tpu.wait_indirect_dma semaphore(%run_scoped3A_181 : memref<!tpu.dma_semaphore, #tpu.memory_space<semaphore_mem>>) src(%arg9 : memref<125x128xbf16, #tpu.memory_space<vmem>>) dst(%dma_wait3A_193 : memref<10112x128xbf16, #tpu.memory_space<vmem_shared>>)
        tpu.yield
      }) : () -> ()
      "tpu.region"() ({
        %run_scoped3A_181 = tpu.sem_alloc : memref<!tpu.dma_semaphore, #tpu.memory_space<semaphore_mem>>
        %dma_start3A_182 = arith.constant 0 : i32
        %dma_start3A_183 = tpu.memref_slice %arg7[%add3A_131, %dma_start3A_182] : memref<80x125xi32, #tpu.memory_space<vmem>> -> memref<1x125xi32, #tpu.memory_space<vmem>>
        %dma_start3A_184 = tpu.memref_squeeze %dma_start3A_183 : memref<1x125xi32, #tpu.memory_space<vmem>> -> memref<125xi32, #tpu.memory_space<vmem>>
        %dma_start3A_185 = arith.constant 0 : i32
        %dma_start3A_186 = arith.constant 0 : i32
        %dma_start3A_187 = tpu.memref_slice %arg19[%dma_start3A_185, %dma_start3A_186] : memref<10112x16xf32, #tpu.memory_space<vmem_shared>> -> memref<10112x16xf32, #tpu.memory_space<vmem_shared>>
        tpu.enqueue_indirect_dma source(%arg17 : memref<125x16xf32, #tpu.memory_space<vmem>>) target(%dma_start3A_187 : memref<10112x16xf32, #tpu.memory_space<vmem_shared>>) offsets(%dma_start3A_184 : memref<125xi32, #tpu.memory_space<vmem>>) semaphore(%run_scoped3A_181 : memref<!tpu.dma_semaphore, #tpu.memory_space<semaphore_mem>>) {add = true}
        %dma_wait3A_188 = arith.constant 0 : i32
        %dma_wait3A_189 = tpu.memref_slice %arg7[%add3A_131, %dma_wait3A_188] : memref<80x125xi32, #tpu.memory_space<vmem>> -> memref<1x125xi32, #tpu.memory_space<vmem>>
        %dma_wait3A_190 = tpu.memref_squeeze %dma_wait3A_189 : memref<1x125xi32, #tpu.memory_space<vmem>> -> memref<125xi32, #tpu.memory_space<vmem>>
        %dma_wait3A_191 = arith.constant 0 : i32
        %dma_wait3A_192 = arith.constant 0 : i32
        %dma_wait3A_193 = tpu.memref_slice %arg19[%dma_wait3A_191, %dma_wait3A_192] : memref<10112x16xf32, #tpu.memory_space<vmem_shared>> -> memref<10112x16xf32, #tpu.memory_space<vmem_shared>>
        tpu.wait_indirect_dma semaphore(%run_scoped3A_181 : memref<!tpu.dma_semaphore, #tpu.memory_space<semaphore_mem>>) src(%arg17 : memref<125x16xf32, #tpu.memory_space<vmem>>) dst(%dma_wait3A_193 : memref<10112x16xf32, #tpu.memory_space<vmem_shared>>)
        tpu.yield
      }) : () -> ()
      %add3A_139 = arith.constant 4 : i32
      %add3A_140 = arith.addi %add3A_131, %add3A_139 : i32
      %dma_start3A_141 = arith.constant 0 : i32
      %dma_start3A_142 = tpu.memref_slice %arg6[%add3A_140, %dma_start3A_141] : memref<80x125xi32, #tpu.memory_space<vmem>> -> memref<1x125xi32, #tpu.memory_space<vmem>>
      %dma_start3A_143 = tpu.memref_squeeze %dma_start3A_142 : memref<1x125xi32, #tpu.memory_space<vmem>> -> memref<125xi32, #tpu.memory_space<vmem>>
      %dma_start3A_144 = arith.constant 0 : i32
      %dma_start3A_145 = arith.constant 0 : i32
      %dma_start3A_146 = tpu.memref_slice %arg2[%dma_start3A_144, %dma_start3A_145] : memref<10112x128xbf16, #tpu.memory_space<hbm>> -> memref<10112x128xbf16, #tpu.memory_space<hbm>>
      tpu.enqueue_indirect_dma source(%dma_start3A_146 : memref<10112x128xbf16, #tpu.memory_space<hbm>>) target(%arg9 : memref<125x128xbf16, #tpu.memory_space<vmem>>) offsets(%dma_start3A_143 : memref<125xi32, #tpu.memory_space<vmem>>) semaphore(%arg14 : memref<!tpu.dma_semaphore, #tpu.memory_space<semaphore_mem>>)
      %add3A_147 = arith.constant 2 : i32
      %add3A_148 = arith.addi %add3A_112, %add3A_147 : i32
      %dma_wait3A_149 = arith.constant 2 : i32
      %dma_wait3A_150 = arith.constant 0 : i32
      %dma_wait3A_151 = tpu.memref_slice %arg6[%dma_wait3A_149, %dma_wait3A_150] : memref<80x125xi32, #tpu.memory_space<vmem>> -> memref<1x125xi32, #tpu.memory_space<vmem>>
      %dma_wait3A_152 = tpu.memref_squeeze %dma_wait3A_151 : memref<1x125xi32, #tpu.memory_space<vmem>> -> memref<125xi32, #tpu.memory_space<vmem>>
      %dma_wait3A_153 = arith.constant 0 : i32
      %dma_wait3A_154 = arith.constant 0 : i32
      %dma_wait3A_155 = tpu.memref_slice %arg2[%dma_wait3A_153, %dma_wait3A_154] : memref<10112x128xbf16, #tpu.memory_space<hbm>> -> memref<10112x128xbf16, #tpu.memory_space<hbm>>
      tpu.wait_indirect_dma semaphore(%arg15 : memref<!tpu.dma_semaphore, #tpu.memory_space<semaphore_mem>>) src(%dma_wait3A_155 : memref<10112x128xbf16, #tpu.memory_space<hbm>>) dst(%arg10 : memref<125x128xbf16, #tpu.memory_space<vmem>>)
      "tpu.region"() ({
        %run_scoped3A_181 = tpu.sem_alloc : memref<!tpu.dma_semaphore, #tpu.memory_space<semaphore_mem>>
        %dma_start3A_182 = arith.constant 0 : i32
        %dma_start3A_183 = tpu.memref_slice %arg7[%add3A_148, %dma_start3A_182] : memref<80x125xi32, #tpu.memory_space<vmem>> -> memref<1x125xi32, #tpu.memory_space<vmem>>
        %dma_start3A_184 = tpu.memref_squeeze %dma_start3A_183 : memref<1x125xi32, #tpu.memory_space<vmem>> -> memref<125xi32, #tpu.memory_space<vmem>>
        %dma_start3A_185 = arith.constant 0 : i32
        %dma_start3A_186 = arith.constant 0 : i32
        %dma_start3A_187 = tpu.memref_slice %arg12[%dma_start3A_185, %dma_start3A_186] : memref<10112x128xbf16, #tpu.memory_space<vmem_shared>> -> memref<10112x128xbf16, #tpu.memory_space<vmem_shared>>
        tpu.enqueue_indirect_dma source(%arg10 : memref<125x128xbf16, #tpu.memory_space<vmem>>) target(%dma_start3A_187 : memref<10112x128xbf16, #tpu.memory_space<vmem_shared>>) offsets(%dma_start3A_184 : memref<125xi32, #tpu.memory_space<vmem>>) semaphore(%run_scoped3A_181 : memref<!tpu.dma_semaphore, #tpu.memory_space<semaphore_mem>>) {add = true}
        %dma_wait3A_188 = arith.constant 0 : i32
        %dma_wait3A_189 = tpu.memref_slice %arg7[%add3A_148, %dma_wait3A_188] : memref<80x125xi32, #tpu.memory_space<vmem>> -> memref<1x125xi32, #tpu.memory_space<vmem>>
        %dma_wait3A_190 = tpu.memref_squeeze %dma_wait3A_189 : memref<1x125xi32, #tpu.memory_space<vmem>> -> memref<125xi32, #tpu.memory_space<vmem>>
        %dma_wait3A_191 = arith.constant 0 : i32
        %dma_wait3A_192 = arith.constant 0 : i32
        %dma_wait3A_193 = tpu.memref_slice %arg12[%dma_wait3A_191, %dma_wait3A_192] : memref<10112x128xbf16, #tpu.memory_space<vmem_shared>> -> memref<10112x128xbf16, #tpu.memory_space<vmem_shared>>
        tpu.wait_indirect_dma semaphore(%run_scoped3A_181 : memref<!tpu.dma_semaphore, #tpu.memory_space<semaphore_mem>>) src(%arg10 : memref<125x128xbf16, #tpu.memory_space<vmem>>) dst(%dma_wait3A_193 : memref<10112x128xbf16, #tpu.memory_space<vmem_shared>>)
        tpu.yield
      }) : () -> ()
      "tpu.region"() ({
        %run_scoped3A_181 = tpu.sem_alloc : memref<!tpu.dma_semaphore, #tpu.memory_space<semaphore_mem>>
        %dma_start3A_182 = arith.constant 0 : i32
        %dma_start3A_183 = tpu.memref_slice %arg7[%add3A_148, %dma_start3A_182] : memref<80x125xi32, #tpu.memory_space<vmem>> -> memref<1x125xi32, #tpu.memory_space<vmem>>
        %dma_start3A_184 = tpu.memref_squeeze %dma_start3A_183 : memref<1x125xi32, #tpu.memory_space<vmem>> -> memref<125xi32, #tpu.memory_space<vmem>>
        %dma_start3A_185 = arith.constant 0 : i32
        %dma_start3A_186 = arith.constant 0 : i32
        %dma_start3A_187 = tpu.memref_slice %arg19[%dma_start3A_185, %dma_start3A_186] : memref<10112x16xf32, #tpu.memory_space<vmem_shared>> -> memref<10112x16xf32, #tpu.memory_space<vmem_shared>>
        tpu.enqueue_indirect_dma source(%arg17 : memref<125x16xf32, #tpu.memory_space<vmem>>) target(%dma_start3A_187 : memref<10112x16xf32, #tpu.memory_space<vmem_shared>>) offsets(%dma_start3A_184 : memref<125xi32, #tpu.memory_space<vmem>>) semaphore(%run_scoped3A_181 : memref<!tpu.dma_semaphore, #tpu.memory_space<semaphore_mem>>) {add = true}
        %dma_wait3A_188 = arith.constant 0 : i32
        %dma_wait3A_189 = tpu.memref_slice %arg7[%add3A_148, %dma_wait3A_188] : memref<80x125xi32, #tpu.memory_space<vmem>> -> memref<1x125xi32, #tpu.memory_space<vmem>>
        %dma_wait3A_190 = tpu.memref_squeeze %dma_wait3A_189 : memref<1x125xi32, #tpu.memory_space<vmem>> -> memref<125xi32, #tpu.memory_space<vmem>>
        %dma_wait3A_191 = arith.constant 0 : i32
        %dma_wait3A_192 = arith.constant 0 : i32
        %dma_wait3A_193 = tpu.memref_slice %arg19[%dma_wait3A_191, %dma_wait3A_192] : memref<10112x16xf32, #tpu.memory_space<vmem_shared>> -> memref<10112x16xf32, #tpu.memory_space<vmem_shared>>
        tpu.wait_indirect_dma semaphore(%run_scoped3A_181 : memref<!tpu.dma_semaphore, #tpu.memory_space<semaphore_mem>>) src(%arg17 : memref<125x16xf32, #tpu.memory_space<vmem>>) dst(%dma_wait3A_193 : memref<10112x16xf32, #tpu.memory_space<vmem_shared>>)
        tpu.yield
      }) : () -> ()
      %add3A_156 = arith.constant 4 : i32
      %add3A_157 = arith.addi %add3A_148, %add3A_156 : i32
      %dma_start3A_158 = arith.constant 0 : i32
      %dma_start3A_159 = tpu.memref_slice %arg6[%add3A_157, %dma_start3A_158] : memref<80x125xi32, #tpu.memory_space<vmem>> -> memref<1x125xi32, #tpu.memory_space<vmem>>
      %dma_start3A_160 = tpu.memref_squeeze %dma_start3A_159 : memref<1x125xi32, #tpu.memory_space<vmem>> -> memref<125xi32, #tpu.memory_space<vmem>>
      %dma_start3A_161 = arith.constant 0 : i32
      %dma_start3A_162 = arith.constant 0 : i32
      %dma_start3A_163 = tpu.memref_slice %arg2[%dma_start3A_161, %dma_start3A_162] : memref<10112x128xbf16, #tpu.memory_space<hbm>> -> memref<10112x128xbf16, #tpu.memory_space<hbm>>
      tpu.enqueue_indirect_dma source(%dma_start3A_163 : memref<10112x128xbf16, #tpu.memory_space<hbm>>) target(%arg10 : memref<125x128xbf16, #tpu.memory_space<vmem>>) offsets(%dma_start3A_160 : memref<125xi32, #tpu.memory_space<vmem>>) semaphore(%arg15 : memref<!tpu.dma_semaphore, #tpu.memory_space<semaphore_mem>>)
      %add3A_164 = arith.constant 3 : i32
      %add3A_165 = arith.addi %add3A_112, %add3A_164 : i32
      %dma_wait3A_166 = arith.constant 3 : i32
      %dma_wait3A_167 = arith.constant 0 : i32
      %dma_wait3A_168 = tpu.memref_slice %arg6[%dma_wait3A_166, %dma_wait3A_167] : memref<80x125xi32, #tpu.memory_space<vmem>> -> memref<1x125xi32, #tpu.memory_space<vmem>>
      %dma_wait3A_169 = tpu.memref_squeeze %dma_wait3A_168 : memref<1x125xi32, #tpu.memory_space<vmem>> -> memref<125xi32, #tpu.memory_space<vmem>>
      %dma_wait3A_170 = arith.constant 0 : i32
      %dma_wait3A_171 = arith.constant 0 : i32
      %dma_wait3A_172 = tpu.memref_slice %arg2[%dma_wait3A_170, %dma_wait3A_171] : memref<10112x128xbf16, #tpu.memory_space<hbm>> -> memref<10112x128xbf16, #tpu.memory_space<hbm>>
      tpu.wait_indirect_dma semaphore(%arg16 : memref<!tpu.dma_semaphore, #tpu.memory_space<semaphore_mem>>) src(%dma_wait3A_172 : memref<10112x128xbf16, #tpu.memory_space<hbm>>) dst(%arg11 : memref<125x128xbf16, #tpu.memory_space<vmem>>)
      "tpu.region"() ({
        %run_scoped3A_181 = tpu.sem_alloc : memref<!tpu.dma_semaphore, #tpu.memory_space<semaphore_mem>>
        %dma_start3A_182 = arith.constant 0 : i32
        %dma_start3A_183 = tpu.memref_slice %arg7[%add3A_165, %dma_start3A_182] : memref<80x125xi32, #tpu.memory_space<vmem>> -> memref<1x125xi32, #tpu.memory_space<vmem>>
        %dma_start3A_184 = tpu.memref_squeeze %dma_start3A_183 : memref<1x125xi32, #tpu.memory_space<vmem>> -> memref<125xi32, #tpu.memory_space<vmem>>
        %dma_start3A_185 = arith.constant 0 : i32
        %dma_start3A_186 = arith.constant 0 : i32
        %dma_start3A_187 = tpu.memref_slice %arg12[%dma_start3A_185, %dma_start3A_186] : memref<10112x128xbf16, #tpu.memory_space<vmem_shared>> -> memref<10112x128xbf16, #tpu.memory_space<vmem_shared>>
        tpu.enqueue_indirect_dma source(%arg11 : memref<125x128xbf16, #tpu.memory_space<vmem>>) target(%dma_start3A_187 : memref<10112x128xbf16, #tpu.memory_space<vmem_shared>>) offsets(%dma_start3A_184 : memref<125xi32, #tpu.memory_space<vmem>>) semaphore(%run_scoped3A_181 : memref<!tpu.dma_semaphore, #tpu.memory_space<semaphore_mem>>) {add = true}
        %dma_wait3A_188 = arith.constant 0 : i32
        %dma_wait3A_189 = tpu.memref_slice %arg7[%add3A_165, %dma_wait3A_188] : memref<80x125xi32, #tpu.memory_space<vmem>> -> memref<1x125xi32, #tpu.memory_space<vmem>>
        %dma_wait3A_190 = tpu.memref_squeeze %dma_wait3A_189 : memref<1x125xi32, #tpu.memory_space<vmem>> -> memref<125xi32, #tpu.memory_space<vmem>>
        %dma_wait3A_191 = arith.constant 0 : i32
        %dma_wait3A_192 = arith.constant 0 : i32
        %dma_wait3A_193 = tpu.memref_slice %arg12[%dma_wait3A_191, %dma_wait3A_192] : memref<10112x128xbf16, #tpu.memory_space<vmem_shared>> -> memref<10112x128xbf16, #tpu.memory_space<vmem_shared>>
        tpu.wait_indirect_dma semaphore(%run_scoped3A_181 : memref<!tpu.dma_semaphore, #tpu.memory_space<semaphore_mem>>) src(%arg11 : memref<125x128xbf16, #tpu.memory_space<vmem>>) dst(%dma_wait3A_193 : memref<10112x128xbf16, #tpu.memory_space<vmem_shared>>)
        tpu.yield
      }) : () -> ()
      "tpu.region"() ({
        %run_scoped3A_181 = tpu.sem_alloc : memref<!tpu.dma_semaphore, #tpu.memory_space<semaphore_mem>>
        %dma_start3A_182 = arith.constant 0 : i32
        %dma_start3A_183 = tpu.memref_slice %arg7[%add3A_165, %dma_start3A_182] : memref<80x125xi32, #tpu.memory_space<vmem>> -> memref<1x125xi32, #tpu.memory_space<vmem>>
        %dma_start3A_184 = tpu.memref_squeeze %dma_start3A_183 : memref<1x125xi32, #tpu.memory_space<vmem>> -> memref<125xi32, #tpu.memory_space<vmem>>
        %dma_start3A_185 = arith.constant 0 : i32
        %dma_start3A_186 = arith.constant 0 : i32
        %dma_start3A_187 = tpu.memref_slice %arg19[%dma_start3A_185, %dma_start3A_186] : memref<10112x16xf32, #tpu.memory_space<vmem_shared>> -> memref<10112x16xf32, #tpu.memory_space<vmem_shared>>
        tpu.enqueue_indirect_dma source(%arg17 : memref<125x16xf32, #tpu.memory_space<vmem>>) target(%dma_start3A_187 : memref<10112x16xf32, #tpu.memory_space<vmem_shared>>) offsets(%dma_start3A_184 : memref<125xi32, #tpu.memory_space<vmem>>) semaphore(%run_scoped3A_181 : memref<!tpu.dma_semaphore, #tpu.memory_space<semaphore_mem>>) {add = true}
        %dma_wait3A_188 = arith.constant 0 : i32
        %dma_wait3A_189 = tpu.memref_slice %arg7[%add3A_165, %dma_wait3A_188] : memref<80x125xi32, #tpu.memory_space<vmem>> -> memref<1x125xi32, #tpu.memory_space<vmem>>
        %dma_wait3A_190 = tpu.memref_squeeze %dma_wait3A_189 : memref<1x125xi32, #tpu.memory_space<vmem>> -> memref<125xi32, #tpu.memory_space<vmem>>
        %dma_wait3A_191 = arith.constant 0 : i32
        %dma_wait3A_192 = arith.constant 0 : i32
        %dma_wait3A_193 = tpu.memref_slice %arg19[%dma_wait3A_191, %dma_wait3A_192] : memref<10112x16xf32, #tpu.memory_space<vmem_shared>> -> memref<10112x16xf32, #tpu.memory_space<vmem_shared>>
        tpu.wait_indirect_dma semaphore(%run_scoped3A_181 : memref<!tpu.dma_semaphore, #tpu.memory_space<semaphore_mem>>) src(%arg17 : memref<125x16xf32, #tpu.memory_space<vmem>>) dst(%dma_wait3A_193 : memref<10112x16xf32, #tpu.memory_space<vmem_shared>>)
        tpu.yield
      }) : () -> ()
      %add3A_173 = arith.constant 4 : i32
      %add3A_174 = arith.addi %add3A_165, %add3A_173 : i32
      %dma_start3A_175 = arith.constant 0 : i32
      %dma_start3A_176 = tpu.memref_slice %arg6[%add3A_174, %dma_start3A_175] : memref<80x125xi32, #tpu.memory_space<vmem>> -> memref<1x125xi32, #tpu.memory_space<vmem>>
      %dma_start3A_177 = tpu.memref_squeeze %dma_start3A_176 : memref<1x125xi32, #tpu.memory_space<vmem>> -> memref<125xi32, #tpu.memory_space<vmem>>
      %dma_start3A_178 = arith.constant 0 : i32
      %dma_start3A_179 = arith.constant 0 : i32
      %dma_start3A_180 = tpu.memref_slice %arg2[%dma_start3A_178, %dma_start3A_179] : memref<10112x128xbf16, #tpu.memory_space<hbm>> -> memref<10112x128xbf16, #tpu.memory_space<hbm>>
      tpu.enqueue_indirect_dma source(%dma_start3A_180 : memref<10112x128xbf16, #tpu.memory_space<hbm>>) target(%arg11 : memref<125x128xbf16, #tpu.memory_space<vmem>>) offsets(%dma_start3A_177 : memref<125xi32, #tpu.memory_space<vmem>>) semaphore(%arg16 : memref<!tpu.dma_semaphore, #tpu.memory_space<semaphore_mem>>)
    }
    %scan3A_71 = arith.constant 19 : i32
    %dma_wait3A = arith.constant 0 : i32
    %dma_wait3A_72 = arith.constant 0 : i32
    %dma_wait3A_73 = tpu.memref_slice %arg6[%dma_wait3A, %dma_wait3A_72] : memref<80x125xi32, #tpu.memory_space<vmem>> -> memref<1x125xi32, #tpu.memory_space<vmem>>
    %dma_wait3A_74 = tpu.memref_squeeze %dma_wait3A_73 : memref<1x125xi32, #tpu.memory_space<vmem>> -> memref<125xi32, #tpu.memory_space<vmem>>
    %dma_wait3A_75 = arith.constant 0 : i32
    %dma_wait3A_76 = arith.constant 0 : i32
    %dma_wait3A_77 = tpu.memref_slice %arg2[%dma_wait3A_75, %dma_wait3A_76] : memref<10112x128xbf16, #tpu.memory_space<hbm>> -> memref<10112x128xbf16, #tpu.memory_space<hbm>>
    tpu.wait_indirect_dma semaphore(%arg13 : memref<!tpu.dma_semaphore, #tpu.memory_space<semaphore_mem>>) src(%dma_wait3A_77 : memref<10112x128xbf16, #tpu.memory_space<hbm>>) dst(%arg8 : memref<125x128xbf16, #tpu.memory_space<vmem>>)
    %run_scoped3A_78 = arith.constant 76 : i32
    "tpu.region"() ({
      %run_scoped3A_108 = tpu.sem_alloc : memref<!tpu.dma_semaphore, #tpu.memory_space<semaphore_mem>>
      %dma_start3A_109 = arith.constant 0 : i32
      %dma_start3A_110 = tpu.memref_slice %arg7[%run_scoped3A_78, %dma_start3A_109] : memref<80x125xi32, #tpu.memory_space<vmem>> -> memref<1x125xi32, #tpu.memory_space<vmem>>
      %dma_start3A_111 = tpu.memref_squeeze %dma_start3A_110 : memref<1x125xi32, #tpu.memory_space<vmem>> -> memref<125xi32, #tpu.memory_space<vmem>>
      %dma_start3A_112 = arith.constant 0 : i32
      %dma_start3A_113 = arith.constant 0 : i32
      %dma_start3A_114 = tpu.memref_slice %arg12[%dma_start3A_112, %dma_start3A_113] : memref<10112x128xbf16, #tpu.memory_space<vmem_shared>> -> memref<10112x128xbf16, #tpu.memory_space<vmem_shared>>
      tpu.enqueue_indirect_dma source(%arg8 : memref<125x128xbf16, #tpu.memory_space<vmem>>) target(%dma_start3A_114 : memref<10112x128xbf16, #tpu.memory_space<vmem_shared>>) offsets(%dma_start3A_111 : memref<125xi32, #tpu.memory_space<vmem>>) semaphore(%run_scoped3A_108 : memref<!tpu.dma_semaphore, #tpu.memory_space<semaphore_mem>>) {add = true}
      %dma_wait3A_115 = arith.constant 0 : i32
      %dma_wait3A_116 = tpu.memref_slice %arg7[%run_scoped3A_78, %dma_wait3A_115] : memref<80x125xi32, #tpu.memory_space<vmem>> -> memref<1x125xi32, #tpu.memory_space<vmem>>
      %dma_wait3A_117 = tpu.memref_squeeze %dma_wait3A_116 : memref<1x125xi32, #tpu.memory_space<vmem>> -> memref<125xi32, #tpu.memory_space<vmem>>
      %dma_wait3A_118 = arith.constant 0 : i32
      %dma_wait3A_119 = arith.constant 0 : i32
      %dma_wait3A_120 = tpu.memref_slice %arg12[%dma_wait3A_118, %dma_wait3A_119] : memref<10112x128xbf16, #tpu.memory_space<vmem_shared>> -> memref<10112x128xbf16, #tpu.memory_space<vmem_shared>>
      tpu.wait_indirect_dma semaphore(%run_scoped3A_108 : memref<!tpu.dma_semaphore, #tpu.memory_space<semaphore_mem>>) src(%arg8 : memref<125x128xbf16, #tpu.memory_space<vmem>>) dst(%dma_wait3A_120 : memref<10112x128xbf16, #tpu.memory_space<vmem_shared>>)
      tpu.yield
    }) : () -> ()
    %run_scoped3A_79 = arith.constant 76 : i32
    "tpu.region"() ({
      %run_scoped3A_108 = tpu.sem_alloc : memref<!tpu.dma_semaphore, #tpu.memory_space<semaphore_mem>>
      %dma_start3A_109 = arith.constant 0 : i32
      %dma_start3A_110 = tpu.memref_slice %arg7[%run_scoped3A_79, %dma_start3A_109] : memref<80x125xi32, #tpu.memory_space<vmem>> -> memref<1x125xi32, #tpu.memory_space<vmem>>
      %dma_start3A_111 = tpu.memref_squeeze %dma_start3A_110 : memref<1x125xi32, #tpu.memory_space<vmem>> -> memref<125xi32, #tpu.memory_space<vmem>>
      %dma_start3A_112 = arith.constant 0 : i32
      %dma_start3A_113 = arith.constant 0 : i32
      %dma_start3A_114 = tpu.memref_slice %arg19[%dma_start3A_112, %dma_start3A_113] : memref<10112x16xf32, #tpu.memory_space<vmem_shared>> -> memref<10112x16xf32, #tpu.memory_space<vmem_shared>>
      tpu.enqueue_indirect_dma source(%arg17 : memref<125x16xf32, #tpu.memory_space<vmem>>) target(%dma_start3A_114 : memref<10112x16xf32, #tpu.memory_space<vmem_shared>>) offsets(%dma_start3A_111 : memref<125xi32, #tpu.memory_space<vmem>>) semaphore(%run_scoped3A_108 : memref<!tpu.dma_semaphore, #tpu.memory_space<semaphore_mem>>) {add = true}
      %dma_wait3A_115 = arith.constant 0 : i32
      %dma_wait3A_116 = tpu.memref_slice %arg7[%run_scoped3A_79, %dma_wait3A_115] : memref<80x125xi32, #tpu.memory_space<vmem>> -> memref<1x125xi32, #tpu.memory_space<vmem>>
      %dma_wait3A_117 = tpu.memref_squeeze %dma_wait3A_116 : memref<1x125xi32, #tpu.memory_space<vmem>> -> memref<125xi32, #tpu.memory_space<vmem>>
      %dma_wait3A_118 = arith.constant 0 : i32
      %dma_wait3A_119 = arith.constant 0 : i32
      %dma_wait3A_120 = tpu.memref_slice %arg19[%dma_wait3A_118, %dma_wait3A_119] : memref<10112x16xf32, #tpu.memory_space<vmem_shared>> -> memref<10112x16xf32, #tpu.memory_space<vmem_shared>>
      tpu.wait_indirect_dma semaphore(%run_scoped3A_108 : memref<!tpu.dma_semaphore, #tpu.memory_space<semaphore_mem>>) src(%arg17 : memref<125x16xf32, #tpu.memory_space<vmem>>) dst(%dma_wait3A_120 : memref<10112x16xf32, #tpu.memory_space<vmem_shared>>)
      tpu.yield
    }) : () -> ()
    %dma_wait3A_80 = arith.constant 1 : i32
    %dma_wait3A_81 = arith.constant 0 : i32
    %dma_wait3A_82 = tpu.memref_slice %arg6[%dma_wait3A_80, %dma_wait3A_81] : memref<80x125xi32, #tpu.memory_space<vmem>> -> memref<1x125xi32, #tpu.memory_space<vmem>>
    %dma_wait3A_83 = tpu.memref_squeeze %dma_wait3A_82 : memref<1x125xi32, #tpu.memory_space<vmem>> -> memref<125xi32, #tpu.memory_space<vmem>>
    %dma_wait3A_84 = arith.constant 0 : i32
    %dma_wait3A_85 = arith.constant 0 : i32
    %dma_wait3A_86 = tpu.memref_slice %arg2[%dma_wait3A_84, %dma_wait3A_85] : memref<10112x128xbf16, #tpu.memory_space<hbm>> -> memref<10112x128xbf16, #tpu.memory_space<hbm>>
    tpu.wait_indirect_dma semaphore(%arg14 : memref<!tpu.dma_semaphore, #tpu.memory_space<semaphore_mem>>) src(%dma_wait3A_86 : memref<10112x128xbf16, #tpu.memory_space<hbm>>) dst(%arg9 : memref<125x128xbf16, #tpu.memory_space<vmem>>)
    %run_scoped3A_87 = arith.constant 77 : i32
    "tpu.region"() ({
      %run_scoped3A_108 = tpu.sem_alloc : memref<!tpu.dma_semaphore, #tpu.memory_space<semaphore_mem>>
      %dma_start3A_109 = arith.constant 0 : i32
      %dma_start3A_110 = tpu.memref_slice %arg7[%run_scoped3A_87, %dma_start3A_109] : memref<80x125xi32, #tpu.memory_space<vmem>> -> memref<1x125xi32, #tpu.memory_space<vmem>>
      %dma_start3A_111 = tpu.memref_squeeze %dma_start3A_110 : memref<1x125xi32, #tpu.memory_space<vmem>> -> memref<125xi32, #tpu.memory_space<vmem>>
      %dma_start3A_112 = arith.constant 0 : i32
      %dma_start3A_113 = arith.constant 0 : i32
      %dma_start3A_114 = tpu.memref_slice %arg12[%dma_start3A_112, %dma_start3A_113] : memref<10112x128xbf16, #tpu.memory_space<vmem_shared>> -> memref<10112x128xbf16, #tpu.memory_space<vmem_shared>>
      tpu.enqueue_indirect_dma source(%arg9 : memref<125x128xbf16, #tpu.memory_space<vmem>>) target(%dma_start3A_114 : memref<10112x128xbf16, #tpu.memory_space<vmem_shared>>) offsets(%dma_start3A_111 : memref<125xi32, #tpu.memory_space<vmem>>) semaphore(%run_scoped3A_108 : memref<!tpu.dma_semaphore, #tpu.memory_space<semaphore_mem>>) {add = true}
      %dma_wait3A_115 = arith.constant 0 : i32
      %dma_wait3A_116 = tpu.memref_slice %arg7[%run_scoped3A_87, %dma_wait3A_115] : memref<80x125xi32, #tpu.memory_space<vmem>> -> memref<1x125xi32, #tpu.memory_space<vmem>>
      %dma_wait3A_117 = tpu.memref_squeeze %dma_wait3A_116 : memref<1x125xi32, #tpu.memory_space<vmem>> -> memref<125xi32, #tpu.memory_space<vmem>>
      %dma_wait3A_118 = arith.constant 0 : i32
      %dma_wait3A_119 = arith.constant 0 : i32
      %dma_wait3A_120 = tpu.memref_slice %arg12[%dma_wait3A_118, %dma_wait3A_119] : memref<10112x128xbf16, #tpu.memory_space<vmem_shared>> -> memref<10112x128xbf16, #tpu.memory_space<vmem_shared>>
      tpu.wait_indirect_dma semaphore(%run_scoped3A_108 : memref<!tpu.dma_semaphore, #tpu.memory_space<semaphore_mem>>) src(%arg9 : memref<125x128xbf16, #tpu.memory_space<vmem>>) dst(%dma_wait3A_120 : memref<10112x128xbf16, #tpu.memory_space<vmem_shared>>)
      tpu.yield
    }) : () -> ()
    %run_scoped3A_88 = arith.constant 77 : i32
    "tpu.region"() ({
      %run_scoped3A_108 = tpu.sem_alloc : memref<!tpu.dma_semaphore, #tpu.memory_space<semaphore_mem>>
      %dma_start3A_109 = arith.constant 0 : i32
      %dma_start3A_110 = tpu.memref_slice %arg7[%run_scoped3A_88, %dma_start3A_109] : memref<80x125xi32, #tpu.memory_space<vmem>> -> memref<1x125xi32, #tpu.memory_space<vmem>>
      %dma_start3A_111 = tpu.memref_squeeze %dma_start3A_110 : memref<1x125xi32, #tpu.memory_space<vmem>> -> memref<125xi32, #tpu.memory_space<vmem>>
      %dma_start3A_112 = arith.constant 0 : i32
      %dma_start3A_113 = arith.constant 0 : i32
      %dma_start3A_114 = tpu.memref_slice %arg19[%dma_start3A_112, %dma_start3A_113] : memref<10112x16xf32, #tpu.memory_space<vmem_shared>> -> memref<10112x16xf32, #tpu.memory_space<vmem_shared>>
      tpu.enqueue_indirect_dma source(%arg17 : memref<125x16xf32, #tpu.memory_space<vmem>>) target(%dma_start3A_114 : memref<10112x16xf32, #tpu.memory_space<vmem_shared>>) offsets(%dma_start3A_111 : memref<125xi32, #tpu.memory_space<vmem>>) semaphore(%run_scoped3A_108 : memref<!tpu.dma_semaphore, #tpu.memory_space<semaphore_mem>>) {add = true}
      %dma_wait3A_115 = arith.constant 0 : i32
      %dma_wait3A_116 = tpu.memref_slice %arg7[%run_scoped3A_88, %dma_wait3A_115] : memref<80x125xi32, #tpu.memory_space<vmem>> -> memref<1x125xi32, #tpu.memory_space<vmem>>
      %dma_wait3A_117 = tpu.memref_squeeze %dma_wait3A_116 : memref<1x125xi32, #tpu.memory_space<vmem>> -> memref<125xi32, #tpu.memory_space<vmem>>
      %dma_wait3A_118 = arith.constant 0 : i32
      %dma_wait3A_119 = arith.constant 0 : i32
      %dma_wait3A_120 = tpu.memref_slice %arg19[%dma_wait3A_118, %dma_wait3A_119] : memref<10112x16xf32, #tpu.memory_space<vmem_shared>> -> memref<10112x16xf32, #tpu.memory_space<vmem_shared>>
      tpu.wait_indirect_dma semaphore(%run_scoped3A_108 : memref<!tpu.dma_semaphore, #tpu.memory_space<semaphore_mem>>) src(%arg17 : memref<125x16xf32, #tpu.memory_space<vmem>>) dst(%dma_wait3A_120 : memref<10112x16xf32, #tpu.memory_space<vmem_shared>>)
      tpu.yield
    }) : () -> ()
    %dma_wait3A_89 = arith.constant 2 : i32
    %dma_wait3A_90 = arith.constant 0 : i32
    %dma_wait3A_91 = tpu.memref_slice %arg6[%dma_wait3A_89, %dma_wait3A_90] : memref<80x125xi32, #tpu.memory_space<vmem>> -> memref<1x125xi32, #tpu.memory_space<vmem>>
    %dma_wait3A_92 = tpu.memref_squeeze %dma_wait3A_91 : memref<1x125xi32, #tpu.memory_space<vmem>> -> memref<125xi32, #tpu.memory_space<vmem>>
    %dma_wait3A_93 = arith.constant 0 : i32
    %dma_wait3A_94 = arith.constant 0 : i32
    %dma_wait3A_95 = tpu.memref_slice %arg2[%dma_wait3A_93, %dma_wait3A_94] : memref<10112x128xbf16, #tpu.memory_space<hbm>> -> memref<10112x128xbf16, #tpu.memory_space<hbm>>
    tpu.wait_indirect_dma semaphore(%arg15 : memref<!tpu.dma_semaphore, #tpu.memory_space<semaphore_mem>>) src(%dma_wait3A_95 : memref<10112x128xbf16, #tpu.memory_space<hbm>>) dst(%arg10 : memref<125x128xbf16, #tpu.memory_space<vmem>>)
    %run_scoped3A_96 = arith.constant 78 : i32
    "tpu.region"() ({
      %run_scoped3A_108 = tpu.sem_alloc : memref<!tpu.dma_semaphore, #tpu.memory_space<semaphore_mem>>
      %dma_start3A_109 = arith.constant 0 : i32
      %dma_start3A_110 = tpu.memref_slice %arg7[%run_scoped3A_96, %dma_start3A_109] : memref<80x125xi32, #tpu.memory_space<vmem>> -> memref<1x125xi32, #tpu.memory_space<vmem>>
      %dma_start3A_111 = tpu.memref_squeeze %dma_start3A_110 : memref<1x125xi32, #tpu.memory_space<vmem>> -> memref<125xi32, #tpu.memory_space<vmem>>
      %dma_start3A_112 = arith.constant 0 : i32
      %dma_start3A_113 = arith.constant 0 : i32
      %dma_start3A_114 = tpu.memref_slice %arg12[%dma_start3A_112, %dma_start3A_113] : memref<10112x128xbf16, #tpu.memory_space<vmem_shared>> -> memref<10112x128xbf16, #tpu.memory_space<vmem_shared>>
      tpu.enqueue_indirect_dma source(%arg10 : memref<125x128xbf16, #tpu.memory_space<vmem>>) target(%dma_start3A_114 : memref<10112x128xbf16, #tpu.memory_space<vmem_shared>>) offsets(%dma_start3A_111 : memref<125xi32, #tpu.memory_space<vmem>>) semaphore(%run_scoped3A_108 : memref<!tpu.dma_semaphore, #tpu.memory_space<semaphore_mem>>) {add = true}
      %dma_wait3A_115 = arith.constant 0 : i32
      %dma_wait3A_116 = tpu.memref_slice %arg7[%run_scoped3A_96, %dma_wait3A_115] : memref<80x125xi32, #tpu.memory_space<vmem>> -> memref<1x125xi32, #tpu.memory_space<vmem>>
      %dma_wait3A_117 = tpu.memref_squeeze %dma_wait3A_116 : memref<1x125xi32, #tpu.memory_space<vmem>> -> memref<125xi32, #tpu.memory_space<vmem>>
      %dma_wait3A_118 = arith.constant 0 : i32
      %dma_wait3A_119 = arith.constant 0 : i32
      %dma_wait3A_120 = tpu.memref_slice %arg12[%dma_wait3A_118, %dma_wait3A_119] : memref<10112x128xbf16, #tpu.memory_space<vmem_shared>> -> memref<10112x128xbf16, #tpu.memory_space<vmem_shared>>
      tpu.wait_indirect_dma semaphore(%run_scoped3A_108 : memref<!tpu.dma_semaphore, #tpu.memory_space<semaphore_mem>>) src(%arg10 : memref<125x128xbf16, #tpu.memory_space<vmem>>) dst(%dma_wait3A_120 : memref<10112x128xbf16, #tpu.memory_space<vmem_shared>>)
      tpu.yield
    }) : () -> ()
    %run_scoped3A_97 = arith.constant 78 : i32
    "tpu.region"() ({
      %run_scoped3A_108 = tpu.sem_alloc : memref<!tpu.dma_semaphore, #tpu.memory_space<semaphore_mem>>
      %dma_start3A_109 = arith.constant 0 : i32
      %dma_start3A_110 = tpu.memref_slice %arg7[%run_scoped3A_97, %dma_start3A_109] : memref<80x125xi32, #tpu.memory_space<vmem>> -> memref<1x125xi32, #tpu.memory_space<vmem>>
      %dma_start3A_111 = tpu.memref_squeeze %dma_start3A_110 : memref<1x125xi32, #tpu.memory_space<vmem>> -> memref<125xi32, #tpu.memory_space<vmem>>
      %dma_start3A_112 = arith.constant 0 : i32
      %dma_start3A_113 = arith.constant 0 : i32
      %dma_start3A_114 = tpu.memref_slice %arg19[%dma_start3A_112, %dma_start3A_113] : memref<10112x16xf32, #tpu.memory_space<vmem_shared>> -> memref<10112x16xf32, #tpu.memory_space<vmem_shared>>
      tpu.enqueue_indirect_dma source(%arg17 : memref<125x16xf32, #tpu.memory_space<vmem>>) target(%dma_start3A_114 : memref<10112x16xf32, #tpu.memory_space<vmem_shared>>) offsets(%dma_start3A_111 : memref<125xi32, #tpu.memory_space<vmem>>) semaphore(%run_scoped3A_108 : memref<!tpu.dma_semaphore, #tpu.memory_space<semaphore_mem>>) {add = true}
      %dma_wait3A_115 = arith.constant 0 : i32
      %dma_wait3A_116 = tpu.memref_slice %arg7[%run_scoped3A_97, %dma_wait3A_115] : memref<80x125xi32, #tpu.memory_space<vmem>> -> memref<1x125xi32, #tpu.memory_space<vmem>>
      %dma_wait3A_117 = tpu.memref_squeeze %dma_wait3A_116 : memref<1x125xi32, #tpu.memory_space<vmem>> -> memref<125xi32, #tpu.memory_space<vmem>>
      %dma_wait3A_118 = arith.constant 0 : i32
      %dma_wait3A_119 = arith.constant 0 : i32
      %dma_wait3A_120 = tpu.memref_slice %arg19[%dma_wait3A_118, %dma_wait3A_119] : memref<10112x16xf32, #tpu.memory_space<vmem_shared>> -> memref<10112x16xf32, #tpu.memory_space<vmem_shared>>
      tpu.wait_indirect_dma semaphore(%run_scoped3A_108 : memref<!tpu.dma_semaphore, #tpu.memory_space<semaphore_mem>>) src(%arg17 : memref<125x16xf32, #tpu.memory_space<vmem>>) dst(%dma_wait3A_120 : memref<10112x16xf32, #tpu.memory_space<vmem_shared>>)
      tpu.yield
    }) : () -> ()
    %dma_wait3A_98 = arith.constant 3 : i32
    %dma_wait3A_99 = arith.constant 0 : i32
    %dma_wait3A_100 = tpu.memref_slice %arg6[%dma_wait3A_98, %dma_wait3A_99] : memref<80x125xi32, #tpu.memory_space<vmem>> -> memref<1x125xi32, #tpu.memory_space<vmem>>
    %dma_wait3A_101 = tpu.memref_squeeze %dma_wait3A_100 : memref<1x125xi32, #tpu.memory_space<vmem>> -> memref<125xi32, #tpu.memory_space<vmem>>
    %dma_wait3A_102 = arith.constant 0 : i32
    %dma_wait3A_103 = arith.constant 0 : i32
    %dma_wait3A_104 = tpu.memref_slice %arg2[%dma_wait3A_102, %dma_wait3A_103] : memref<10112x128xbf16, #tpu.memory_space<hbm>> -> memref<10112x128xbf16, #tpu.memory_space<hbm>>
    tpu.wait_indirect_dma semaphore(%arg16 : memref<!tpu.dma_semaphore, #tpu.memory_space<semaphore_mem>>) src(%dma_wait3A_104 : memref<10112x128xbf16, #tpu.memory_space<hbm>>) dst(%arg11 : memref<125x128xbf16, #tpu.memory_space<vmem>>)
    %run_scoped3A_105 = arith.constant 79 : i32
    "tpu.region"() ({
      %run_scoped3A_108 = tpu.sem_alloc : memref<!tpu.dma_semaphore, #tpu.memory_space<semaphore_mem>>
      %dma_start3A_109 = arith.constant 0 : i32
      %dma_start3A_110 = tpu.memref_slice %arg7[%run_scoped3A_105, %dma_start3A_109] : memref<80x125xi32, #tpu.memory_space<vmem>> -> memref<1x125xi32, #tpu.memory_space<vmem>>
      %dma_start3A_111 = tpu.memref_squeeze %dma_start3A_110 : memref<1x125xi32, #tpu.memory_space<vmem>> -> memref<125xi32, #tpu.memory_space<vmem>>
      %dma_start3A_112 = arith.constant 0 : i32
      %dma_start3A_113 = arith.constant 0 : i32
      %dma_start3A_114 = tpu.memref_slice %arg12[%dma_start3A_112, %dma_start3A_113] : memref<10112x128xbf16, #tpu.memory_space<vmem_shared>> -> memref<10112x128xbf16, #tpu.memory_space<vmem_shared>>
      tpu.enqueue_indirect_dma source(%arg11 : memref<125x128xbf16, #tpu.memory_space<vmem>>) target(%dma_start3A_114 : memref<10112x128xbf16, #tpu.memory_space<vmem_shared>>) offsets(%dma_start3A_111 : memref<125xi32, #tpu.memory_space<vmem>>) semaphore(%run_scoped3A_108 : memref<!tpu.dma_semaphore, #tpu.memory_space<semaphore_mem>>) {add = true}
      %dma_wait3A_115 = arith.constant 0 : i32
      %dma_wait3A_116 = tpu.memref_slice %arg7[%run_scoped3A_105, %dma_wait3A_115] : memref<80x125xi32, #tpu.memory_space<vmem>> -> memref<1x125xi32, #tpu.memory_space<vmem>>
      %dma_wait3A_117 = tpu.memref_squeeze %dma_wait3A_116 : memref<1x125xi32, #tpu.memory_space<vmem>> -> memref<125xi32, #tpu.memory_space<vmem>>
      %dma_wait3A_118 = arith.constant 0 : i32
      %dma_wait3A_119 = arith.constant 0 : i32
      %dma_wait3A_120 = tpu.memref_slice %arg12[%dma_wait3A_118, %dma_wait3A_119] : memref<10112x128xbf16, #tpu.memory_space<vmem_shared>> -> memref<10112x128xbf16, #tpu.memory_space<vmem_shared>>
      tpu.wait_indirect_dma semaphore(%run_scoped3A_108 : memref<!tpu.dma_semaphore, #tpu.memory_space<semaphore_mem>>) src(%arg11 : memref<125x128xbf16, #tpu.memory_space<vmem>>) dst(%dma_wait3A_120 : memref<10112x128xbf16, #tpu.memory_space<vmem_shared>>)
      tpu.yield
    }) : () -> ()
    %run_scoped3A_106 = arith.constant 79 : i32
    "tpu.region"() ({
      %run_scoped3A_108 = tpu.sem_alloc : memref<!tpu.dma_semaphore, #tpu.memory_space<semaphore_mem>>
      %dma_start3A_109 = arith.constant 0 : i32
      %dma_start3A_110 = tpu.memref_slice %arg7[%run_scoped3A_106, %dma_start3A_109] : memref<80x125xi32, #tpu.memory_space<vmem>> -> memref<1x125xi32, #tpu.memory_space<vmem>>
      %dma_start3A_111 = tpu.memref_squeeze %dma_start3A_110 : memref<1x125xi32, #tpu.memory_space<vmem>> -> memref<125xi32, #tpu.memory_space<vmem>>
      %dma_start3A_112 = arith.constant 0 : i32
      %dma_start3A_113 = arith.constant 0 : i32
      %dma_start3A_114 = tpu.memref_slice %arg19[%dma_start3A_112, %dma_start3A_113] : memref<10112x16xf32, #tpu.memory_space<vmem_shared>> -> memref<10112x16xf32, #tpu.memory_space<vmem_shared>>
      tpu.enqueue_indirect_dma source(%arg17 : memref<125x16xf32, #tpu.memory_space<vmem>>) target(%dma_start3A_114 : memref<10112x16xf32, #tpu.memory_space<vmem_shared>>) offsets(%dma_start3A_111 : memref<125xi32, #tpu.memory_space<vmem>>) semaphore(%run_scoped3A_108 : memref<!tpu.dma_semaphore, #tpu.memory_space<semaphore_mem>>) {add = true}
      %dma_wait3A_115 = arith.constant 0 : i32
      %dma_wait3A_116 = tpu.memref_slice %arg7[%run_scoped3A_106, %dma_wait3A_115] : memref<80x125xi32, #tpu.memory_space<vmem>> -> memref<1x125xi32, #tpu.memory_space<vmem>>
      %dma_wait3A_117 = tpu.memref_squeeze %dma_wait3A_116 : memref<1x125xi32, #tpu.memory_space<vmem>> -> memref<125xi32, #tpu.memory_space<vmem>>
      %dma_wait3A_118 = arith.constant 0 : i32
      %dma_wait3A_119 = arith.constant 0 : i32
      %dma_wait3A_120 = tpu.memref_slice %arg19[%dma_wait3A_118, %dma_wait3A_119] : memref<10112x16xf32, #tpu.memory_space<vmem_shared>> -> memref<10112x16xf32, #tpu.memory_space<vmem_shared>>
      tpu.wait_indirect_dma semaphore(%run_scoped3A_108 : memref<!tpu.dma_semaphore, #tpu.memory_space<semaphore_mem>>) src(%arg17 : memref<125x16xf32, #tpu.memory_space<vmem>>) dst(%dma_wait3A_120 : memref<10112x16xf32, #tpu.memory_space<vmem_shared>>)
      tpu.yield
    }) : () -> ()
    %barrier3A_107 = arith.constant 0 : index
    tpu.barrier barrier_id(%barrier3A_107)
    "tpu.region"() ({
      %run_scoped3A_108 = tpu.sem_alloc : memref<!tpu.dma_semaphore, #tpu.memory_space<semaphore_mem>>
      %dma_start3A_109 = arith.constant 0 : i32
      %dma_start3A_110 = tpu.memref_slice %arg4[%arg0, %mul3A_2, %dma_start3A_109] : memref<2x10112x128xbf16, #tpu.memory_space<hbm>> -> memref<1x632x128xbf16, #tpu.memory_space<hbm>>
      %dma_start3A_111 = tpu.memref_squeeze %dma_start3A_110 : memref<1x632x128xbf16, #tpu.memory_space<hbm>> -> memref<632x128xbf16, #tpu.memory_space<hbm>>
      %dma_start3A_112 = arith.constant 0 : i32
      %dma_start3A_113 = tpu.memref_slice %arg12[%mul3A_2, %dma_start3A_112] : memref<10112x128xbf16, #tpu.memory_space<vmem_shared>> -> memref<632x128xbf16, #tpu.memory_space<vmem_shared>>
      tpu.enqueue_dma source(%dma_start3A_113 : memref<632x128xbf16, #tpu.memory_space<vmem_shared>>) target(%dma_start3A_111 : memref<632x128xbf16, #tpu.memory_space<hbm>>) target_semaphore(%run_scoped3A_108 : memref<!tpu.dma_semaphore, #tpu.memory_space<semaphore_mem>>)
      %dma_wait3A_114 = arith.constant 0 : i32
      %dma_wait3A_115 = tpu.memref_slice %arg4[%arg0, %mul3A_2, %dma_wait3A_114] : memref<2x10112x128xbf16, #tpu.memory_space<hbm>> -> memref<1x632x128xbf16, #tpu.memory_space<hbm>>
      %dma_wait3A_116 = tpu.memref_squeeze %dma_wait3A_115 : memref<1x632x128xbf16, #tpu.memory_space<hbm>> -> memref<632x128xbf16, #tpu.memory_space<hbm>>
      %dma_wait3A_117 = arith.constant 0 : i32
      %dma_wait3A_118 = tpu.memref_slice %arg12[%mul3A_2, %dma_wait3A_117] : memref<10112x128xbf16, #tpu.memory_space<vmem_shared>> -> memref<632x128xbf16, #tpu.memory_space<vmem_shared>>
      tpu.wait_dma2 semaphore(%run_scoped3A_108 : memref<!tpu.dma_semaphore, #tpu.memory_space<semaphore_mem>>) src(%dma_wait3A_118 : memref<632x128xbf16, #tpu.memory_space<vmem_shared>>) dst(%dma_wait3A_116 : memref<632x128xbf16, #tpu.memory_space<hbm>>)
      tpu.yield
    }) : () -> ()
    "tpu.region"() ({
      %run_scoped3A_108 = tpu.sem_alloc : memref<!tpu.dma_semaphore, #tpu.memory_space<semaphore_mem>>
      %dma_start3A_109 = arith.constant 0 : i32
      %dma_start3A_110 = tpu.memref_slice %arg5[%arg0, %mul3A_2, %dma_start3A_109] : memref<2x10112x16xf32, #tpu.memory_space<hbm>> -> memref<1x632x16xf32, #tpu.memory_space<hbm>>
      %dma_start3A_111 = tpu.memref_squeeze %dma_start3A_110 : memref<1x632x16xf32, #tpu.memory_space<hbm>> -> memref<632x16xf32, #tpu.memory_space<hbm>>
      %dma_start3A_112 = arith.constant 0 : i32
      %dma_start3A_113 = tpu.memref_slice %arg19[%mul3A_2, %dma_start3A_112] : memref<10112x16xf32, #tpu.memory_space<vmem_shared>> -> memref<632x16xf32, #tpu.memory_space<vmem_shared>>
      tpu.enqueue_dma source(%dma_start3A_113 : memref<632x16xf32, #tpu.memory_space<vmem_shared>>) target(%dma_start3A_111 : memref<632x16xf32, #tpu.memory_space<hbm>>) target_semaphore(%run_scoped3A_108 : memref<!tpu.dma_semaphore, #tpu.memory_space<semaphore_mem>>)
      %dma_wait3A_114 = arith.constant 0 : i32
      %dma_wait3A_115 = tpu.memref_slice %arg5[%arg0, %mul3A_2, %dma_wait3A_114] : memref<2x10112x16xf32, #tpu.memory_space<hbm>> -> memref<1x632x16xf32, #tpu.memory_space<hbm>>
      %dma_wait3A_116 = tpu.memref_squeeze %dma_wait3A_115 : memref<1x632x16xf32, #tpu.memory_space<hbm>> -> memref<632x16xf32, #tpu.memory_space<hbm>>
      %dma_wait3A_117 = arith.constant 0 : i32
      %dma_wait3A_118 = tpu.memref_slice %arg19[%mul3A_2, %dma_wait3A_117] : memref<10112x16xf32, #tpu.memory_space<vmem_shared>> -> memref<632x16xf32, #tpu.memory_space<vmem_shared>>
      tpu.wait_dma2 semaphore(%run_scoped3A_108 : memref<!tpu.dma_semaphore, #tpu.memory_space<semaphore_mem>>) src(%dma_wait3A_118 : memref<632x16xf32, #tpu.memory_space<vmem_shared>>) dst(%dma_wait3A_116 : memref<632x16xf32, #tpu.memory_space<hbm>>)
      tpu.yield
    }) : () -> ()
    return
  }
}

module attributes {stable_mosaic.version = 14 : i64} {
  func.func @_tc1_body(%arg0: i32, %arg1: memref<5056x128xf32, #tpu.memory_space<vmem>>, %arg2: memref<128x128xf32, #tpu.memory_space<vmem>>, %arg3: memref<128x128xf32, #tpu.memory_space<vmem>>, %arg4: memref<5056x128xbf16, #tpu.memory_space<vmem>>, %arg5: memref<5056x128xbf16, #tpu.memory_space<vmem>>) attributes {dimension_semantics = [#tpu.dimension_semantics<arbitrary>], iteration_bounds = array<i64: 2>, scalar_prefetch = 0 : i64, scratch_operands = 0 : i64, tpu.core_type = #tpu.core_type<tc>, window_params = [{transform_indices = @transform_0, window_bounds = array<i64: 5056, 128>}, {pipeline_mode = #tpu.pipeline_mode<synchronous>, transform_indices = @transform_1, window_bounds = array<i64: 128, 128>}, {pipeline_mode = #tpu.pipeline_mode<synchronous>, transform_indices = @transform_2, window_bounds = array<i64: 128, 128>}, {transform_indices = @transform_3, window_bounds = array<i64: 5056, 128>}, {transform_indices = @transform_4, window_bounds = array<i64: 5056, 128>}]} {
    %get3A = arith.constant 0 : index
    %get3A_0 = arith.constant 0 : index
    %get3A_1 = vector.load %arg1[%get3A, %get3A_0] : memref<5056x128xf32, #tpu.memory_space<vmem>>, vector<5056x128xf32>
    %get3A_2 = arith.constant 0 : index
    %get3A_3 = arith.constant 0 : index
    %get3A_4 = vector.load %arg2[%get3A_2, %get3A_3] : memref<128x128xf32, #tpu.memory_space<vmem>>, vector<128x128xf32>
    %dot_general3A = arith.constant dense<0.000000e+00> : vector<5056x128xf32>
    %dot_general3A_5 = tpu.matmul %get3A_1, %get3A_4, %dot_general3A {dimension_numbers = #tpu.dot_dimension_numbers<[1], [0], [0], [1], [0, 0, 1, 1], [], []>, transpose_lhs_hint = false} : vector<5056x128xf32>, vector<128x128xf32>, vector<5056x128xf32> -> vector<5056x128xf32>
    %convert_element_type3A = arith.truncf %dot_general3A_5 : vector<5056x128xf32> to vector<5056x128xbf16>
    %swap3A = arith.constant 0 : index
    %swap3A_6 = arith.constant 0 : index
    %swap3A_7 = vector.load %arg4[%swap3A, %swap3A_6] : memref<5056x128xbf16, #tpu.memory_space<vmem>>, vector<5056x128xbf16>
    tpu.vector_store %arg4[%swap3A, %swap3A_6], %convert_element_type3A {strides = array<i32>} : memref<5056x128xbf16, #tpu.memory_space<vmem>>, vector<5056x128xbf16>,
    %get3A_8 = arith.constant 0 : index
    %get3A_9 = arith.constant 0 : index
    %get3A_10 = vector.load %arg3[%get3A_8, %get3A_9] : memref<128x128xf32, #tpu.memory_space<vmem>>, vector<128x128xf32>
    %dot_general3A_11 = arith.constant dense<0.000000e+00> : vector<5056x128xf32>
    %dot_general3A_12 = tpu.matmul %get3A_1, %get3A_10, %dot_general3A_11 {dimension_numbers = #tpu.dot_dimension_numbers<[1], [0], [0], [1], [0, 0, 1, 1], [], []>, transpose_lhs_hint = false} : vector<5056x128xf32>, vector<128x128xf32>, vector<5056x128xf32> -> vector<5056x128xf32>
    %convert_element_type3A_13 = arith.truncf %dot_general3A_12 : vector<5056x128xf32> to vector<5056x128xbf16>
    %swap3A_14 = arith.constant 0 : index
    %swap3A_15 = arith.constant 0 : index
    %swap3A_16 = vector.load %arg5[%swap3A_14, %swap3A_15] : memref<5056x128xbf16, #tpu.memory_space<vmem>>, vector<5056x128xbf16>
    tpu.vector_store %arg5[%swap3A_14, %swap3A_15], %convert_element_type3A_13 {strides = array<i32>} : memref<5056x128xbf16, #tpu.memory_space<vmem>>, vector<5056x128xbf16>,
    return
  }
  func.func @transform_0(%arg0: i32) -> (i32, i32) {
    %c0_i32 = arith.constant 0 : i32
    %c0_i32_0 = arith.constant 0 : i32
    return %arg0, %c0_i32 : i32, i32
  }
  func.func @transform_1(%arg0: i32) -> (i32, i32) {
    %c0_i32 = arith.constant 0 : i32
    %c0_i32_0 = arith.constant 0 : i32
    %c0_i32_1 = arith.constant 0 : i32
    return %c0_i32, %c0_i32_0 : i32, i32
  }
  func.func @transform_2(%arg0: i32) -> (i32, i32) {
    %c0_i32 = arith.constant 0 : i32
    %c0_i32_0 = arith.constant 0 : i32
    %c0_i32_1 = arith.constant 0 : i32
    return %c0_i32, %c0_i32_0 : i32, i32
  }
  func.func @transform_3(%arg0: i32) -> (i32, i32) {
    %c0_i32 = arith.constant 0 : i32
    %c0_i32_0 = arith.constant 0 : i32
    return %arg0, %c0_i32 : i32, i32
  }
  func.func @transform_4(%arg0: i32) -> (i32, i32) {
    %c0_i32 = arith.constant 0 : i32
    %c0_i32_0 = arith.constant 0 : i32
    return %arg0, %c0_i32 : i32, i32
  }
}

module attributes {stable_mosaic.version = 14 : i64} {
  func.func @_tc2_body(%arg0: i32, %arg1: memref<2x5056x128xbf16, #tpu.memory_space<vmem>>, %arg2: memref<2x5056x16xf32, #tpu.memory_space<vmem>>, %arg3: memref<5056x128xbf16, #tpu.memory_space<vmem>>, %arg4: memref<1x128xf32, #tpu.memory_space<vmem>>, %arg5: memref<128x64xf32, #tpu.memory_space<vmem>>, %arg6: memref<128x64xf32, #tpu.memory_space<vmem>>, %arg7: memref<5056x64xbf16, #tpu.memory_space<vmem>>, %arg8: memref<5056x64xbf16, #tpu.memory_space<vmem>>) attributes {dimension_semantics = [#tpu.dimension_semantics<arbitrary>], iteration_bounds = array<i64: 2>, scalar_prefetch = 0 : i64, scratch_operands = 0 : i64, tpu.core_type = #tpu.core_type<tc>, window_params = [{transform_indices = @transform_0, window_bounds = array<i64: 2, 5056, 128>}, {transform_indices = @transform_1, window_bounds = array<i64: 2, 5056, 16>}, {transform_indices = @transform_2, window_bounds = array<i64: 5056, 128>}, {pipeline_mode = #tpu.pipeline_mode<synchronous>, transform_indices = @transform_3, window_bounds = array<i64: 1, 128>}, {pipeline_mode = #tpu.pipeline_mode<synchronous>, transform_indices = @transform_4, window_bounds = array<i64: 128, 64>}, {pipeline_mode = #tpu.pipeline_mode<synchronous>, transform_indices = @transform_5, window_bounds = array<i64: 128, 64>}, {transform_indices = @transform_6, window_bounds = array<i64: 5056, 64>}, {transform_indices = @transform_7, window_bounds = array<i64: 5056, 64>}]} {
    %get3A = arith.constant 0 : index
    %get3A_0 = arith.constant 0 : index
    %get3A_1 = arith.constant 0 : index
    %get3A_2 = vector.load %arg1[%get3A, %get3A_0, %get3A_1] : memref<2x5056x128xbf16, #tpu.memory_space<vmem>>, vector<1x5056x128xbf16>
    %get3A_3 = vector.shape_cast %get3A_2 : vector<1x5056x128xbf16> to vector<5056x128xbf16>
    %convert_element_type3A = arith.extf %get3A_3 : vector<5056x128xbf16> to vector<5056x128xf32>
    %get3A_4 = arith.constant 1 : index
    %get3A_5 = arith.constant 0 : index
    %get3A_6 = arith.constant 0 : index
    %get3A_7 = vector.load %arg1[%get3A_4, %get3A_5, %get3A_6] : memref<2x5056x128xbf16, #tpu.memory_space<vmem>>, vector<1x5056x128xbf16>
    %get3A_8 = vector.shape_cast %get3A_7 : vector<1x5056x128xbf16> to vector<5056x128xbf16>
    %convert_element_type3A_9 = arith.extf %get3A_8 : vector<5056x128xbf16> to vector<5056x128xf32>
    %add3A = arith.addf %convert_element_type3A, %convert_element_type3A_9 : vector<5056x128xf32>
    %get3A_10 = arith.constant 0 : index
    %get3A_11 = arith.constant 0 : index
    %get3A_12 = arith.constant 0 : index
    %get3A_13 = vector.load %arg2[%get3A_10, %get3A_11, %get3A_12] : memref<2x5056x16xf32, #tpu.memory_space<vmem>>, vector<1x5056x16xf32>
    %get3A_14 = vector.shape_cast %get3A_13 : vector<1x5056x16xf32> to vector<5056x16xf32>
    %get3A_15 = arith.constant 1 : index
    %get3A_16 = arith.constant 0 : index
    %get3A_17 = arith.constant 0 : index
    %get3A_18 = vector.load %arg2[%get3A_15, %get3A_16, %get3A_17] : memref<2x5056x16xf32, #tpu.memory_space<vmem>>, vector<1x5056x16xf32>
    %get3A_19 = vector.shape_cast %get3A_18 : vector<1x5056x16xf32> to vector<5056x16xf32>
    %add3A_20 = arith.addf %get3A_14, %get3A_19 : vector<5056x16xf32>
    %reduce_max3A = arith.constant dense<0xFF800000> : vector<5056xf32>
    %reduce_max3A_21 = vector.multi_reduction <maximumf>, %add3A_20, %reduce_max3A [1] : vector<5056x16xf32> to vector<5056xf32>
    %broadcast_in_dim3A = vector.shape_cast %reduce_max3A_21 : vector<5056xf32> to vector<5056x1xf32>
    %max3A = arith.constant 1.000000e+00 : f32
    %max3A_22 = vector.broadcast %max3A : f32 to vector<5056x1xf32>
    %max3A_23 = arith.maximumf %broadcast_in_dim3A, %max3A_22 : vector<5056x1xf32>
    %div3A = vector.broadcast %max3A_23 : vector<5056x1xf32> to vector<5056x128xf32>
    %div3A_24 = arith.divf %add3A, %div3A : vector<5056x128xf32>
    %get3A_25 = arith.constant 0 : index
    %get3A_26 = arith.constant 0 : index
    %get3A_27 = vector.load %arg3[%get3A_25, %get3A_26] : memref<5056x128xbf16, #tpu.memory_space<vmem>>, vector<5056x128xbf16>
    %convert_element_type3A_28 = arith.extf %get3A_27 : vector<5056x128xbf16> to vector<5056x128xf32>
    %add3A_29 = arith.addf %div3A_24, %convert_element_type3A_28 : vector<5056x128xf32>
    %get3A_30 = arith.constant 0 : index
    %get3A_31 = arith.constant 0 : index
    %get3A_32 = vector.load %arg4[%get3A_30, %get3A_31] : memref<1x128xf32, #tpu.memory_space<vmem>>, vector<1x128xf32>
    %add3A_33 = vector.broadcast %get3A_32 : vector<1x128xf32> to vector<5056x128xf32>
    %add3A_34 = arith.addf %add3A_29, %add3A_33 : vector<5056x128xf32>
    %max3A_35 = arith.constant 0.000000e+00 : f32
    %max3A_36 = vector.broadcast %max3A_35 : f32 to vector<5056x128xf32>
    %max3A_37 = arith.maximumf %add3A_34, %max3A_36 : vector<5056x128xf32>
    %get3A_38 = arith.constant 0 : index
    %get3A_39 = arith.constant 0 : index
    %get3A_40 = vector.load %arg5[%get3A_38, %get3A_39] : memref<128x64xf32, #tpu.memory_space<vmem>>, vector<128x64xf32>
    %dot_general3A = arith.constant dense<0.000000e+00> : vector<5056x64xf32>
    %dot_general3A_41 = tpu.matmul %max3A_37, %get3A_40, %dot_general3A {dimension_numbers = #tpu.dot_dimension_numbers<[1], [0], [0], [1], [0, 0, 1, 1], [], []>, transpose_lhs_hint = false} : vector<5056x128xf32>, vector<128x64xf32>, vector<5056x64xf32> -> vector<5056x64xf32>
    %convert_element_type3A_42 = arith.truncf %dot_general3A_41 : vector<5056x64xf32> to vector<5056x64xbf16>
    %swap3A = arith.constant 0 : index
    %swap3A_43 = arith.constant 0 : index
    %swap3A_44 = vector.load %arg7[%swap3A, %swap3A_43] : memref<5056x64xbf16, #tpu.memory_space<vmem>>, vector<5056x64xbf16>
    tpu.vector_store %arg7[%swap3A, %swap3A_43], %convert_element_type3A_42 {strides = array<i32>} : memref<5056x64xbf16, #tpu.memory_space<vmem>>, vector<5056x64xbf16>,
    %get3A_45 = arith.constant 0 : index
    %get3A_46 = arith.constant 0 : index
    %get3A_47 = vector.load %arg6[%get3A_45, %get3A_46] : memref<128x64xf32, #tpu.memory_space<vmem>>, vector<128x64xf32>
    %dot_general3A_48 = arith.constant dense<0.000000e+00> : vector<5056x64xf32>
    %dot_general3A_49 = tpu.matmul %max3A_37, %get3A_47, %dot_general3A_48 {dimension_numbers = #tpu.dot_dimension_numbers<[1], [0], [0], [1], [0, 0, 1, 1], [], []>, transpose_lhs_hint = false} : vector<5056x128xf32>, vector<128x64xf32>, vector<5056x64xf32> -> vector<5056x64xf32>
    %convert_element_type3A_50 = arith.truncf %dot_general3A_49 : vector<5056x64xf32> to vector<5056x64xbf16>
    %swap3A_51 = arith.constant 0 : index
    %swap3A_52 = arith.constant 0 : index
    %swap3A_53 = vector.load %arg8[%swap3A_51, %swap3A_52] : memref<5056x64xbf16, #tpu.memory_space<vmem>>, vector<5056x64xbf16>
    tpu.vector_store %arg8[%swap3A_51, %swap3A_52], %convert_element_type3A_50 {strides = array<i32>} : memref<5056x64xbf16, #tpu.memory_space<vmem>>, vector<5056x64xbf16>,
    return
  }
  func.func @transform_0(%arg0: i32) -> (i32, i32, i32) {
    %c0_i32 = arith.constant 0 : i32
    %c0_i32_0 = arith.constant 0 : i32
    %c0_i32_1 = arith.constant 0 : i32
    return %c0_i32, %arg0, %c0_i32_0 : i32, i32, i32
  }
  func.func @transform_1(%arg0: i32) -> (i32, i32, i32) {
    %c0_i32 = arith.constant 0 : i32
    %c0_i32_0 = arith.constant 0 : i32
    %c0_i32_1 = arith.constant 0 : i32
    return %c0_i32, %arg0, %c0_i32_0 : i32, i32, i32
  }
  func.func @transform_2(%arg0: i32) -> (i32, i32) {
    %c0_i32 = arith.constant 0 : i32
    %c0_i32_0 = arith.constant 0 : i32
    return %arg0, %c0_i32 : i32, i32
  }
  func.func @transform_3(%arg0: i32) -> (i32, i32) {
    %c0_i32 = arith.constant 0 : i32
    %c0_i32_0 = arith.constant 0 : i32
    %c0_i32_1 = arith.constant 0 : i32
    return %c0_i32, %c0_i32_0 : i32, i32
  }
  func.func @transform_4(%arg0: i32) -> (i32, i32) {
    %c0_i32 = arith.constant 0 : i32
    %c0_i32_0 = arith.constant 0 : i32
    %c0_i32_1 = arith.constant 0 : i32
    return %c0_i32, %c0_i32_0 : i32, i32
  }
  func.func @transform_5(%arg0: i32) -> (i32, i32) {
    %c0_i32 = arith.constant 0 : i32
    %c0_i32_0 = arith.constant 0 : i32
    %c0_i32_1 = arith.constant 0 : i32
    return %c0_i32, %c0_i32_0 : i32, i32
  }
  func.func @transform_6(%arg0: i32) -> (i32, i32) {
    %c0_i32 = arith.constant 0 : i32
    %c0_i32_0 = arith.constant 0 : i32
    return %arg0, %c0_i32 : i32, i32
  }
  func.func @transform_7(%arg0: i32) -> (i32, i32) {
    %c0_i32 = arith.constant 0 : i32
    %c0_i32_0 = arith.constant 0 : i32
    return %arg0, %c0_i32 : i32, i32
  }
}

module attributes {stable_mosaic.version = 14 : i64} {
  func.func @_tc3_body(%arg0: i32, %arg1: memref<2x5056x64xbf16, #tpu.memory_space<vmem>>, %arg2: memref<2x5056x16xf32, #tpu.memory_space<vmem>>, %arg3: memref<5056x64xbf16, #tpu.memory_space<vmem>>, %arg4: memref<1x64xf32, #tpu.memory_space<vmem>>, %arg5: memref<5056x64xf32, #tpu.memory_space<vmem>>) attributes {dimension_semantics = [#tpu.dimension_semantics<arbitrary>], iteration_bounds = array<i64: 2>, scalar_prefetch = 0 : i64, scratch_operands = 0 : i64, tpu.core_type = #tpu.core_type<tc>, window_params = [{transform_indices = @transform_0, window_bounds = array<i64: 2, 5056, 64>}, {transform_indices = @transform_1, window_bounds = array<i64: 2, 5056, 16>}, {transform_indices = @transform_2, window_bounds = array<i64: 5056, 64>}, {pipeline_mode = #tpu.pipeline_mode<synchronous>, transform_indices = @transform_3, window_bounds = array<i64: 1, 64>}, {transform_indices = @transform_4, window_bounds = array<i64: 5056, 64>}]} {
    %get3A = arith.constant 0 : index
    %get3A_0 = arith.constant 0 : index
    %get3A_1 = arith.constant 0 : index
    %get3A_2 = vector.load %arg1[%get3A, %get3A_0, %get3A_1] : memref<2x5056x64xbf16, #tpu.memory_space<vmem>>, vector<1x5056x64xbf16>
    %get3A_3 = vector.shape_cast %get3A_2 : vector<1x5056x64xbf16> to vector<5056x64xbf16>
    %convert_element_type3A = arith.extf %get3A_3 : vector<5056x64xbf16> to vector<5056x64xf32>
    %get3A_4 = arith.constant 1 : index
    %get3A_5 = arith.constant 0 : index
    %get3A_6 = arith.constant 0 : index
    %get3A_7 = vector.load %arg1[%get3A_4, %get3A_5, %get3A_6] : memref<2x5056x64xbf16, #tpu.memory_space<vmem>>, vector<1x5056x64xbf16>
    %get3A_8 = vector.shape_cast %get3A_7 : vector<1x5056x64xbf16> to vector<5056x64xbf16>
    %convert_element_type3A_9 = arith.extf %get3A_8 : vector<5056x64xbf16> to vector<5056x64xf32>
    %add3A = arith.addf %convert_element_type3A, %convert_element_type3A_9 : vector<5056x64xf32>
    %get3A_10 = arith.constant 0 : index
    %get3A_11 = arith.constant 0 : index
    %get3A_12 = arith.constant 0 : index
    %get3A_13 = vector.load %arg2[%get3A_10, %get3A_11, %get3A_12] : memref<2x5056x16xf32, #tpu.memory_space<vmem>>, vector<1x5056x16xf32>
    %get3A_14 = vector.shape_cast %get3A_13 : vector<1x5056x16xf32> to vector<5056x16xf32>
    %get3A_15 = arith.constant 1 : index
    %get3A_16 = arith.constant 0 : index
    %get3A_17 = arith.constant 0 : index
    %get3A_18 = vector.load %arg2[%get3A_15, %get3A_16, %get3A_17] : memref<2x5056x16xf32, #tpu.memory_space<vmem>>, vector<1x5056x16xf32>
    %get3A_19 = vector.shape_cast %get3A_18 : vector<1x5056x16xf32> to vector<5056x16xf32>
    %add3A_20 = arith.addf %get3A_14, %get3A_19 : vector<5056x16xf32>
    %reduce_max3A = arith.constant dense<0xFF800000> : vector<5056xf32>
    %reduce_max3A_21 = vector.multi_reduction <maximumf>, %add3A_20, %reduce_max3A [1] : vector<5056x16xf32> to vector<5056xf32>
    %broadcast_in_dim3A = vector.shape_cast %reduce_max3A_21 : vector<5056xf32> to vector<5056x1xf32>
    %max3A = arith.constant 1.000000e+00 : f32
    %max3A_22 = vector.broadcast %max3A : f32 to vector<5056x1xf32>
    %max3A_23 = arith.maximumf %broadcast_in_dim3A, %max3A_22 : vector<5056x1xf32>
    %div3A = vector.broadcast %max3A_23 : vector<5056x1xf32> to vector<5056x64xf32>
    %div3A_24 = arith.divf %add3A, %div3A : vector<5056x64xf32>
    %get3A_25 = arith.constant 0 : index
    %get3A_26 = arith.constant 0 : index
    %get3A_27 = vector.load %arg3[%get3A_25, %get3A_26] : memref<5056x64xbf16, #tpu.memory_space<vmem>>, vector<5056x64xbf16>
    %convert_element_type3A_28 = arith.extf %get3A_27 : vector<5056x64xbf16> to vector<5056x64xf32>
    %add3A_29 = arith.addf %div3A_24, %convert_element_type3A_28 : vector<5056x64xf32>
    %get3A_30 = arith.constant 0 : index
    %get3A_31 = arith.constant 0 : index
    %get3A_32 = vector.load %arg4[%get3A_30, %get3A_31] : memref<1x64xf32, #tpu.memory_space<vmem>>, vector<1x64xf32>
    %add3A_33 = vector.broadcast %get3A_32 : vector<1x64xf32> to vector<5056x64xf32>
    %add3A_34 = arith.addf %add3A_29, %add3A_33 : vector<5056x64xf32>
    %reduce_max3A_35 = arith.constant dense<0xFF800000> : vector<5056xf32>
    %reduce_max3A_36 = vector.multi_reduction <maximumf>, %add3A_34, %reduce_max3A_35 [1] : vector<5056x64xf32> to vector<5056xf32>
    %broadcast_in_dim3A_37 = vector.shape_cast %reduce_max3A_36 : vector<5056xf32> to vector<5056x1xf32>
    %sub3A = vector.broadcast %broadcast_in_dim3A_37 : vector<5056x1xf32> to vector<5056x64xf32>
    %sub3A_38 = arith.subf %add3A_34, %sub3A : vector<5056x64xf32>
    %exp3A = math.exp %sub3A_38 : vector<5056x64xf32>
    %reduce_sum3A = arith.constant dense<0.000000e+00> : vector<5056xf32>
    %reduce_sum3A_39 = vector.multi_reduction <add>, %exp3A, %reduce_sum3A [1] : vector<5056x64xf32> to vector<5056xf32>
    %broadcast_in_dim3A_40 = vector.shape_cast %reduce_sum3A_39 : vector<5056xf32> to vector<5056x1xf32>
    %log3A = math.log %broadcast_in_dim3A_40 : vector<5056x1xf32>
    %add3A_41 = arith.addf %log3A, %broadcast_in_dim3A_37 : vector<5056x1xf32>
    %sub3A_42 = vector.broadcast %add3A_41 : vector<5056x1xf32> to vector<5056x64xf32>
    %sub3A_43 = arith.subf %add3A_34, %sub3A_42 : vector<5056x64xf32>
    %swap3A = arith.constant 0 : index
    %swap3A_44 = arith.constant 0 : index
    %swap3A_45 = vector.load %arg5[%swap3A, %swap3A_44] : memref<5056x64xf32, #tpu.memory_space<vmem>>, vector<5056x64xf32>
    tpu.vector_store %arg5[%swap3A, %swap3A_44], %sub3A_43 {strides = array<i32>} : memref<5056x64xf32, #tpu.memory_space<vmem>>, vector<5056x64xf32>,
    return
  }
  func.func @transform_0(%arg0: i32) -> (i32, i32, i32) {
    %c0_i32 = arith.constant 0 : i32
    %c0_i32_0 = arith.constant 0 : i32
    %c0_i32_1 = arith.constant 0 : i32
    return %c0_i32, %arg0, %c0_i32_0 : i32, i32, i32
  }
  func.func @transform_1(%arg0: i32) -> (i32, i32, i32) {
    %c0_i32 = arith.constant 0 : i32
    %c0_i32_0 = arith.constant 0 : i32
    %c0_i32_1 = arith.constant 0 : i32
    return %c0_i32, %arg0, %c0_i32_0 : i32, i32, i32
  }
  func.func @transform_2(%arg0: i32) -> (i32, i32) {
    %c0_i32 = arith.constant 0 : i32
    %c0_i32_0 = arith.constant 0 : i32
    return %arg0, %c0_i32 : i32, i32
  }
  func.func @transform_3(%arg0: i32) -> (i32, i32) {
    %c0_i32 = arith.constant 0 : i32
    %c0_i32_0 = arith.constant 0 : i32
    %c0_i32_1 = arith.constant 0 : i32
    return %c0_i32, %c0_i32_0 : i32, i32
  }
  func.func @transform_4(%arg0: i32) -> (i32, i32) {
    %c0_i32 = arith.constant 0 : i32
    %c0_i32_0 = arith.constant 0 : i32
    return %arg0, %c0_i32 : i32, i32
  }
}

</mosaic_0001>

<sc_bundles>
// kernel: kernel.10.cloned.1.call-start
scs
__scs_entry_jumppad:
0x0: {  	(pc) =	sbr.rel $0x88, $3  }
0x1: {  	(tag) =	ssettag $0x0;
	lr =	simm.s32 $0x1  }
0x2: {  	[smem:$0x3F99] =	sst lr;
	_ =	strace $0xD0000000  }
0x3: {  	_ = 	snop  }
0x4: {  	_ = 	snop  }
0x5: {  	_ = 	snop  }
0x6: {  	_ = 	snop  }
0x7: {  	_ = 	snop  }
__scs_overlays_trampoline_lowered:
0x8: {  	[smem:$0x3FA8] =	sst s0  }
0x9: {  	[smem:$0x3FA9] =	sst s1  }
0xa: {  	[smem:$0x3FAA] =	sst s2  }
0xb: {  	[smem:$0x3FAB] =	sst s3  }
0xc: {  	[smem:$0x3FAC] =	sst s4  }
0xd: {  	[smem:$0x3FAD] =	sst s5  }
0xe: {  	[smem:$0x3FAE] =	sst s6  }
0xf: {  	[smem:$0x3FAF] =	sst s7  }
0x10: {  	[smem:$0x3FB0] =	sst s8  }
0x11: {  	[smem:$0x3FB1] =	sst s9;
	s0 =	simm.s32 @!p0 $0x0  }
0x12: {  	s1 =	sld [smem:$0x3F97];
	s0 =	simm.s32 @p0 $0x1  }
0x13: {  	[smem:$0x3FB2] =	sst s0;
	s0 =	simm.s32 @!p1 $0x0  }
0x14: {  	s2 =	sld [smem:$0x3F96];
	s0 =	simm.s32 @p1 $0x1  }
0x15: {  	[smem:$0x3FB3] =	sst s0;
	s0 =	simm.s32 @!p2 $0x0  }
0x16: {  	s3 =	sld [smem:$0x3FDB];
	s0 =	simm.s32 @p2 $0x1  }
0x17: {  	s4 =	simm.s32 $0x1BF5;
	[smem:$0x3FB5] =	sst s0  }
0x18: {  	s0 =	sld [smem:$0x3F98];
	_ =	swait.ge [sflag:s4], $0x0  }
0x19: {  	s7 =	sld [smem:$0x3F99]  }
0x1a: {  	s8 =	sadd.s32 $0xFFFFE003, lr  }
0x1b: {  	s9 =	sadd.s32 $0xFFFFFEF7, lr;
	s5 =	simm.s32 $0xFFFFFFFF;
	p2 =	slt.u32 s8, $0xFFFFF086  }
0x1c: {  	p1 =	slt.u32 s9, $0xF7A;
	s5 =	simm.s32 @!p2 $0x0  }
0x1d: {  	s5 =	simm.s32 @p1 $0x1;
	p0 =	seq.s32 s7, s2  }
0x1e: {  	s7 =	smul.u32 @!p0 $0xF7A, s2;
	p2 =	seq.s32 @!p0 s5, $0x0  }
0x1f: {  	s9 =	smul.u32 $0xF7A, s1;
	s8 =	simm.s32 @!p0 $0x1BF5;
	p2 =	por !p2, p0  }
0x20: {  	[sflag:s8] =	ssyncset.s32 @!p0 $0xFFFFF086;
	s6 =	sadd.s32 @!p0 s3, s7;
	s7 =	simm.s32 @!p0 $0x108  }
0x21: {  	s3 =	sadd.s32 s3, s9;
	s6 =	sadd.s32 @!p0 $0x88, s6;
	s7 =	simm.s32 @p2 $0x1082  }
0x22: {  	[simem:s7], [sflag:s8] =	dma.local @!p0 [hbm:s6], $0xF7A  }
0x23: {  	s9 =	sor.u32 $0xD0000000, s2;
	s6 =	simm.s32 $0x108;
	_ =	swait.ge @!p0 [sflag:s8], $0x0  }
0x24: {  	s3 =	sadd.s32 $0x88, s3;
	s6 =	simm.s32 @!p1 $0x1082;
	[sflag:s4] =	ssyncset.s32 $0xFFFFF086  }
0x25: {  	[simem:s6], [sflag:s4] =	dma.local [hbm:s3], $0xF7A  }
0x26: {  	[smem:$0x3F99] =	sst s1;
	(tag) =	ssettag s2;
	_ =	strace s9  }
0x27: {  	s1 =	sld [smem:$0x3FA9]  }
0x28: {  	s2 =	sld [smem:$0x3FAA]  }
0x29: {  	s4 =	sld [smem:$0x3FAC]  }
0x2a: {  	p0 =	seq.s32 s5, $0x0;
	s5 =	sld [smem:$0x3FAD]  }
0x2b: {  	s6 =	sld [smem:$0x3FAE]  }
0x2c: {  	s7 =	sld [smem:$0x3FAF]  }
0x2d: {  	s3 =	simm.s32 $0x108;
	s8 =	sld [smem:$0x3FB0]  }
0x2e: {  	s3 =	simm.s32 @!p0 $0x1082;
	s9 =	sld [smem:$0x3FB1]  }
0x2f: {  	lr =	sadd.s32 s0, s3;
	s0 =	sld [smem:$0x3FA8]  }
0x30: {  	s3 =	sld [smem:$0x3FAB]  }
0x31: {  	[smem:$0x3FB4] =	sst s10  }
0x32: {  	s10 =	sld [smem:$0x3FB2];
	_ =	sdelay $0x3  }
0x33: {  	p0 =	seq.s32 s10, $0x1;
	s10 =	sld [smem:$0x3FB4];
	_ =	sdelay $0x3  }
0x34: {  	[smem:$0x3FB4] =	sst s10  }
0x35: {  	s10 =	sld [smem:$0x3FB3];
	_ =	sdelay $0x3  }
0x36: {  	p1 =	seq.s32 s10, $0x1;
	s10 =	sld [smem:$0x3FB4];
	_ =	sdelay $0x3  }
0x37: {  	[smem:$0x3FB4] =	sst s10  }
0x38: {  	s10 =	sld [smem:$0x3FB5]  }
0x39: {  	_ = 	snop;
	(pc) =	sbr.ind lr, $3  }
0x3a: {  	_ = 	snop  }
0x3b: {  	_ = 	snop  }
0x3c: {  	p2 =	seq.s32 s10, $0x1;
	s10 =	sld [smem:$0x3FB4]  }
0x3d: {  	_ =	shalt  }
0x3e: {  	_ =	shalt  }
0x3f: {  	_ =	shalt  }
0x40: {  	_ =	shalt  }
0x41: {  	_ =	shalt  }
0x42: {  	_ =	shalt  }
0x43: {  	_ =	shalt  }
0x44: {  	_ =	shalt  }
0x45: {  	_ =	shalt  }
0x46: {  	_ =	shalt  }
0x47: {  	_ =	shalt  }
0x48: {  	_ =	shalt  }
0x49: {  	_ =	shalt  }
0x4a: {  	_ =	shalt  }
0x4b: {  	_ =	shalt  }
0x4c: {  	_ =	shalt  }
0x4d: {  	_ =	shalt  }
0x4e: {  	_ =	shalt  }
0x4f: {  	_ =	shalt  }
0x50: {  	_ =	shalt  }
0x51: {  	_ =	shalt  }
0x52: {  	_ =	shalt  }
0x53: {  	_ =	shalt  }
0x54: {  	_ =	shalt  }
0x55: {  	_ =	shalt  }
0x56: {  	_ =	shalt  }
0x57: {  	_ =	shalt  }
0x58: {  	_ =	shalt  }
0x59: {  	_ =	shalt  }
0x5a: {  	_ =	shalt  }
0x5b: {  	_ =	shalt  }
0x5c: {  	_ =	shalt  }
0x5d: {  	_ =	shalt  }
0x5e: {  	_ =	shalt  }
0x5f: {  	_ =	shalt  }
0x60: {  	_ =	shalt  }
0x61: {  	_ =	shalt  }
0x62: {  	_ =	shalt  }
0x63: {  	_ =	shalt  }
0x64: {  	_ =	shalt  }
0x65: {  	_ =	shalt  }
0x66: {  	_ =	shalt  }
0x67: {  	_ =	shalt  }
0x68: {  	_ =	shalt  }
0x69: {  	_ =	shalt  }
0x6a: {  	_ =	shalt  }
0x6b: {  	_ =	shalt  }
0x6c: {  	_ =	shalt  }
0x6d: {  	_ =	shalt  }
0x6e: {  	_ =	shalt  }
0x6f: {  	_ =	shalt  }
0x70: {  	_ =	shalt  }
0x71: {  	_ =	shalt  }
0x72: {  	_ =	shalt  }
0x73: {  	_ =	shalt  }
0x74: {  	_ =	shalt  }
0x75: {  	_ =	shalt  }
0x76: {  	_ =	shalt  }
0x77: {  	_ =	shalt  }
0x78: {  	_ =	shalt  }
0x79: {  	_ =	shalt  }
0x7a: {  	_ =	shalt  }
0x7b: {  	_ =	shalt  }
0x7c: {  	_ =	shalt  }
0x7d: {  	_ =	shalt  }
0x7e: {  	_ =	shalt  }
0x7f: {  	_ =	shalt  }
0x80: {  	_ =	shalt  }
0x81: {  	_ =	shalt  }
0x82: {  	_ =	shalt  }
0x83: {  	_ =	shalt  }
0x84: {  	_ =	shalt  }
0x85: {  	_ =	shalt  }
0x86: {  	_ =	shalt  }
0x87: {  	_ =	shalt  }
.Lfunc_end0:
.L_simem_size_0:
called_computation.1_lowered:
.L_overlay_start_0:
0x88: {  	s2 =	sld [smem:$0x3FD9]  }
0x89: {  	s3 =	sld [smem:$0x3FFE];
	_ =	sdelay $0x1  }
0x8a: {  	s1 =	srdreg.scid  }
0x8b: {  	s0 =	sand.u32 $0x1, s1  }
0x8c: {  	s17 =	sshll.u32 s0, $0xA;
	s2 =	sadd.s32 s3, s2  }
0x8d: {  	s2 =	sadd.s32 s2, s17  }
0x8e: {  	[smem:$0x3FC0] =	sst s2  }
0x8f: {  	_ = 	snop  }
0x90: {  	s2 =	sld [smem:$0x3FD0];
	(tm) =	ssettm $0x1  }
0x91: {  	s18 =	sld [smem:$0x3FFB];
	_ =	sdelay $0x3  }
0x92: {  	_ =	strace s18  }
0x93: {  	s3 =	sld [smem:$0x3FFC];
	_ =	sdelay $0x3  }
0x94: {  	_ =	strace s3  }
0x95: {  	s3 =	sld [smem:$0x3FFD];
	_ =	sdelay $0x3  }
0x96: {  	_ =	strace s3  }
0x97: {  	_ =	strace $0x8FFFFFFF  }
0x98: {  	s19 =	sld [smem:$0x3FDB];
	_ =	sdelay $0x1  }
0x99: {  	s4 =	simm.s32 $_scs_section_size  }
0x9a: {  	s5 =	simm.s32 $_size__tile_overlayer_lowered;
	s6 =	simm.s32 $_tile_overlayer_lowered  }
0x9b: {  	s22 =	simm.s32 $0x1BFF;
	s21 =	sshll.u32 s6, $0x1;
	s3 =	sadd.s32 s4, s19  }
0x9c: {  	s7 =	simm.s32 $0x0;
	s20 =	sshll.u32 s5, $0x1;
	s5 =	sadd.s32 s21, s3  }
0x9d: {  	[timem:s7], [sflag:s22] =	dma.local [hbm:s5], s20  }
0x9e: {  	_ =	swait.ge [sflag:s22], s20  }
0x9f: {  	s4 =	ssub.s32 $0x0, s20;
	[sflag:s22] =	ssyncset.done $0x0  }
0xa0: {  	[sflag:s22] =	ssyncadd.s32 s4;
	_ =	sdelay $0x1  }
0xa1: {  	s23 =	simm.s32 $0x1B8B  }
0xa2: {  	_ =	swait.ge [sflag:s23], $0x1  }
0xa3: {  	[sflag:s23] =	ssyncset.done $0x0  }
0xa4: {  	s25 =	simm.s32 $0x1B8E;
	s24 =	sld [smem:$0x3FFE];
	[sflag:s23] =	ssyncadd.s32 $0xFFFFFFFF  }
0xa5: {  	s26 =	simm.s32 $execute0_lowered;
	[smem:$0x3FD2] =	sst s25  }
0xa6: {  	s5 =	sshll.u32 s26, $0x1;
	_ =	strace $0x80000049;
	[dreg:$0x1] =	wrdreg $0xFFFFFFFF  }
0xa7: {  	s28 =	simm.s32 $_size_execute0_lowered;
	s3 =	sadd.s32 s3, s5;
	[dreg:$0x0] =	wrdreg $0x0  }
0xa8: {  	s5 =	sshll.u32 s28, $0x1;
	[dreg:$0x2] =	wrdreg s3  }
0xa9: {  	[dreg:$0x3] =	wrdreg s5  }
0xaa: {  	[dreg:$0x4] =	wrdreg $0xC0  }
0xab: {  	_ =	task [dreg:s7], $0x5FFFF  }
0xac: {  	[dreg:$0x1] =	wrdreg $0xFFFFFFFF  }
0xad: {  	[dreg:$0x0] =	wrdreg $0x60  }
0xae: {  	[dreg:$0x2] =	wrdreg s24  }
0xaf: {  	[dreg:$0x3] =	wrdreg s2  }
0xb0: {  	[dreg:$0x4] =	wrdreg $0xCD000  }
0xb1: {  	[dreg:$0x5] =	wrdreg $0x9  }
0xb2: {  	_ =	task.clear_ibuf [dreg:s7], $0x6FFFF;
	_ =	strace $0x90000049  }
0xb3: {  	s29 =	simm.s32 $0x9;
	_ =	strace $0x8000004B  }
0xb4: {  	_ =	swait.ge [sflag:s29], $0x1  }
0xb5: {  	[sflag:s29] =	ssyncadd.s32 $0xFFFFFFFF  }
0xb6: {  	_ =	strace $0x9000004B  }
0xb7: {  	_ =	sfence  }
0xb8: {  	s30 =	sld [smem:$0x0];
	_ =	sdelay $0x2  }
0xb9: {  	s31 =	sshll.u32 s1, $0xD;
	s1 =	sshrl.u32 s1, $0x2  }
0xba: {  	s3 =	sand.u32 $0x4000, s31;
	s1 =	sadd.s32 s1, s30  }
0xbb: {  	s0 =	sor.u32 s3, s0;
	s1 =	sshll.u32 s1, $0x11  }
0xbc: {  	s0 =	sor.u32 s1, s0  }
0xbd: {  	s0 =	sadd.s32 $0x8F2B, s0  }
0xbe: {  	[sflag:s0] =	ssyncadd.remote.s32 $0x1  }
0xbf: {  	_ =	sfence.sel $0xFFFF  }
0xc0: {  	[dreg:$0x0] =	wrdreg $0xFFFFFFFF;
	(pc) =	sbr.abs _section_cstart, $3  }
0xc1: {  	[dreg:$0x1] =	wrdreg $0xFFFFFFFF  }
0xc2: {  	_ =	task.clear_ibuf [dreg:s7], $0x2FFFF;
	_ =	strace $0x9FFFFFFF  }
0xc3: {  	(tm) =	ssettm $0x7FFFFFFF  }
tec
execute0_lowered:
.L_overlay_start_1:
0x0: {  	(tag) =	ssettag $0x1  }
0x1: {  	s0 =	rddreg [dreg:$0x0]  }
0x2: {  	s1 =	rddreg [dreg:$0x1]  }
0x3: {  	s3 =	srdreg.scid;
	s9 =	stileid.u32  }
0x4: {  	s2 =	rddreg [dreg:$0x2];
	s5 =	simm.s32 $0x0;
	s15 =	simm.s32 $0x9  }
0x5: {  	s17 =	simm.s32 $0x5000;
	s18 =	simm.s32 $0x7D;
	s29 =	simm.s32 $0x9E20  }
0x6: {  	s31 =	simm.s32 $0xADC0;
	s16 =	simm.s32 $0xBD60;
	s28 =	simm.s32 $0x6  }
0x7: {  	s30 =	simm.s32 $0x7;
	s3 =	sand.u32 $0x1, s3;
	s8 =	smul.u32 $0x13C00, s9  }
0x8: {  	s4 =	sshll.u32 s9, $0x1;
	[smem:$0x7FF] =	sst s5;
	s21 =	smul.u32 $0x9E00, s9  }
0x9: {  	s4 =	sor.u32 s3, s4;
	s6 =	ssub.s32 $0x2, s3;
	s3 =	smul.u32 $0x9E000, s3  }
0xa: {  	_ =	strace $0x8000004A;
	s19 =	smul.u32 $0x2800, s4;
	s4 =	sadd.s32 $0x65000, s0  }
0xb: {  	s7 =	sshrl.u32 s6, $0x1;
	s23 =	sshrl.u32 s8, $0x2;
	s24 =	sshrl.u32 s21, $0x1  }
0xc: {  	s20 =	ssub.s32 s6, s7;
	s12 =	sadd.s32 s23, s2;
	s7 =	sadd.s32 s24, s2  }
0xd: {  	s26 =	sadd.s32 s21, s3;
	s24 =	simm.s32 $0x7EE0;
	s21 =	simm.s32 $0x2  }
0xe: {  	s23 =	simm.s32 $0x3;
	s3 =	simm.s32 $0x0;
	s5 =	sshrl.u32 s19, $0x3  }
0xf: {  	s25 =	sadd.s32 $0xFA0, s12;
	s9 =	sadd.s32 $0x1F40, s12;
	s10 =	sadd.s32 $0x2EE0, s12  }
0x10: {  	s11 =	sadd.s32 $0x3E80, s12;
	s12 =	sadd.s32 $0x4E20, s12;
	s0 =	sadd.s32 s5, s0  }
0x11: {  	s14 =	smax.u32 s20, $0x1;
	[dreg:$0x6] =	wrdreg s25;
	s22 =	sadd.s32 $0x2000, s0  }
0x12: {  	s20 =	simm.s32 $0x5FA0;
	s0 =	sadd.s32 $0xC000, s0;
	[dreg:$0x4] =	wrdreg s22  }
0x13: {  	s19 =	simm.s32 $0x1;
	s25 =	simm.s32 $0x4;
	[dreg:$0x5] =	wrdreg s0  }
0x14: {  	s0 =	sshrl.u32 s26, $0x4;
	s22 =	simm.s32 $0x6F40;
	s26 =	simm.s32 $0x8E80  }
0x15: {  	v0 =	vimm.bf16 $0.0e+00;
	s13 =	sadd.s32 s1, s0;
	s0 =	simm.s32 $0x5;
	s1 =	simm.s32 $0x8  }
.LBB2_1:
0x16: {  	s5 =	simm.s32 $0x0;
	s6 =	rddreg [dreg:$0x4]  }
0x17: {  	[tilespmem:s5], [sflag:$0x9] =	stream.linear.gather [hbm4b:s6+s5], $0x2800, $0x38;
	[tilespmem:$0x11C00] =	vst v63  }
0x18: {  	_ =	swait.ge [sflag:s15], $0x2800  }
0x19: {  	[sflag:s15] =	ssyncset.done $0x0  }
0x1a: {  	s8 =	simm.s32 $0x2800;
	s6 =	rddreg [dreg:$0x5];
	[sflag:s15] =	ssyncadd.s32 $0xFFFFD800  }
0x1b: {  	[tilespmem:s8], [sflag:$0x9] =	stream.linear.gather [hbm4b:s6+s5], $0x2800, $0x38;
	[tilespmem:$0x11C00] =	vst v63  }
0x1c: {  	_ =	swait.ge [sflag:s15], $0x2800  }
0x1d: {  	[sflag:s15] =	ssyncset.done $0x0  }
0x1e: {  	s5 =	simm.s32 $0x80;
	s6 =	simm.s32 $0x0;
	[sflag:s15] =	ssyncadd.s32 $0xFFFFD800  }
.LBB2_2:
0x1f: {  	p0 =	sne.s32 s5, $0x3E00;
	[tilespmem:s6+$0x5000] =	vst v0;
	s8 =	smov.u32 s5;
	s5 =	sadd.s32 $0x80, s5  }
.Ltmp0:
0x20: {  	[tilespmem:s6+$0x5010] =	vst v0;
	(pc) =	sbr.rel @p0 .LBB2_2-.Ltmp0, $2  }
0x21: {  	_ =	sdelay $0x2  }
0x22: {  	s6 =	sshra.s32 s8, $0x2  }
0x23: {  	[tilespmem:s6+$0x5000] =	vst v0  }
0x24: {  	[tilespmem:s6+$0x5010] =	vst v0  }
0x25: {  	[spmem:s7] =	stream.linear.scatter [tilespmem:s17], [sflag:$0x9], $0xFA0, $0x38;
	[tilespmem:$0x11C00] =	vst v63  }
0x26: {  	_ =	swait.ge [sflag:s15], $0xFA0  }
0x27: {  	[sflag:s15] =	ssyncset.done $0x0  }
0x28: {  	s5 =	rddreg [dreg:$0x6];
	[sflag:s15] =	ssyncadd.s32 $0xFFFFF060  }
0x29: {  	[spmem:s5] =	stream.linear.scatter [tilespmem:s17], [sflag:$0x9], $0xFA0, $0x38;
	[tilespmem:$0x11C00] =	vst v63  }
0x2a: {  	_ =	swait.ge [sflag:s15], $0xFA0  }
0x2b: {  	[sflag:s15] =	ssyncset.done $0x0  }
0x2c: {  	[sflag:s15] =	ssyncadd.s32 $0xFFFFF060  }
0x2d: {  	[spmem:s9] =	stream.linear.scatter [tilespmem:s17], [sflag:$0x9], $0xFA0, $0x38;
	[tilespmem:$0x11C00] =	vst v63  }
0x2e: {  	_ =	swait.ge [sflag:s15], $0xFA0  }
0x2f: {  	[sflag:s15] =	ssyncset.done $0x0  }
0x30: {  	[sflag:s15] =	ssyncadd.s32 $0xFFFFF060  }
0x31: {  	[spmem:s10] =	stream.linear.scatter [tilespmem:s17], [sflag:$0x9], $0xFA0, $0x38;
	[tilespmem:$0x11C00] =	vst v63  }
0x32: {  	_ =	swait.ge [sflag:s15], $0xFA0  }
0x33: {  	[sflag:s15] =	ssyncset.done $0x0  }
0x34: {  	[sflag:s15] =	ssyncadd.s32 $0xFFFFF060  }
0x35: {  	[spmem:s11] =	stream.linear.scatter [tilespmem:s17], [sflag:$0x9], $0xFA0, $0x38;
	[tilespmem:$0x11C00] =	vst v63  }
0x36: {  	_ =	swait.ge [sflag:s15], $0xFA0  }
0x37: {  	[sflag:s15] =	ssyncset.done $0x0  }
0x38: {  	[sflag:s15] =	ssyncadd.s32 $0xFFFFF060  }
0x39: {  	[spmem:s12] =	stream.linear.scatter [tilespmem:s17], [sflag:$0x9], $0xE0, $0x38;
	[tilespmem:$0x11C00] =	vst v63  }
0x3a: {  	_ =	swait.ge [sflag:s15], $0xE0  }
0x3b: {  	[sflag:s15] =	ssyncset.done $0x0  }
0x3c: {  	[sflag:s15] =	ssyncadd.s32 $0xFFFFFF20  }
0x3d: {  	s8 =	simm.s32 $0x0;
	[bflag:$0x0] =	sbarrier.arrive $0xFFFF  }
0x3e: {  	[tilespmem:s17], [sflag:$0x1] =	stream.indirect.gather [hbm4b:s4+s18], $0x20, s8, s18, $0xb8;
	[tilespmem:$0x11C00] =	vst v63  }
0x3f: {  	s6 =	simm.s32 $0x80  }
0x40: {  	[tilespmem:s20], [sflag:$0x2] =	stream.indirect.gather [hbm4b:s4+s18], $0x20, s6, s18, $0xb8;
	[tilespmem:$0x11C00] =	vst v63  }
0x41: {  	s8 =	simm.s32 $0x100  }
0x42: {  	[tilespmem:s22], [sflag:$0x3] =	stream.indirect.gather [hbm4b:s4+s18], $0x20, s8, s18, $0xb8;
	[tilespmem:$0x11C00] =	vst v63  }
0x43: {  	s6 =	simm.s32 $0x180  }
0x44: {  	[tilespmem:s24], [sflag:$0x4] =	stream.indirect.gather [hbm4b:s4+s18], $0x20, s6, s18, $0xb8;
	[tilespmem:$0x11C00] =	vst v63  }
0x45: {  	s8 =	simm.s32 $0x200  }
0x46: {  	[tilespmem:s26], [sflag:$0x5] =	stream.indirect.gather [hbm4b:s4+s18], $0x20, s8, s18, $0xb8;
	[tilespmem:$0x11C00] =	vst v63  }
0x47: {  	s6 =	simm.s32 $0x280  }
0x48: {  	[tilespmem:s29], [sflag:$0x6] =	stream.indirect.gather [hbm4b:s4+s18], $0x20, s6, s18, $0xb8;
	[tilespmem:$0x11C00] =	vst v63  }
0x49: {  	s8 =	simm.s32 $0x300  }
0x4a: {  	[tilespmem:s31], [sflag:$0x7] =	stream.indirect.gather [hbm4b:s4+s18], $0x20, s8, s18, $0xb8;
	[tilespmem:$0x11C00] =	vst v63  }
0x4b: {  	s6 =	simm.s32 $0x380  }
0x4c: {  	[tilespmem:s16], [sflag:$0x8] =	stream.indirect.gather [hbm4b:s4+s18], $0x20, s6, s18, $0xb8;
	[tilespmem:$0x11C00] =	vst v63  }
0x4d: {  	_ =	swait.ge [sflag:s19], $0xFA0  }
0x4e: {  	[sflag:s19] =	ssyncset.done $0x0  }
0x4f: {  	s8 =	simm.s32 $0x2800;
	[sflag:s19] =	ssyncadd.s32 $0xFFFFF060  }
0x50: {  	[spmem:s2] =	stream.indirect.scatter.add.bf16 [tilespmem:s17], [sflag:$0x9], $0x20, s8, s18, $0xb8;
	[tilespmem:$0x11C00] =	vst v63  }
0x51: {  	_ =	swait.ge [sflag:s15], $0xFA0  }
0x52: {  	[sflag:s15] =	ssyncset.done $0x0  }
0x53: {  	s6 =	simm.s32 $0x400;
	[sflag:s15] =	ssyncadd.s32 $0xFFFFF060  }
0x54: {  	[tilespmem:s17], [sflag:$0x1] =	stream.indirect.gather [hbm4b:s4+s18], $0x20, s6, s18, $0xb8;
	[tilespmem:$0x11C00] =	vst v63  }
0x55: {  	_ =	swait.ge [sflag:s21], $0xFA0  }
0x56: {  	[sflag:s21] =	ssyncset.done $0x0  }
0x57: {  	s8 =	simm.s32 $0x2880;
	[sflag:s21] =	ssyncadd.s32 $0xFFFFF060  }
0x58: {  	[spmem:s2] =	stream.indirect.scatter.add.bf16 [tilespmem:s20], [sflag:$0x9], $0x20, s8, s18, $0xb8;
	[tilespmem:$0x11C00] =	vst v63  }
0x59: {  	_ =	swait.ge [sflag:s15], $0xFA0  }
0x5a: {  	[sflag:s15] =	ssyncset.done $0x0  }
0x5b: {  	s6 =	simm.s32 $0x480;
	[sflag:s15] =	ssyncadd.s32 $0xFFFFF060  }
0x5c: {  	[tilespmem:s20], [sflag:$0x2] =	stream.indirect.gather [hbm4b:s4+s18], $0x20, s6, s18, $0xb8;
	[tilespmem:$0x11C00] =	vst v63  }
0x5d: {  	_ =	swait.ge [sflag:s23], $0xFA0  }
0x5e: {  	[sflag:s23] =	ssyncset.done $0x0  }
0x5f: {  	s8 =	simm.s32 $0x2900;
	[sflag:s23] =	ssyncadd.s32 $0xFFFFF060  }
0x60: {  	[spmem:s2] =	stream.indirect.scatter.add.bf16 [tilespmem:s22], [sflag:$0x9], $0x20, s8, s18, $0xb8;
	[tilespmem:$0x11C00] =	vst v63  }
0x61: {  	_ =	swait.ge [sflag:s15], $0xFA0  }
0x62: {  	[sflag:s15] =	ssyncset.done $0x0  }
0x63: {  	s6 =	simm.s32 $0x500;
	[sflag:s15] =	ssyncadd.s32 $0xFFFFF060  }
0x64: {  	[tilespmem:s22], [sflag:$0x3] =	stream.indirect.gather [hbm4b:s4+s18], $0x20, s6, s18, $0xb8;
	[tilespmem:$0x11C00] =	vst v63  }
0x65: {  	_ =	swait.ge [sflag:s25], $0xFA0  }
0x66: {  	[sflag:s25] =	ssyncset.done $0x0  }
0x67: {  	s8 =	simm.s32 $0x2980;
	[sflag:s25] =	ssyncadd.s32 $0xFFFFF060  }
0x68: {  	[spmem:s2] =	stream.indirect.scatter.add.bf16 [tilespmem:s24], [sflag:$0x9], $0x20, s8, s18, $0xb8;
	[tilespmem:$0x11C00] =	vst v63  }
0x69: {  	_ =	swait.ge [sflag:s15], $0xFA0  }
0x6a: {  	[sflag:s15] =	ssyncset.done $0x0  }
0x6b: {  	s6 =	simm.s32 $0x580;
	[sflag:s15] =	ssyncadd.s32 $0xFFFFF060  }
0x6c: {  	[tilespmem:s24], [sflag:$0x4] =	stream.indirect.gather [hbm4b:s4+s18], $0x20, s6, s18, $0xb8;
	[tilespmem:$0x11C00] =	vst v63  }
0x6d: {  	_ =	swait.ge [sflag:s0], $0xFA0  }
0x6e: {  	[sflag:s0] =	ssyncset.done $0x0  }
0x6f: {  	s8 =	simm.s32 $0x2A00;
	[sflag:s0] =	ssyncadd.s32 $0xFFFFF060  }
0x70: {  	[spmem:s2] =	stream.indirect.scatter.add.bf16 [tilespmem:s26], [sflag:$0x9], $0x20, s8, s18, $0xb8;
	[tilespmem:$0x11C00] =	vst v63  }
0x71: {  	_ =	swait.ge [sflag:s15], $0xFA0  }
0x72: {  	[sflag:s15] =	ssyncset.done $0x0  }
0x73: {  	s6 =	simm.s32 $0x600;
	[sflag:s15] =	ssyncadd.s32 $0xFFFFF060  }
0x74: {  	[tilespmem:s26], [sflag:$0x5] =	stream.indirect.gather [hbm4b:s4+s18], $0x20, s6, s18, $0xb8;
	[tilespmem:$0x11C00] =	vst v63  }
0x75: {  	_ =	swait.ge [sflag:s28], $0xFA0  }
0x76: {  	[sflag:s28] =	ssyncset.done $0x0  }
0x77: {  	s8 =	simm.s32 $0x2A80;
	[sflag:s28] =	ssyncadd.s32 $0xFFFFF060  }
0x78: {  	[spmem:s2] =	stream.indirect.scatter.add.bf16 [tilespmem:s29], [sflag:$0x9], $0x20, s8, s18, $0xb8;
	[tilespmem:$0x11C00] =	vst v63  }
0x79: {  	_ =	swait.ge [sflag:s15], $0xFA0  }
0x7a: {  	[sflag:s15] =	ssyncset.done $0x0  }
0x7b: {  	s6 =	simm.s32 $0x680;
	[sflag:s15] =	ssyncadd.s32 $0xFFFFF060  }
0x7c: {  	[tilespmem:s29], [sflag:$0x6] =	stream.indirect.gather [hbm4b:s4+s18], $0x20, s6, s18, $0xb8;
	[tilespmem:$0x11C00] =	vst v63  }
0x7d: {  	_ =	swait.ge [sflag:s30], $0xFA0  }
0x7e: {  	[sflag:s30] =	ssyncset.done $0x0  }
0x7f: {  	s8 =	simm.s32 $0x2B00;
	[sflag:s30] =	ssyncadd.s32 $0xFFFFF060  }
0x80: {  	[spmem:s2] =	stream.indirect.scatter.add.bf16 [tilespmem:s31], [sflag:$0x9], $0x20, s8, s18, $0xb8;
	[tilespmem:$0x11C00] =	vst v63  }
0x81: {  	_ =	swait.ge [sflag:s15], $0xFA0  }
0x82: {  	[sflag:s15] =	ssyncset.done $0x0  }
0x83: {  	s6 =	simm.s32 $0x700;
	[sflag:s15] =	ssyncadd.s32 $0xFFFFF060  }
0x84: {  	[tilespmem:s31], [sflag:$0x7] =	stream.indirect.gather [hbm4b:s4+s18], $0x20, s6, s18, $0xb8;
	[tilespmem:$0x11C00] =	vst v63  }
0x85: {  	_ =	swait.ge [sflag:s1], $0xFA0  }
0x86: {  	[sflag:s1] =	ssyncset.done $0x0  }
0x87: {  	s8 =	simm.s32 $0x2B80;
	[sflag:s1] =	ssyncadd.s32 $0xFFFFF060  }
0x88: {  	[spmem:s2] =	stream.indirect.scatter.add.bf16 [tilespmem:s16], [sflag:$0x9], $0x20, s8, s18, $0xb8;
	[tilespmem:$0x11C00] =	vst v63  }
0x89: {  	_ =	swait.ge [sflag:s15], $0xFA0  }
0x8a: {  	[sflag:s15] =	ssyncset.done $0x0  }
0x8b: {  	s5 =	simm.s32 $0x1000;
	s6 =	simm.s32 $0x780;
	[sflag:s15] =	ssyncadd.s32 $0xFFFFF060  }
.LBB2_4:
0x8c: {  	[tilespmem:s16], [sflag:$0x8] =	stream.indirect.gather [hbm4b:s4+s18], $0x20, s6, s18, $0xb8;
	[tilespmem:$0x11C00] =	vst v63  }
0x8d: {  	s6 =	smov.u32 s5  }
0x8e: {  	p0 =	sne.s32 s5, $0x8000;
	s5 =	sadd.s32 $0x1000, s5;
	_ =	swait.ge [sflag:s19], $0xFA0  }
0x8f: {  	s6 =	sshra.s32 s6, $0x2;
	[sflag:s19] =	ssyncset.done $0x0  }
0x90: {  	s8 =	sadd.s32 $0x2800, s6;
	[sflag:s19] =	ssyncadd.s32 $0xFFFFF060  }
0x91: {  	[spmem:s2] =	stream.indirect.scatter.add.bf16 [tilespmem:s17], [sflag:$0x9], $0x20, s8, s18, $0xb8;
	[tilespmem:$0x11C00] =	vst v63  }
0x92: {  	_ =	swait.ge [sflag:s15], $0xFA0  }
0x93: {  	[sflag:s15] =	ssyncset.done $0x0  }
0x94: {  	s8 =	sadd.s32 $0x400, s6;
	[sflag:s15] =	ssyncadd.s32 $0xFFFFF060  }
0x95: {  	[tilespmem:s17], [sflag:$0x1] =	stream.indirect.gather [hbm4b:s4+s18], $0x20, s8, s18, $0xb8;
	[tilespmem:$0x11C00] =	vst v63  }
0x96: {  	_ =	swait.ge [sflag:s21], $0xFA0  }
0x97: {  	[sflag:s21] =	ssyncset.done $0x0  }
0x98: {  	s8 =	sadd.s32 $0x2880, s6;
	[sflag:s21] =	ssyncadd.s32 $0xFFFFF060  }
0x99: {  	[spmem:s2] =	stream.indirect.scatter.add.bf16 [tilespmem:s20], [sflag:$0x9], $0x20, s8, s18, $0xb8;
	[tilespmem:$0x11C00] =	vst v63  }
0x9a: {  	_ =	swait.ge [sflag:s15], $0xFA0  }
0x9b: {  	[sflag:s15] =	ssyncset.done $0x0  }
0x9c: {  	s8 =	sadd.s32 $0x480, s6;
	[sflag:s15] =	ssyncadd.s32 $0xFFFFF060  }
0x9d: {  	[tilespmem:s20], [sflag:$0x2] =	stream.indirect.gather [hbm4b:s4+s18], $0x20, s8, s18, $0xb8;
	[tilespmem:$0x11C00] =	vst v63  }
0x9e: {  	_ =	swait.ge [sflag:s23], $0xFA0  }
0x9f: {  	[sflag:s23] =	ssyncset.done $0x0  }
0xa0: {  	s8 =	sadd.s32 $0x2900, s6;
	[sflag:s23] =	ssyncadd.s32 $0xFFFFF060  }
0xa1: {  	[spmem:s2] =	stream.indirect.scatter.add.bf16 [tilespmem:s22], [sflag:$0x9], $0x20, s8, s18, $0xb8;
	[tilespmem:$0x11C00] =	vst v63  }
0xa2: {  	_ =	swait.ge [sflag:s15], $0xFA0  }
0xa3: {  	[sflag:s15] =	ssyncset.done $0x0  }
0xa4: {  	s8 =	sadd.s32 $0x500, s6;
	[sflag:s15] =	ssyncadd.s32 $0xFFFFF060  }
0xa5: {  	[tilespmem:s22], [sflag:$0x3] =	stream.indirect.gather [hbm4b:s4+s18], $0x20, s8, s18, $0xb8;
	[tilespmem:$0x11C00] =	vst v63  }
0xa6: {  	_ =	swait.ge [sflag:s25], $0xFA0  }
0xa7: {  	[sflag:s25] =	ssyncset.done $0x0  }
0xa8: {  	s8 =	sadd.s32 $0x2980, s6;
	[sflag:s25] =	ssyncadd.s32 $0xFFFFF060  }
0xa9: {  	[spmem:s2] =	stream.indirect.scatter.add.bf16 [tilespmem:s24], [sflag:$0x9], $0x20, s8, s18, $0xb8;
	[tilespmem:$0x11C00] =	vst v63  }
0xaa: {  	_ =	swait.ge [sflag:s15], $0xFA0  }
0xab: {  	[sflag:s15] =	ssyncset.done $0x0  }
0xac: {  	s8 =	sadd.s32 $0x580, s6;
	[sflag:s15] =	ssyncadd.s32 $0xFFFFF060  }
0xad: {  	[tilespmem:s24], [sflag:$0x4] =	stream.indirect.gather [hbm4b:s4+s18], $0x20, s8, s18, $0xb8;
	[tilespmem:$0x11C00] =	vst v63  }
0xae: {  	_ =	swait.ge [sflag:s0], $0xFA0  }
0xaf: {  	[sflag:s0] =	ssyncset.done $0x0  }
0xb0: {  	s8 =	sadd.s32 $0x2A00, s6;
	[sflag:s0] =	ssyncadd.s32 $0xFFFFF060  }
0xb1: {  	[spmem:s2] =	stream.indirect.scatter.add.bf16 [tilespmem:s26], [sflag:$0x9], $0x20, s8, s18, $0xb8;
	[tilespmem:$0x11C00] =	vst v63  }
0xb2: {  	_ =	swait.ge [sflag:s15], $0xFA0  }
0xb3: {  	[sflag:s15] =	ssyncset.done $0x0  }
0xb4: {  	s8 =	sadd.s32 $0x600, s6;
	[sflag:s15] =	ssyncadd.s32 $0xFFFFF060  }
0xb5: {  	[tilespmem:s26], [sflag:$0x5] =	stream.indirect.gather [hbm4b:s4+s18], $0x20, s8, s18, $0xb8;
	[tilespmem:$0x11C00] =	vst v63  }
0xb6: {  	_ =	swait.ge [sflag:s28], $0xFA0  }
0xb7: {  	[sflag:s28] =	ssyncset.done $0x0  }
0xb8: {  	s8 =	sadd.s32 $0x2A80, s6;
	[sflag:s28] =	ssyncadd.s32 $0xFFFFF060  }
0xb9: {  	[spmem:s2] =	stream.indirect.scatter.add.bf16 [tilespmem:s29], [sflag:$0x9], $0x20, s8, s18, $0xb8;
	[tilespmem:$0x11C00] =	vst v63  }
0xba: {  	_ =	swait.ge [sflag:s15], $0xFA0  }
0xbb: {  	[sflag:s15] =	ssyncset.done $0x0  }
0xbc: {  	s8 =	sadd.s32 $0x680, s6;
	[sflag:s15] =	ssyncadd.s32 $0xFFFFF060  }
0xbd: {  	[tilespmem:s29], [sflag:$0x6] =	stream.indirect.gather [hbm4b:s4+s18], $0x20, s8, s18, $0xb8;
	[tilespmem:$0x11C00] =	vst v63  }
0xbe: {  	_ =	swait.ge [sflag:s30], $0xFA0  }
0xbf: {  	[sflag:s30] =	ssyncset.done $0x0  }
0xc0: {  	s8 =	sadd.s32 $0x2B00, s6;
	[sflag:s30] =	ssyncadd.s32 $0xFFFFF060  }
0xc1: {  	[spmem:s2] =	stream.indirect.scatter.add.bf16 [tilespmem:s31], [sflag:$0x9], $0x20, s8, s18, $0xb8;
	[tilespmem:$0x11C00] =	vst v63  }
0xc2: {  	_ =	swait.ge [sflag:s15], $0xFA0  }
0xc3: {  	[sflag:s15] =	ssyncset.done $0x0  }
0xc4: {  	s8 =	sadd.s32 $0x700, s6;
	[sflag:s15] =	ssyncadd.s32 $0xFFFFF060  }
0xc5: {  	[tilespmem:s31], [sflag:$0x7] =	stream.indirect.gather [hbm4b:s4+s18], $0x20, s8, s18, $0xb8;
	[tilespmem:$0x11C00] =	vst v63  }
0xc6: {  	_ =	swait.ge [sflag:s1], $0xFA0  }
0xc7: {  	[sflag:s1] =	ssyncset.done $0x0  }
.Ltmp1:
0xc8: {  	s8 =	sadd.s32 $0x2B80, s6;
	[sflag:s1] =	ssyncadd.s32 $0xFFFFF060;
	(pc) =	sbr.rel @p0 .LBB2_4-.Ltmp1, $4  }
0xc9: {  	[spmem:s2] =	stream.indirect.scatter.add.bf16 [tilespmem:s16], [sflag:$0x9], $0x20, s8, s18, $0xb8;
	[tilespmem:$0x11C00] =	vst v63  }
0xca: {  	_ =	swait.ge [sflag:s15], $0xFA0  }
0xcb: {  	[sflag:s15] =	ssyncset.done $0x0  }
0xcc: {  	s6 =	sadd.s32 $0x780, s6;
	[sflag:s15] =	ssyncadd.s32 $0xFFFFF060  }
0xcd: {  	[tilespmem:s16], [sflag:$0x8] =	stream.indirect.gather [hbm4b:s4+s18], $0x20, s6, s18, $0xb8;
	[tilespmem:$0x11C00] =	vst v63  }
0xce: {  	_ =	swait.ge [sflag:s19], $0xFA0  }
0xcf: {  	[sflag:s19] =	ssyncset.done $0x0  }
0xd0: {  	s5 =	simm.s32 $0x4C00;
	[sflag:s19] =	ssyncadd.s32 $0xFFFFF060  }
0xd1: {  	[spmem:s2] =	stream.indirect.scatter.add.bf16 [tilespmem:s17], [sflag:$0x9], $0x20, s5, s18, $0xb8;
	[tilespmem:$0x11C00] =	vst v63  }
0xd2: {  	_ =	swait.ge [sflag:s15], $0xFA0  }
0xd3: {  	[sflag:s15] =	ssyncset.done $0x0  }
0xd4: {  	[sflag:s15] =	ssyncadd.s32 $0xFFFFF060  }
0xd5: {  	_ =	swait.ge [sflag:s21], $0xFA0  }
0xd6: {  	[sflag:s21] =	ssyncset.done $0x0  }
0xd7: {  	s8 =	simm.s32 $0x4C80;
	[sflag:s21] =	ssyncadd.s32 $0xFFFFF060  }
0xd8: {  	[spmem:s2] =	stream.indirect.scatter.add.bf16 [tilespmem:s20], [sflag:$0x9], $0x20, s8, s18, $0xb8;
	[tilespmem:$0x11C00] =	vst v63  }
0xd9: {  	_ =	swait.ge [sflag:s15], $0xFA0  }
0xda: {  	[sflag:s15] =	ssyncset.done $0x0  }
0xdb: {  	[sflag:s15] =	ssyncadd.s32 $0xFFFFF060  }
0xdc: {  	_ =	swait.ge [sflag:s23], $0xFA0  }
0xdd: {  	[sflag:s23] =	ssyncset.done $0x0  }
0xde: {  	s6 =	simm.s32 $0x4D00;
	[sflag:s23] =	ssyncadd.s32 $0xFFFFF060  }
0xdf: {  	[spmem:s2] =	stream.indirect.scatter.add.bf16 [tilespmem:s22], [sflag:$0x9], $0x20, s6, s18, $0xb8;
	[tilespmem:$0x11C00] =	vst v63  }
0xe0: {  	_ =	swait.ge [sflag:s15], $0xFA0  }
0xe1: {  	[sflag:s15] =	ssyncset.done $0x0  }
0xe2: {  	[sflag:s15] =	ssyncadd.s32 $0xFFFFF060  }
0xe3: {  	_ =	swait.ge [sflag:s25], $0xFA0  }
0xe4: {  	[sflag:s25] =	ssyncset.done $0x0  }
0xe5: {  	s8 =	simm.s32 $0x4D80;
	[sflag:s25] =	ssyncadd.s32 $0xFFFFF060  }
0xe6: {  	[spmem:s2] =	stream.indirect.scatter.add.bf16 [tilespmem:s24], [sflag:$0x9], $0x20, s8, s18, $0xb8;
	[tilespmem:$0x11C00] =	vst v63  }
0xe7: {  	_ =	swait.ge [sflag:s15], $0xFA0  }
0xe8: {  	[sflag:s15] =	ssyncset.done $0x0  }
0xe9: {  	[sflag:s15] =	ssyncadd.s32 $0xFFFFF060  }
0xea: {  	_ =	swait.ge [sflag:s0], $0xFA0  }
0xeb: {  	[sflag:s0] =	ssyncset.done $0x0  }
0xec: {  	s6 =	simm.s32 $0x4E00;
	[sflag:s0] =	ssyncadd.s32 $0xFFFFF060  }
0xed: {  	[spmem:s2] =	stream.indirect.scatter.add.bf16 [tilespmem:s26], [sflag:$0x9], $0x20, s6, s18, $0xb8;
	[tilespmem:$0x11C00] =	vst v63  }
0xee: {  	_ =	swait.ge [sflag:s15], $0xFA0  }
0xef: {  	[sflag:s15] =	ssyncset.done $0x0  }
0xf0: {  	[sflag:s15] =	ssyncadd.s32 $0xFFFFF060  }
0xf1: {  	_ =	swait.ge [sflag:s28], $0xFA0  }
0xf2: {  	[sflag:s28] =	ssyncset.done $0x0  }
0xf3: {  	s8 =	simm.s32 $0x4E80;
	[sflag:s28] =	ssyncadd.s32 $0xFFFFF060  }
0xf4: {  	[spmem:s2] =	stream.indirect.scatter.add.bf16 [tilespmem:s29], [sflag:$0x9], $0x20, s8, s18, $0xb8;
	[tilespmem:$0x11C00] =	vst v63  }
0xf5: {  	_ =	swait.ge [sflag:s15], $0xFA0  }
0xf6: {  	[sflag:s15] =	ssyncset.done $0x0  }
0xf7: {  	[sflag:s15] =	ssyncadd.s32 $0xFFFFF060  }
0xf8: {  	_ =	swait.ge [sflag:s30], $0xFA0  }
0xf9: {  	[sflag:s30] =	ssyncset.done $0x0  }
0xfa: {  	s6 =	simm.s32 $0x4F00;
	[sflag:s30] =	ssyncadd.s32 $0xFFFFF060  }
0xfb: {  	[spmem:s2] =	stream.indirect.scatter.add.bf16 [tilespmem:s31], [sflag:$0x9], $0x20, s6, s18, $0xb8;
	[tilespmem:$0x11C00] =	vst v63  }
0xfc: {  	_ =	swait.ge [sflag:s15], $0xFA0  }
0xfd: {  	[sflag:s15] =	ssyncset.done $0x0  }
0xfe: {  	[sflag:s15] =	ssyncadd.s32 $0xFFFFF060  }
0xff: {  	_ =	swait.ge [sflag:s1], $0xFA0  }
0x100: {  	[sflag:s1] =	ssyncset.done $0x0  }
0x101: {  	s8 =	simm.s32 $0x4F80;
	[sflag:s1] =	ssyncadd.s32 $0xFFFFF060  }
0x102: {  	[spmem:s2] =	stream.indirect.scatter.add.bf16 [tilespmem:s16], [sflag:$0x9], $0x20, s8, s18, $0xb8;
	[tilespmem:$0x11C00] =	vst v63  }
0x103: {  	s6 =	stileid.u32;
	_ =	swait.ge [sflag:s15], $0xFA0  }
0x104: {  	s3 =	sadd.s32 $0x1, s3;
	s5 =	sshll.u32 s6, $0x6;
	[sflag:s15] =	ssyncset.done $0x0  }
0x105: {  	p0 =	sne.s32 s3, s14;
	s5 =	sor.u32 $0x1C09, s5;
	[sflag:s15] =	ssyncadd.s32 $0xFFFFF060  }
.Ltmp2:
0x106: {  	s8 =	sshrl.u32 s7, $0x3;
	[bflag:$0x0] =	sbarrier.arrive $0xFFFF;
	(pc) =	sbr.rel @p0 .LBB2_1-.Ltmp2, $4  }
0x107: {  	[hbm:s13], [sflag:s5] =	dma.local [spmem:s8], $0x9E0  }
0x108: {  	_ =	swait.ge [sflag:s15], $0x9E0  }
0x109: {  	[sflag:s15] =	ssyncset.done $0x0  }
0x10a: {  	[sflag:s15] =	ssyncadd.s32 $0xFFFFF620  }
0x10b: {  	_ =	sfence.sel $0x180000  }
0x10c: {  	[bflag:$0x0] =	sbarrier.arrive $0xFFFF  }
0x10d: {  	_ =	strace $0x9000004A  }
0x10e: {  	s0 =	stileid.u32;
	[bflag:$0x2] =	sbarrier.arrive $0xFFFF  }
0x10f: {  	p0 =	sne.s32 s0, $0x0;
	s0 =	rddreg [dreg:$0x3]  }
0x110: {  	s0 =	sadd.s32 @!p0 $0x100000, s0  }
0x111: {  	[sflag:s0] =	ssyncadd.tile.s32 @!p0 $0x1;
	_ =	shalt  }
.Lfunc_end2:
_tile_overlayer_lowered:
.L_overlay_start_2:
0x112: {  	(tag) =	ssettag $0x2  }
0x113: {  	s0 =	rddreg [dreg:$0x0];
	s2 =	stileid.u32  }
0x114: {  	s1 =	rddreg [dreg:$0x1];
	p0 =	sne.s32 s2, $0x0  }
0x115: {  	s3 =	rddreg [dreg:$0x2];
	[bflag:$0x3] =	sbarrier.arrive $0xFFFF;
	s2 =	simm.s32 @!p0 $0x1C09  }
0x116: {  	[timem:s3], [sflag:s2] =	dma.local @!p0 [hbm:s0], s1  }
0x117: {  	s0 =	simm.s32 @!p0 $0x9  }
0x118: {  	_ =	swait.ge @!p0 [sflag:s0], s1  }
0x119: {  	s1 =	ssub.s32 @!p0 $0x0, s1;
	[sflag:s0] =	ssyncset.done @!p0 $0x0  }
0x11a: {  	[sflag:s0] =	ssyncadd.s32 @!p0 s1  }
0x11b: {  	[bflag:$0x3] =	sbarrier.arrive $0xFFFF  }
0x11c: {  	_ =	shalt  }

// kernel: kernel.7.cloned.1.call-start
scs
__scs_entry_jumppad:
0x0: {  	(pc) =	sbr.rel $0x88, $3  }
0x1: {  	(tag) =	ssettag $0x0;
	lr =	simm.s32 $0x1  }
0x2: {  	[smem:$0x3F99] =	sst lr;
	_ =	strace $0xD0000000  }
0x3: {  	_ = 	snop  }
0x4: {  	_ = 	snop  }
0x5: {  	_ = 	snop  }
0x6: {  	_ = 	snop  }
0x7: {  	_ = 	snop  }
__scs_overlays_trampoline_lowered:
0x8: {  	[smem:$0x3FA8] =	sst s0  }
0x9: {  	[smem:$0x3FA9] =	sst s1  }
0xa: {  	[smem:$0x3FAA] =	sst s2  }
0xb: {  	[smem:$0x3FAB] =	sst s3  }
0xc: {  	[smem:$0x3FAC] =	sst s4  }
0xd: {  	[smem:$0x3FAD] =	sst s5  }
0xe: {  	[smem:$0x3FAE] =	sst s6  }
0xf: {  	[smem:$0x3FAF] =	sst s7  }
0x10: {  	[smem:$0x3FB0] =	sst s8  }
0x11: {  	[smem:$0x3FB1] =	sst s9;
	s0 =	simm.s32 @!p0 $0x0  }
0x12: {  	s1 =	sld [smem:$0x3F97];
	s0 =	simm.s32 @p0 $0x1  }
0x13: {  	[smem:$0x3FB2] =	sst s0;
	s0 =	simm.s32 @!p1 $0x0  }
0x14: {  	s2 =	sld [smem:$0x3F96];
	s0 =	simm.s32 @p1 $0x1  }
0x15: {  	[smem:$0x3FB3] =	sst s0;
	s0 =	simm.s32 @!p2 $0x0  }
0x16: {  	s3 =	sld [smem:$0x3FDB];
	s0 =	simm.s32 @p2 $0x1  }
0x17: {  	s4 =	simm.s32 $0x1BF5;
	[smem:$0x3FB5] =	sst s0  }
0x18: {  	s0 =	sld [smem:$0x3F98];
	_ =	swait.ge [sflag:s4], $0x0  }
0x19: {  	s7 =	sld [smem:$0x3F99]  }
0x1a: {  	s8 =	sadd.s32 $0xFFFFE003, lr  }
0x1b: {  	s9 =	sadd.s32 $0xFFFFFEF7, lr;
	s5 =	simm.s32 $0xFFFFFFFF;
	p2 =	slt.u32 s8, $0xFFFFF086  }
0x1c: {  	p1 =	slt.u32 s9, $0xF7A;
	s5 =	simm.s32 @!p2 $0x0  }
0x1d: {  	s5 =	simm.s32 @p1 $0x1;
	p0 =	seq.s32 s7, s2  }
0x1e: {  	s7 =	smul.u32 @!p0 $0xF7A, s2;
	p2 =	seq.s32 @!p0 s5, $0x0  }
0x1f: {  	s9 =	smul.u32 $0xF7A, s1;
	s8 =	simm.s32 @!p0 $0x1BF5;
	p2 =	por !p2, p0  }
0x20: {  	[sflag:s8] =	ssyncset.s32 @!p0 $0xFFFFF086;
	s6 =	sadd.s32 @!p0 s3, s7;
	s7 =	simm.s32 @!p0 $0x108  }
0x21: {  	s3 =	sadd.s32 s3, s9;
	s6 =	sadd.s32 @!p0 $0x88, s6;
	s7 =	simm.s32 @p2 $0x1082  }
0x22: {  	[simem:s7], [sflag:s8] =	dma.local @!p0 [hbm:s6], $0xF7A  }
0x23: {  	s9 =	sor.u32 $0xD0000000, s2;
	s6 =	simm.s32 $0x108;
	_ =	swait.ge @!p0 [sflag:s8], $0x0  }
0x24: {  	s3 =	sadd.s32 $0x88, s3;
	s6 =	simm.s32 @!p1 $0x1082;
	[sflag:s4] =	ssyncset.s32 $0xFFFFF086  }
0x25: {  	[simem:s6], [sflag:s4] =	dma.local [hbm:s3], $0xF7A  }
0x26: {  	[smem:$0x3F99] =	sst s1;
	(tag) =	ssettag s2;
	_ =	strace s9  }
0x27: {  	s1 =	sld [smem:$0x3FA9]  }
0x28: {  	s2 =	sld [smem:$0x3FAA]  }
0x29: {  	s4 =	sld [smem:$0x3FAC]  }
0x2a: {  	p0 =	seq.s32 s5, $0x0;
	s5 =	sld [smem:$0x3FAD]  }
0x2b: {  	s6 =	sld [smem:$0x3FAE]  }
0x2c: {  	s7 =	sld [smem:$0x3FAF]  }
0x2d: {  	s3 =	simm.s32 $0x108;
	s8 =	sld [smem:$0x3FB0]  }
0x2e: {  	s3 =	simm.s32 @!p0 $0x1082;
	s9 =	sld [smem:$0x3FB1]  }
0x2f: {  	lr =	sadd.s32 s0, s3;
	s0 =	sld [smem:$0x3FA8]  }
0x30: {  	s3 =	sld [smem:$0x3FAB]  }
0x31: {  	[smem:$0x3FB4] =	sst s10  }
0x32: {  	s10 =	sld [smem:$0x3FB2];
	_ =	sdelay $0x3  }
0x33: {  	p0 =	seq.s32 s10, $0x1;
	s10 =	sld [smem:$0x3FB4];
	_ =	sdelay $0x3  }
0x34: {  	[smem:$0x3FB4] =	sst s10  }
0x35: {  	s10 =	sld [smem:$0x3FB3];
	_ =	sdelay $0x3  }
0x36: {  	p1 =	seq.s32 s10, $0x1;
	s10 =	sld [smem:$0x3FB4];
	_ =	sdelay $0x3  }
0x37: {  	[smem:$0x3FB4] =	sst s10  }
0x38: {  	s10 =	sld [smem:$0x3FB5]  }
0x39: {  	_ = 	snop;
	(pc) =	sbr.ind lr, $3  }
0x3a: {  	_ = 	snop  }
0x3b: {  	_ = 	snop  }
0x3c: {  	p2 =	seq.s32 s10, $0x1;
	s10 =	sld [smem:$0x3FB4]  }
0x3d: {  	_ =	shalt  }
0x3e: {  	_ =	shalt  }
0x3f: {  	_ =	shalt  }
0x40: {  	_ =	shalt  }
0x41: {  	_ =	shalt  }
0x42: {  	_ =	shalt  }
0x43: {  	_ =	shalt  }
0x44: {  	_ =	shalt  }
0x45: {  	_ =	shalt  }
0x46: {  	_ =	shalt  }
0x47: {  	_ =	shalt  }
0x48: {  	_ =	shalt  }
0x49: {  	_ =	shalt  }
0x4a: {  	_ =	shalt  }
0x4b: {  	_ =	shalt  }
0x4c: {  	_ =	shalt  }
0x4d: {  	_ =	shalt  }
0x4e: {  	_ =	shalt  }
0x4f: {  	_ =	shalt  }
0x50: {  	_ =	shalt  }
0x51: {  	_ =	shalt  }
0x52: {  	_ =	shalt  }
0x53: {  	_ =	shalt  }
0x54: {  	_ =	shalt  }
0x55: {  	_ =	shalt  }
0x56: {  	_ =	shalt  }
0x57: {  	_ =	shalt  }
0x58: {  	_ =	shalt  }
0x59: {  	_ =	shalt  }
0x5a: {  	_ =	shalt  }
0x5b: {  	_ =	shalt  }
0x5c: {  	_ =	shalt  }
0x5d: {  	_ =	shalt  }
0x5e: {  	_ =	shalt  }
0x5f: {  	_ =	shalt  }
0x60: {  	_ =	shalt  }
0x61: {  	_ =	shalt  }
0x62: {  	_ =	shalt  }
0x63: {  	_ =	shalt  }
0x64: {  	_ =	shalt  }
0x65: {  	_ =	shalt  }
0x66: {  	_ =	shalt  }
0x67: {  	_ =	shalt  }
0x68: {  	_ =	shalt  }
0x69: {  	_ =	shalt  }
0x6a: {  	_ =	shalt  }
0x6b: {  	_ =	shalt  }
0x6c: {  	_ =	shalt  }
0x6d: {  	_ =	shalt  }
0x6e: {  	_ =	shalt  }
0x6f: {  	_ =	shalt  }
0x70: {  	_ =	shalt  }
0x71: {  	_ =	shalt  }
0x72: {  	_ =	shalt  }
0x73: {  	_ =	shalt  }
0x74: {  	_ =	shalt  }
0x75: {  	_ =	shalt  }
0x76: {  	_ =	shalt  }
0x77: {  	_ =	shalt  }
0x78: {  	_ =	shalt  }
0x79: {  	_ =	shalt  }
0x7a: {  	_ =	shalt  }
0x7b: {  	_ =	shalt  }
0x7c: {  	_ =	shalt  }
0x7d: {  	_ =	shalt  }
0x7e: {  	_ =	shalt  }
0x7f: {  	_ =	shalt  }
0x80: {  	_ =	shalt  }
0x81: {  	_ =	shalt  }
0x82: {  	_ =	shalt  }
0x83: {  	_ =	shalt  }
0x84: {  	_ =	shalt  }
0x85: {  	_ =	shalt  }
0x86: {  	_ =	shalt  }
0x87: {  	_ =	shalt  }
.Lfunc_end0:
.L_simem_size_0:
called_computation_lowered:
.L_overlay_start_0:
0x88: {  	s2 =	sld [smem:$0x3FD9]  }
0x89: {  	s3 =	sld [smem:$0x3FFE];
	_ =	sdelay $0x1  }
0x8a: {  	s1 =	srdreg.scid  }
0x8b: {  	s0 =	sand.u32 $0x1, s1  }
0x8c: {  	s17 =	sshll.u32 s0, $0xA;
	s2 =	sadd.s32 s3, s2  }
0x8d: {  	s2 =	sadd.s32 s2, s17  }
0x8e: {  	[smem:$0x3FC0] =	sst s2  }
0x8f: {  	_ = 	snop  }
0x90: {  	s2 =	sld [smem:$0x3FD0];
	(tm) =	ssettm $0x1  }
0x91: {  	s18 =	sld [smem:$0x3FFB];
	_ =	sdelay $0x3  }
0x92: {  	_ =	strace s18  }
0x93: {  	s3 =	sld [smem:$0x3FFC];
	_ =	sdelay $0x3  }
0x94: {  	_ =	strace s3  }
0x95: {  	s3 =	sld [smem:$0x3FFD];
	_ =	sdelay $0x3  }
0x96: {  	_ =	strace s3  }
0x97: {  	_ =	strace $0x8FFFFFFF  }
0x98: {  	s19 =	sld [smem:$0x3FDB];
	_ =	sdelay $0x1  }
0x99: {  	s4 =	simm.s32 $_scs_section_size  }
0x9a: {  	s5 =	simm.s32 $_size__tile_overlayer_lowered;
	s6 =	simm.s32 $_tile_overlayer_lowered  }
0x9b: {  	s22 =	simm.s32 $0x1BFF;
	s21 =	sshll.u32 s6, $0x1;
	s3 =	sadd.s32 s4, s19  }
0x9c: {  	s7 =	simm.s32 $0x0;
	s20 =	sshll.u32 s5, $0x1;
	s5 =	sadd.s32 s21, s3  }
0x9d: {  	[timem:s7], [sflag:s22] =	dma.local [hbm:s5], s20  }
0x9e: {  	_ =	swait.ge [sflag:s22], s20  }
0x9f: {  	s4 =	ssub.s32 $0x0, s20;
	[sflag:s22] =	ssyncset.done $0x0  }
0xa0: {  	[sflag:s22] =	ssyncadd.s32 s4;
	_ =	sdelay $0x1  }
0xa1: {  	s23 =	simm.s32 $0x1B8B  }
0xa2: {  	_ =	swait.ge [sflag:s23], $0x1  }
0xa3: {  	[sflag:s23] =	ssyncset.done $0x0  }
0xa4: {  	s25 =	simm.s32 $0x1B8E;
	s24 =	sld [smem:$0x3FFE];
	[sflag:s23] =	ssyncadd.s32 $0xFFFFFFFF  }
0xa5: {  	s26 =	simm.s32 $execute0_lowered;
	[smem:$0x3FD2] =	sst s25  }
0xa6: {  	s5 =	sshll.u32 s26, $0x1;
	_ =	strace $0x80000046;
	[dreg:$0x1] =	wrdreg $0xFFFFFFFF  }
0xa7: {  	s28 =	simm.s32 $_size_execute0_lowered;
	s3 =	sadd.s32 s3, s5;
	[dreg:$0x0] =	wrdreg $0x0  }
0xa8: {  	s5 =	sshll.u32 s28, $0x1;
	[dreg:$0x2] =	wrdreg s3  }
0xa9: {  	[dreg:$0x3] =	wrdreg s5  }
0xaa: {  	[dreg:$0x4] =	wrdreg $0xC0  }
0xab: {  	_ =	task [dreg:s7], $0x5FFFF  }
0xac: {  	[dreg:$0x1] =	wrdreg $0xFFFFFFFF  }
0xad: {  	[dreg:$0x0] =	wrdreg $0x60  }
0xae: {  	[dreg:$0x2] =	wrdreg s2  }
0xaf: {  	[dreg:$0x3] =	wrdreg s24  }
0xb0: {  	[dreg:$0x4] =	wrdreg $0xCD000  }
0xb1: {  	[dreg:$0x5] =	wrdreg $0x19A500  }
0xb2: {  	[dreg:$0x6] =	wrdreg $0x9  }
0xb3: {  	_ =	task.clear_ibuf [dreg:s7], $0x7FFFF;
	_ =	strace $0x90000046  }
0xb4: {  	s29 =	simm.s32 $0x9;
	_ =	strace $0x80000048  }
0xb5: {  	_ =	swait.ge [sflag:s29], $0x1  }
0xb6: {  	[sflag:s29] =	ssyncadd.s32 $0xFFFFFFFF  }
0xb7: {  	_ =	strace $0x90000048  }
0xb8: {  	_ =	sfence  }
0xb9: {  	s30 =	sld [smem:$0x0];
	_ =	sdelay $0x2  }
0xba: {  	s31 =	sshll.u32 s1, $0xD;
	s1 =	sshrl.u32 s1, $0x2  }
0xbb: {  	s3 =	sand.u32 $0x4000, s31;
	s1 =	sadd.s32 s1, s30  }
0xbc: {  	s0 =	sor.u32 s3, s0;
	s1 =	sshll.u32 s1, $0x11  }
0xbd: {  	s0 =	sor.u32 s1, s0  }
0xbe: {  	s0 =	sadd.s32 $0x8F2B, s0  }
0xbf: {  	[sflag:s0] =	ssyncadd.remote.s32 $0x1  }
0xc0: {  	_ =	sfence.sel $0xFFFF  }
0xc1: {  	[dreg:$0x0] =	wrdreg $0xFFFFFFFF;
	(pc) =	sbr.abs _section_cstart, $3  }
0xc2: {  	[dreg:$0x1] =	wrdreg $0xFFFFFFFF  }
0xc3: {  	_ =	task.clear_ibuf [dreg:s7], $0x2FFFF;
	_ =	strace $0x9FFFFFFF  }
0xc4: {  	(tm) =	ssettm $0x7FFFFFFF  }
0xc5: {  	_ =	shalt  }
tec
execute0_lowered:
.L_overlay_start_1:
0x0: {  	(tag) =	ssettag $0x1  }
0x1: {  	s1 =	rddreg [dreg:$0x0]  }
0x2: {  	s5 =	rddreg [dreg:$0x1]  }
0x3: {  	s0 =	srdreg.scid;
	s3 =	rddreg [dreg:$0x2]  }
0x4: {  	s10 =	stileid.u32;
	s4 =	rddreg [dreg:$0x3]  }
0x5: {  	s8 =	simm.s32 $0x0;
	s18 =	simm.s32 $0x5;
	s20 =	simm.s32 $0x5000  }
0x6: {  	s29 =	simm.s32 $0xADC0;
	s30 =	simm.s32 $0x1;
	s6 =	smul.u32 $0x13C00, s10  }
0x7: {  	s31 =	simm.s32 $0x16B00;
	s19 =	simm.s32 $0x3;
	s14 =	smul.u32 $0x2780, s10  }
0x8: {  	s0 =	sand.u32 $0x1, s0;
	s2 =	sshll.u32 s10, $0x1;
	s10 =	smul.u32 $0x27800, s10  }
0x9: {  	s21 =	simm.s32 $0x4;
	s28 =	simm.s32 $0x4F80;
	s7 =	smul.u32 $0x13C000, s0  }
0xa: {  	[smem:$0x7FF] =	sst s8;
	s2 =	sor.u32 s0, s2;
	s22 =	smul.u32 $0x27800, s0  }
0xb: {  	_ =	strace $0x80000047;
	s0 =	ssub.s32 $0x2, s0;
	s2 =	smul.u32 $0x2800, s2  }
0xc: {  	s9 =	sshrl.u32 s0, $0x1;
	s24 =	sshrl.u32 s10, $0x2;
	s7 =	sadd.s32 s6, s7  }
0xd: {  	s8 =	sadd.s32 s14, s22;
	s0 =	ssub.s32 s0, s9;
	s6 =	sshrl.u32 s6, $0x1  }
0xe: {  	s25 =	sadd.s32 s24, s3;
	s14 =	sadd.s32 s14, s4;
	s22 =	simm.s32 $0x7D  }
0xf: {  	s24 =	simm.s32 $0x6F40;
	s2 =	sshrl.u32 s2, $0x3;
	s7 =	sshrl.u32 s7, $0x4  }
0x10: {  	s8 =	sshrl.u32 s8, $0x3;
	s26 =	sadd.s32 $0x1F40, s25;
	s10 =	sadd.s32 $0x3E80, s25  }
0x11: {  	s11 =	sadd.s32 $0x5DC0, s25;
	s12 =	sadd.s32 $0x7D00, s25;
	s13 =	sadd.s32 $0x9C40, s25  }
0x12: {  	s17 =	smax.u32 s0, $0x1;
	s25 =	simm.s32 $0x4E80;
	s0 =	simm.s32 $0x4F00  }
0x13: {  	s2 =	sadd.s32 s2, s5;
	s7 =	sadd.s32 s7, s5;
	s5 =	sadd.s32 s8, s5  }
0x14: {  	s8 =	sadd.s32 s6, s3;
	[dreg:$0x7] =	wrdreg s26;
	s26 =	simm.s32 $0x8E80  }
0x15: {  	s23 =	sadd.s32 $0x2000, s2;
	s2 =	sadd.s32 $0xC000, s2;
	s15 =	sadd.s32 $0x16000, s7  }
0x16: {  	s16 =	sadd.s32 $0x3D800, s5;
	s5 =	simm.s32 $0x0;
	[dreg:$0x5] =	wrdreg s23  }
0x17: {  	v0 =	vimm.bf16 $0.0e+00;
	v1 =	vimm.f32 $1.000000000e+00;
	v2 =	vimm.f32 $0.0e+00;
	[dreg:$0x6] =	wrdreg s2;
	s2 =	simm.s32 $0x2;
	s23 =	simm.s32 $0x4E00  }
.LBB2_1:
0x18: {  	s6 =	simm.s32 $0x0;
	s7 =	rddreg [dreg:$0x5]  }
0x19: {  	[tilespmem:s6], [sflag:$0x5] =	stream.linear.gather [hbm4b:s7+s6], $0x2800, $0x38;
	[tilespmem:$0x1C1D0] =	vst v63  }
0x1a: {  	_ =	swait.ge [sflag:s18], $0x2800  }
0x1b: {  	[sflag:s18] =	ssyncset.done $0x0  }
0x1c: {  	s9 =	simm.s32 $0x2800;
	s7 =	rddreg [dreg:$0x6];
	[sflag:s18] =	ssyncadd.s32 $0xFFFFD800  }
0x1d: {  	[tilespmem:s9], [sflag:$0x5] =	stream.linear.gather [hbm4b:s7+s6], $0x2800, $0x38;
	[tilespmem:$0x1C1D0] =	vst v63  }
0x1e: {  	_ =	swait.ge [sflag:s18], $0x2800  }
0x1f: {  	[sflag:s18] =	ssyncset.done $0x0  }
0x20: {  	s7 =	simm.s32 $0x100;
	s6 =	simm.s32 $0x0;
	[sflag:s18] =	ssyncadd.s32 $0xFFFFD800  }
.LBB2_2:
0x21: {  	p0 =	sne.s32 s7, $0x7C00;
	[tilespmem:s6+$0x5030] =	vst v0;
	s9 =	smov.u32 s7;
	s7 =	sadd.s32 $0x100, s7  }
.Ltmp0:
0x22: {  	[tilespmem:s6+$0x5020] =	vst v0;
	(pc) =	sbr.rel @p0 .LBB2_2-.Ltmp0, $3  }
0x23: {  	[tilespmem:s6+$0x5000] =	vst v0  }
0x24: {  	[tilespmem:s6+$0x5010] =	vst v0;
	_ =	sdelay $0x1  }
0x25: {  	s6 =	sshra.s32 s9, $0x2  }
0x26: {  	[tilespmem:s6+$0x5030] =	vst v0  }
0x27: {  	[tilespmem:s6+$0x5020] =	vst v0  }
0x28: {  	[tilespmem:s6+$0x5000] =	vst v0  }
0x29: {  	[tilespmem:s6+$0x5010] =	vst v0  }
0x2a: {  	[spmem:s8] =	stream.linear.scatter [tilespmem:s20], [sflag:$0x5], $0x1F40, $0x38;
	[tilespmem:$0x1C1D0] =	vst v63  }
0x2b: {  	_ =	swait.ge [sflag:s18], $0x1F40  }
0x2c: {  	[sflag:s18] =	ssyncset.done $0x0  }
0x2d: {  	s9 =	rddreg [dreg:$0x7];
	[sflag:s18] =	ssyncadd.s32 $0xFFFFE0C0  }
0x2e: {  	[spmem:s9] =	stream.linear.scatter [tilespmem:s20], [sflag:$0x5], $0x1F40, $0x38;
	[tilespmem:$0x1C1D0] =	vst v63  }
0x2f: {  	_ =	swait.ge [sflag:s18], $0x1F40  }
0x30: {  	[sflag:s18] =	ssyncset.done $0x0  }
0x31: {  	[sflag:s18] =	ssyncadd.s32 $0xFFFFE0C0  }
0x32: {  	[spmem:s10] =	stream.linear.scatter [tilespmem:s20], [sflag:$0x5], $0x1F40, $0x38;
	[tilespmem:$0x1C1D0] =	vst v63  }
0x33: {  	_ =	swait.ge [sflag:s18], $0x1F40  }
0x34: {  	[sflag:s18] =	ssyncset.done $0x0  }
0x35: {  	[sflag:s18] =	ssyncadd.s32 $0xFFFFE0C0  }
0x36: {  	[spmem:s11] =	stream.linear.scatter [tilespmem:s20], [sflag:$0x5], $0x1F40, $0x38;
	[tilespmem:$0x1C1D0] =	vst v63  }
0x37: {  	_ =	swait.ge [sflag:s18], $0x1F40  }
0x38: {  	[sflag:s18] =	ssyncset.done $0x0  }
0x39: {  	[sflag:s18] =	ssyncadd.s32 $0xFFFFE0C0  }
0x3a: {  	[spmem:s12] =	stream.linear.scatter [tilespmem:s20], [sflag:$0x5], $0x1F40, $0x38;
	[tilespmem:$0x1C1D0] =	vst v63  }
0x3b: {  	_ =	swait.ge [sflag:s18], $0x1F40  }
0x3c: {  	[sflag:s18] =	ssyncset.done $0x0  }
0x3d: {  	[sflag:s18] =	ssyncadd.s32 $0xFFFFE0C0  }
0x3e: {  	[spmem:s13] =	stream.linear.scatter [tilespmem:s20], [sflag:$0x5], $0x1C0, $0x38;
	[tilespmem:$0x1C1D0] =	vst v63  }
0x3f: {  	_ =	swait.ge [sflag:s18], $0x1C0  }
0x40: {  	[sflag:s18] =	ssyncset.done $0x0  }
0x41: {  	s6 =	simm.s32 $0x40;
	s7 =	simm.s32 $0x0;
	[sflag:s18] =	ssyncadd.s32 $0xFFFFFE40  }
.LBB2_4:
0x42: {  	p0 =	sne.s32 s6, $0x1F00;
	[tilespmem:s7+$0x16B00] =	vst v1;
	s7 =	smov.u32 s6;
	s6 =	sadd.s32 $0x40, s6  }
.Ltmp1:
0x43: {  	(pc) =	sbr.rel @p0 .LBB2_4-.Ltmp1, $2  }
0x44: {  	_ =	sdelay $0x2  }
0x45: {  	s7 =	sshra.s32 s7, $0x2  }
0x46: {  	[tilespmem:s7+$0x16B00] =	vst v1;
	s6 =	simm.s32 $0x40;
	s7 =	simm.s32 $0x0  }
.LBB2_6:
0x47: {  	p0 =	sne.s32 s6, $0x9DC0;
	[tilespmem:s7+$0x172D0] =	vst v2;
	s7 =	smov.u32 s6;
	s6 =	sadd.s32 $0x40, s6  }
.Ltmp2:
0x48: {  	(pc) =	sbr.rel @p0 .LBB2_6-.Ltmp2, $2  }
0x49: {  	_ =	sdelay $0x2  }
0x4a: {  	s7 =	sshra.s32 s7, $0x2  }
0x4b: {  	[tilespmem:s7+$0x172D0] =	vst v2;
	s6 =	simm.s32 $0x172D0  }
0x4c: {  	[spmem:s14] =	stream.linear.scatter [tilespmem:s6], [sflag:$0x5], $0x2780, $0x38;
	[tilespmem:$0x1C1D0] =	vst v63  }
0x4d: {  	_ =	swait.ge [sflag:s18], $0x2780  }
0x4e: {  	[sflag:s18] =	ssyncset.done $0x0  }
0x4f: {  	[sflag:s18] =	ssyncadd.s32 $0xFFFFD880  }
0x50: {  	s9 =	simm.s32 $0x0;
	[bflag:$0x0] =	sbarrier.arrive $0xFFFF  }
0x51: {  	[tilespmem:s20], [sflag:$0x1] =	stream.indirect.gather [hbm4b:s1+s22], $0x40, s9, s22, $0xb8;
	[tilespmem:$0x1C1D0] =	vst v63  }
0x52: {  	s7 =	simm.s32 $0x80  }
0x53: {  	[tilespmem:s24], [sflag:$0x2] =	stream.indirect.gather [hbm4b:s1+s22], $0x40, s7, s22, $0xb8;
	[tilespmem:$0x1C1D0] =	vst v63  }
0x54: {  	s9 =	simm.s32 $0x100  }
0x55: {  	[tilespmem:s26], [sflag:$0x3] =	stream.indirect.gather [hbm4b:s1+s22], $0x40, s9, s22, $0xb8;
	[tilespmem:$0x1C1D0] =	vst v63  }
0x56: {  	s7 =	simm.s32 $0x180  }
0x57: {  	[tilespmem:s29], [sflag:$0x4] =	stream.indirect.gather [hbm4b:s1+s22], $0x40, s7, s22, $0xb8;
	[tilespmem:$0x1C1D0] =	vst v63  }
0x58: {  	_ =	swait.ge [sflag:s30], $0x1F40  }
0x59: {  	[sflag:s30] =	ssyncset.done $0x0  }
0x5a: {  	s9 =	simm.s32 $0x2800;
	[sflag:s30] =	ssyncadd.s32 $0xFFFFE0C0  }
0x5b: {  	[spmem:s3] =	stream.indirect.scatter.add.bf16 [tilespmem:s20], [sflag:$0x5], $0x40, s9, s22, $0xb8;
	[tilespmem:$0x1C1D0] =	vst v63  }
0x5c: {  	_ =	swait.ge [sflag:s18], $0x1F40  }
0x5d: {  	[sflag:s18] =	ssyncset.done $0x0  }
0x5e: {  	[sflag:s18] =	ssyncadd.s32 $0xFFFFE0C0  }
0x5f: {  	[spmem:s4] =	stream.indirect.scatter.add.f32 [tilespmem:s31], [sflag:$0x5], $0x10, s9, s22, $0xb8;
	[tilespmem:$0x1C1D0] =	vst v63  }
0x60: {  	_ =	swait.ge [sflag:s18], $0x7D0  }
0x61: {  	[sflag:s18] =	ssyncset.done $0x0  }
0x62: {  	s7 =	simm.s32 $0x200;
	[sflag:s18] =	ssyncadd.s32 $0xFFFFF830  }
0x63: {  	[tilespmem:s20], [sflag:$0x1] =	stream.indirect.gather [hbm4b:s1+s22], $0x40, s7, s22, $0xb8;
	[tilespmem:$0x1C1D0] =	vst v63  }
0x64: {  	_ =	swait.ge [sflag:s2], $0x1F40  }
0x65: {  	[sflag:s2] =	ssyncset.done $0x0  }
0x66: {  	s9 =	simm.s32 $0x2880;
	[sflag:s2] =	ssyncadd.s32 $0xFFFFE0C0  }
0x67: {  	[spmem:s3] =	stream.indirect.scatter.add.bf16 [tilespmem:s24], [sflag:$0x5], $0x40, s9, s22, $0xb8;
	[tilespmem:$0x1C1D0] =	vst v63  }
0x68: {  	_ =	swait.ge [sflag:s18], $0x1F40  }
0x69: {  	[sflag:s18] =	ssyncset.done $0x0  }
0x6a: {  	[sflag:s18] =	ssyncadd.s32 $0xFFFFE0C0  }
0x6b: {  	[spmem:s4] =	stream.indirect.scatter.add.f32 [tilespmem:s31], [sflag:$0x5], $0x10, s9, s22, $0xb8;
	[tilespmem:$0x1C1D0] =	vst v63  }
0x6c: {  	_ =	swait.ge [sflag:s18], $0x7D0  }
0x6d: {  	[sflag:s18] =	ssyncset.done $0x0  }
0x6e: {  	s7 =	simm.s32 $0x280;
	[sflag:s18] =	ssyncadd.s32 $0xFFFFF830  }
0x6f: {  	[tilespmem:s24], [sflag:$0x2] =	stream.indirect.gather [hbm4b:s1+s22], $0x40, s7, s22, $0xb8;
	[tilespmem:$0x1C1D0] =	vst v63  }
0x70: {  	_ =	swait.ge [sflag:s19], $0x1F40  }
0x71: {  	[sflag:s19] =	ssyncset.done $0x0  }
0x72: {  	s9 =	simm.s32 $0x2900;
	[sflag:s19] =	ssyncadd.s32 $0xFFFFE0C0  }
0x73: {  	[spmem:s3] =	stream.indirect.scatter.add.bf16 [tilespmem:s26], [sflag:$0x5], $0x40, s9, s22, $0xb8;
	[tilespmem:$0x1C1D0] =	vst v63  }
0x74: {  	_ =	swait.ge [sflag:s18], $0x1F40  }
0x75: {  	[sflag:s18] =	ssyncset.done $0x0  }
0x76: {  	[sflag:s18] =	ssyncadd.s32 $0xFFFFE0C0  }
0x77: {  	[spmem:s4] =	stream.indirect.scatter.add.f32 [tilespmem:s31], [sflag:$0x5], $0x10, s9, s22, $0xb8;
	[tilespmem:$0x1C1D0] =	vst v63  }
0x78: {  	_ =	swait.ge [sflag:s18], $0x7D0  }
0x79: {  	[sflag:s18] =	ssyncset.done $0x0  }
0x7a: {  	s7 =	simm.s32 $0x300;
	[sflag:s18] =	ssyncadd.s32 $0xFFFFF830  }
0x7b: {  	[tilespmem:s26], [sflag:$0x3] =	stream.indirect.gather [hbm4b:s1+s22], $0x40, s7, s22, $0xb8;
	[tilespmem:$0x1C1D0] =	vst v63  }
0x7c: {  	_ =	swait.ge [sflag:s21], $0x1F40  }
0x7d: {  	[sflag:s21] =	ssyncset.done $0x0  }
0x7e: {  	s9 =	simm.s32 $0x2980;
	[sflag:s21] =	ssyncadd.s32 $0xFFFFE0C0  }
0x7f: {  	[spmem:s3] =	stream.indirect.scatter.add.bf16 [tilespmem:s29], [sflag:$0x5], $0x40, s9, s22, $0xb8;
	[tilespmem:$0x1C1D0] =	vst v63  }
0x80: {  	_ =	swait.ge [sflag:s18], $0x1F40  }
0x81: {  	[sflag:s18] =	ssyncset.done $0x0  }
0x82: {  	[sflag:s18] =	ssyncadd.s32 $0xFFFFE0C0  }
0x83: {  	[spmem:s4] =	stream.indirect.scatter.add.f32 [tilespmem:s31], [sflag:$0x5], $0x10, s9, s22, $0xb8;
	[tilespmem:$0x1C1D0] =	vst v63  }
0x84: {  	_ =	swait.ge [sflag:s18], $0x7D0  }
0x85: {  	[sflag:s18] =	ssyncset.done $0x0  }
0x86: {  	s6 =	simm.s32 $0x800;
	s7 =	simm.s32 $0x380;
	[sflag:s18] =	ssyncadd.s32 $0xFFFFF830  }
.LBB2_8:
0x87: {  	[tilespmem:s29], [sflag:$0x4] =	stream.indirect.gather [hbm4b:s1+s22], $0x40, s7, s22, $0xb8;
	[tilespmem:$0x1C1D0] =	vst v63  }
0x88: {  	s7 =	smov.u32 s6  }
0x89: {  	p0 =	sne.s32 s6, $0x9000;
	s6 =	sadd.s32 $0x800, s6;
	_ =	swait.ge [sflag:s30], $0x1F40  }
0x8a: {  	s7 =	sshra.s32 s7, $0x2;
	[sflag:s30] =	ssyncset.done $0x0  }
0x8b: {  	s9 =	sadd.s32 $0x2800, s7;
	[sflag:s30] =	ssyncadd.s32 $0xFFFFE0C0  }
0x8c: {  	[spmem:s3] =	stream.indirect.scatter.add.bf16 [tilespmem:s20], [sflag:$0x5], $0x40, s9, s22, $0xb8;
	[tilespmem:$0x1C1D0] =	vst v63  }
0x8d: {  	_ =	swait.ge [sflag:s18], $0x1F40  }
0x8e: {  	[sflag:s18] =	ssyncset.done $0x0  }
0x8f: {  	[sflag:s18] =	ssyncadd.s32 $0xFFFFE0C0  }
0x90: {  	[spmem:s4] =	stream.indirect.scatter.add.f32 [tilespmem:s31], [sflag:$0x5], $0x10, s9, s22, $0xb8;
	[tilespmem:$0x1C1D0] =	vst v63  }
0x91: {  	_ =	swait.ge [sflag:s18], $0x7D0  }
0x92: {  	[sflag:s18] =	ssyncset.done $0x0  }
0x93: {  	s9 =	sadd.s32 $0x200, s7;
	[sflag:s18] =	ssyncadd.s32 $0xFFFFF830  }
0x94: {  	[tilespmem:s20], [sflag:$0x1] =	stream.indirect.gather [hbm4b:s1+s22], $0x40, s9, s22, $0xb8;
	[tilespmem:$0x1C1D0] =	vst v63  }
0x95: {  	_ =	swait.ge [sflag:s2], $0x1F40  }
0x96: {  	[sflag:s2] =	ssyncset.done $0x0  }
0x97: {  	s9 =	sadd.s32 $0x2880, s7;
	[sflag:s2] =	ssyncadd.s32 $0xFFFFE0C0  }
0x98: {  	[spmem:s3] =	stream.indirect.scatter.add.bf16 [tilespmem:s24], [sflag:$0x5], $0x40, s9, s22, $0xb8;
	[tilespmem:$0x1C1D0] =	vst v63  }
0x99: {  	_ =	swait.ge [sflag:s18], $0x1F40  }
0x9a: {  	[sflag:s18] =	ssyncset.done $0x0  }
0x9b: {  	[sflag:s18] =	ssyncadd.s32 $0xFFFFE0C0  }
0x9c: {  	[spmem:s4] =	stream.indirect.scatter.add.f32 [tilespmem:s31], [sflag:$0x5], $0x10, s9, s22, $0xb8;
	[tilespmem:$0x1C1D0] =	vst v63  }
0x9d: {  	_ =	swait.ge [sflag:s18], $0x7D0  }
0x9e: {  	[sflag:s18] =	ssyncset.done $0x0  }
0x9f: {  	s9 =	sadd.s32 $0x280, s7;
	[sflag:s18] =	ssyncadd.s32 $0xFFFFF830  }
0xa0: {  	[tilespmem:s24], [sflag:$0x2] =	stream.indirect.gather [hbm4b:s1+s22], $0x40, s9, s22, $0xb8;
	[tilespmem:$0x1C1D0] =	vst v63  }
0xa1: {  	_ =	swait.ge [sflag:s19], $0x1F40  }
0xa2: {  	[sflag:s19] =	ssyncset.done $0x0  }
0xa3: {  	s9 =	sadd.s32 $0x2900, s7;
	[sflag:s19] =	ssyncadd.s32 $0xFFFFE0C0  }
0xa4: {  	[spmem:s3] =	stream.indirect.scatter.add.bf16 [tilespmem:s26], [sflag:$0x5], $0x40, s9, s22, $0xb8;
	[tilespmem:$0x1C1D0] =	vst v63  }
0xa5: {  	_ =	swait.ge [sflag:s18], $0x1F40  }
0xa6: {  	[sflag:s18] =	ssyncset.done $0x0  }
0xa7: {  	[sflag:s18] =	ssyncadd.s32 $0xFFFFE0C0  }
0xa8: {  	[spmem:s4] =	stream.indirect.scatter.add.f32 [tilespmem:s31], [sflag:$0x5], $0x10, s9, s22, $0xb8;
	[tilespmem:$0x1C1D0] =	vst v63  }
0xa9: {  	_ =	swait.ge [sflag:s18], $0x7D0  }
0xaa: {  	[sflag:s18] =	ssyncset.done $0x0  }
0xab: {  	s9 =	sadd.s32 $0x300, s7;
	[sflag:s18] =	ssyncadd.s32 $0xFFFFF830  }
0xac: {  	[tilespmem:s26], [sflag:$0x3] =	stream.indirect.gather [hbm4b:s1+s22], $0x40, s9, s22, $0xb8;
	[tilespmem:$0x1C1D0] =	vst v63  }
0xad: {  	_ =	swait.ge [sflag:s21], $0x1F40  }
0xae: {  	[sflag:s21] =	ssyncset.done $0x0  }
0xaf: {  	s9 =	sadd.s32 $0x2980, s7;
	[sflag:s21] =	ssyncadd.s32 $0xFFFFE0C0  }
0xb0: {  	[spmem:s3] =	stream.indirect.scatter.add.bf16 [tilespmem:s29], [sflag:$0x5], $0x40, s9, s22, $0xb8;
	[tilespmem:$0x1C1D0] =	vst v63  }
0xb1: {  	_ =	swait.ge [sflag:s18], $0x1F40  }
0xb2: {  	[sflag:s18] =	ssyncset.done $0x0  }
.Ltmp3:
0xb3: {  	[sflag:s18] =	ssyncadd.s32 $0xFFFFE0C0;
	(pc) =	sbr.rel @p0 .LBB2_8-.Ltmp3, $4  }
0xb4: {  	[spmem:s4] =	stream.indirect.scatter.add.f32 [tilespmem:s31], [sflag:$0x5], $0x10, s9, s22, $0xb8;
	[tilespmem:$0x1C1D0] =	vst v63  }
0xb5: {  	_ =	swait.ge [sflag:s18], $0x7D0  }
0xb6: {  	[sflag:s18] =	ssyncset.done $0x0  }
0xb7: {  	s7 =	sadd.s32 $0x380, s7;
	[sflag:s18] =	ssyncadd.s32 $0xFFFFF830  }
0xb8: {  	[tilespmem:s29], [sflag:$0x4] =	stream.indirect.gather [hbm4b:s1+s22], $0x40, s7, s22, $0xb8;
	[tilespmem:$0x1C1D0] =	vst v63  }
0xb9: {  	_ =	swait.ge [sflag:s30], $0x1F40  }
0xba: {  	[sflag:s30] =	ssyncset.done $0x0  }
0xbb: {  	[sflag:s30] =	ssyncadd.s32 $0xFFFFE0C0  }
0xbc: {  	[spmem:s3] =	stream.indirect.scatter.add.bf16 [tilespmem:s20], [sflag:$0x5], $0x40, s23, s22, $0xb8;
	[tilespmem:$0x1C1D0] =	vst v63  }
0xbd: {  	_ =	swait.ge [sflag:s18], $0x1F40  }
0xbe: {  	[sflag:s18] =	ssyncset.done $0x0  }
0xbf: {  	[sflag:s18] =	ssyncadd.s32 $0xFFFFE0C0  }
0xc0: {  	[spmem:s4] =	stream.indirect.scatter.add.f32 [tilespmem:s31], [sflag:$0x5], $0x10, s23, s22, $0xb8;
	[tilespmem:$0x1C1D0] =	vst v63  }
0xc1: {  	_ =	swait.ge [sflag:s18], $0x7D0  }
0xc2: {  	[sflag:s18] =	ssyncset.done $0x0  }
0xc3: {  	[sflag:s18] =	ssyncadd.s32 $0xFFFFF830  }
0xc4: {  	_ =	swait.ge [sflag:s2], $0x1F40  }
0xc5: {  	[sflag:s2] =	ssyncset.done $0x0  }
0xc6: {  	[sflag:s2] =	ssyncadd.s32 $0xFFFFE0C0  }
0xc7: {  	[spmem:s3] =	stream.indirect.scatter.add.bf16 [tilespmem:s24], [sflag:$0x5], $0x40, s25, s22, $0xb8;
	[tilespmem:$0x1C1D0] =	vst v63  }
0xc8: {  	_ =	swait.ge [sflag:s18], $0x1F40  }
0xc9: {  	[sflag:s18] =	ssyncset.done $0x0  }
0xca: {  	[sflag:s18] =	ssyncadd.s32 $0xFFFFE0C0  }
0xcb: {  	[spmem:s4] =	stream.indirect.scatter.add.f32 [tilespmem:s31], [sflag:$0x5], $0x10, s25, s22, $0xb8;
	[tilespmem:$0x1C1D0] =	vst v63  }
0xcc: {  	_ =	swait.ge [sflag:s18], $0x7D0  }
0xcd: {  	[sflag:s18] =	ssyncset.done $0x0  }
0xce: {  	[sflag:s18] =	ssyncadd.s32 $0xFFFFF830  }
0xcf: {  	_ =	swait.ge [sflag:s19], $0x1F40  }
0xd0: {  	[sflag:s19] =	ssyncset.done $0x0  }
0xd1: {  	[sflag:s19] =	ssyncadd.s32 $0xFFFFE0C0  }
0xd2: {  	[spmem:s3] =	stream.indirect.scatter.add.bf16 [tilespmem:s26], [sflag:$0x5], $0x40, s0, s22, $0xb8;
	[tilespmem:$0x1C1D0] =	vst v63  }
0xd3: {  	_ =	swait.ge [sflag:s18], $0x1F40  }
0xd4: {  	[sflag:s18] =	ssyncset.done $0x0  }
0xd5: {  	[sflag:s18] =	ssyncadd.s32 $0xFFFFE0C0  }
0xd6: {  	[spmem:s4] =	stream.indirect.scatter.add.f32 [tilespmem:s31], [sflag:$0x5], $0x10, s0, s22, $0xb8;
	[tilespmem:$0x1C1D0] =	vst v63  }
0xd7: {  	_ =	swait.ge [sflag:s18], $0x7D0  }
0xd8: {  	[sflag:s18] =	ssyncset.done $0x0  }
0xd9: {  	[sflag:s18] =	ssyncadd.s32 $0xFFFFF830  }
0xda: {  	_ =	swait.ge [sflag:s21], $0x1F40  }
0xdb: {  	[sflag:s21] =	ssyncset.done $0x0  }
0xdc: {  	[sflag:s21] =	ssyncadd.s32 $0xFFFFE0C0  }
0xdd: {  	[spmem:s3] =	stream.indirect.scatter.add.bf16 [tilespmem:s29], [sflag:$0x5], $0x40, s28, s22, $0xb8;
	[tilespmem:$0x1C1D0] =	vst v63  }
0xde: {  	_ =	swait.ge [sflag:s18], $0x1F40  }
0xdf: {  	[sflag:s18] =	ssyncset.done $0x0  }
0xe0: {  	[sflag:s18] =	ssyncadd.s32 $0xFFFFE0C0  }
0xe1: {  	[spmem:s4] =	stream.indirect.scatter.add.f32 [tilespmem:s31], [sflag:$0x5], $0x10, s28, s22, $0xb8;
	[tilespmem:$0x1C1D0] =	vst v63  }
0xe2: {  	_ =	swait.ge [sflag:s18], $0x7D0  }
0xe3: {  	s6 =	stileid.u32;
	[sflag:s18] =	ssyncset.done $0x0  }
0xe4: {  	s6 =	sshll.u32 s6, $0x6;
	[sflag:s18] =	ssyncadd.s32 $0xFFFFF830  }
0xe5: {  	s9 =	sshrl.u32 s8, $0x3;
	s6 =	sor.u32 $0x1C05, s6;
	[bflag:$0x0] =	sbarrier.arrive $0xFFFF  }
0xe6: {  	[hbm:s15], [sflag:s6] =	dma.local [spmem:s9], $0x13C0  }
0xe7: {  	s5 =	sadd.s32 $0x1, s5;
	_ =	swait.ge [sflag:s18], $0x13C0  }
0xe8: {  	p0 =	sne.s32 s5, s17;
	[sflag:s18] =	ssyncset.done $0x0  }
.Ltmp4:
0xe9: {  	s9 =	sshrl.u32 s14, $0x3;
	[sflag:s18] =	ssyncadd.s32 $0xFFFFEC40;
	(pc) =	sbr.rel @p0 .LBB2_1-.Ltmp4, $4  }
0xea: {  	[hbm:s16], [sflag:s6] =	dma.local [spmem:s9], $0x4F0  }
0xeb: {  	_ =	swait.ge [sflag:s18], $0x4F0  }
0xec: {  	[sflag:s18] =	ssyncset.done $0x0  }
0xed: {  	[sflag:s18] =	ssyncadd.s32 $0xFFFFFB10  }
0xee: {  	_ =	sfence.sel $0x180000  }
0xef: {  	[bflag:$0x0] =	sbarrier.arrive $0xFFFF  }
0xf0: {  	_ =	strace $0x90000047  }
0xf1: {  	s0 =	stileid.u32;
	[bflag:$0x2] =	sbarrier.arrive $0xFFFF  }
0xf2: {  	p0 =	sne.s32 s0, $0x0;
	s0 =	rddreg [dreg:$0x4]  }
0xf3: {  	s0 =	sadd.s32 @!p0 $0x100000, s0  }
0xf4: {  	[sflag:s0] =	ssyncadd.tile.s32 @!p0 $0x1;
	_ =	shalt  }
.Lfunc_end2:
_tile_overlayer_lowered:
.L_overlay_start_2:
0xf5: {  	(tag) =	ssettag $0x2  }
0xf6: {  	s0 =	rddreg [dreg:$0x0];
	s2 =	stileid.u32  }
0xf7: {  	s1 =	rddreg [dreg:$0x1];
	p0 =	sne.s32 s2, $0x0  }
0xf8: {  	s3 =	rddreg [dreg:$0x2];
	[bflag:$0x3] =	sbarrier.arrive $0xFFFF;
	s2 =	simm.s32 @!p0 $0x1C05  }
0xf9: {  	[timem:s3], [sflag:s2] =	dma.local @!p0 [hbm:s0], s1  }
0xfa: {  	s0 =	simm.s32 @!p0 $0x5  }
0xfb: {  	_ =	swait.ge @!p0 [sflag:s0], s1  }
0xfc: {  	s1 =	ssub.s32 @!p0 $0x0, s1;
	[sflag:s0] =	ssyncset.done @!p0 $0x0  }
0xfd: {  	[sflag:s0] =	ssyncadd.s32 @!p0 s1  }
0xfe: {  	[bflag:$0x3] =	sbarrier.arrive $0xFFFF  }
0xff: {  	_ =	shalt  }

</sc_bundles>
